<compile_context>
chip_gen: v7x
topology: tpu7x:2x2x1
jax: 0.10.2.dev20260603
libtpu: 0.0.44.dev20260713+nightly
codegen_flags: <defaults>
</compile_context>

<pallas_src>
import functools

import jax
import jax.numpy as jnp
from jax import lax
from jax.experimental import pallas as pl
from jax.experimental.pallas import tpu as pltpu
from jax.experimental.pallas import tpu_sc as plsc

E_BLOCK = 8000
N_BLOCK = 2000
K_CH = 2

SC_CORES = 2
SC_SUBCORES = 16
NW = SC_CORES * SC_SUBCORES
S_BATCH = 125
S_PAD = 128
S_K = 4
CHUNK = S_BATCH * S_K


def _bdot(x, w):
    return jnp.dot(x, w, preferred_element_type=jnp.float32)


def _edge_body(x_ref, w0, b0, w1, b1, w2, b2, w3, b3, w4, b4, out_ref):
    x = x_ref[...]
    x = jnp.maximum(_bdot(x, w0[...]) + b0[...], 0.0)
    x = jnp.maximum(_bdot(x, w1[...]) + b1[...], 0.0)
    x = jnp.maximum(_bdot(x, w2[...]) + b2[...], 0.0)
    x = jnp.maximum(_bdot(x, w3[...]) + b3[...], 0.0)
    out_ref[:, 0:16] = _bdot(x, w4[...]) + b4[...]


def _full_spec(shape):
    return pl.BlockSpec(shape, lambda i: (0,) * len(shape))


def _edge_mlp_chunk(x, Ws, bs, e_ch, block_off):
    fin = x.shape[1]
    fout = Ws[-1].shape[1]
    specs = [pl.BlockSpec((E_BLOCK, fin), lambda i: (i + block_off, 0))]
    args = [x]
    for w, b in zip(Ws, bs):
        specs.append(_full_spec(w.shape))
        args.append(w)
        b2 = b.reshape(1, -1)
        specs.append(_full_spec(b2.shape))
        args.append(b2)
    return pl.pallas_call(
        _edge_body,
        grid=(e_ch // E_BLOCK,),
        in_specs=specs,
        out_specs=pl.BlockSpec((E_BLOCK, 128), lambda i: (i, 0)),
        out_shape=jax.ShapeDtypeStruct((e_ch, 128), jnp.float32),
    )(*args)


def _node_mlp(dyn, parts, Ws, bs):
    n, fdyn = dyn.shape
    fagg = 16
    fout = Ws[-1].shape[1]
    w0a = Ws[0][:fdyn]
    w0b = Ws[0][fdyn:]
    nparts = len(parts)

    def body(*refs):
        dyn_ref = refs[0]
        prefs = refs[1:1 + nparts]
        (w0a_r, w0b_r, b0_r, w1_r, b1_r, w2_r, b2_r, w3_r, b3_r, w4_r,
         b4_r) = refs[1 + nparts:-1]
        out_ref = refs[-1]
        p = prefs[0][:, 0:fagg]
        for pr in prefs[1:]:
            p = p + pr[:, 0:fagg]
        h = _bdot(dyn_ref[...], w0a_r[...]) + _bdot(p, w0b_r[...])
        h = jnp.maximum(h + b0_r[...], 0.0)
        h = jnp.maximum(_bdot(h, w1_r[...]) + b1_r[...], 0.0)
        h = jnp.maximum(_bdot(h, w2_r[...]) + b2_r[...], 0.0)
        h = jnp.maximum(_bdot(h, w3_r[...]) + b3_r[...], 0.0)
        out_ref[...] = _bdot(h, w4_r[...]) + b4_r[...]

    specs = [pl.BlockSpec((N_BLOCK, fdyn), lambda i: (i, 0))]
    args = [dyn]
    for p in parts:
        specs.append(pl.BlockSpec((N_BLOCK, 128), lambda i: (i, 0)))
        args.append(p)
    specs += [_full_spec(w0a.shape), _full_spec(w0b.shape)]
    args += [w0a, w0b]
    b2 = bs[0].reshape(1, -1)
    specs.append(_full_spec(b2.shape))
    args.append(b2)
    for w, b in zip(Ws[1:], bs[1:]):
        specs.append(_full_spec(w.shape))
        args.append(w)
        b2 = b.reshape(1, -1)
        specs.append(_full_spec(b2.shape))
        args.append(b2)
    return pl.pallas_call(
        body,
        grid=(n // N_BLOCK,),
        in_specs=specs,
        out_specs=pl.BlockSpec((N_BLOCK, fout), lambda i: (i, 0)),
        out_shape=jax.ShapeDtypeStruct((n, fout), jnp.float32),
    )(*args)


def _sc_scatter(msg, recv2, n, row_off):
    e_ch = msg.shape[0]
    rounds = e_ch // (NW * CHUNK)
    assert rounds % 2 == 0 and rounds >= 4
    rows_per_worker = rounds * S_K
    align = 8 * SC_SUBCORES
    n_pad = ((n + align - 1) // align) * align
    stripe = n_pad // SC_SUBCORES

    zstripe = jnp.zeros((stripe, 16), jnp.float32)
    mesh = plsc.VectorSubcoreMesh(core_axis_name="c", subcore_axis_name="s")

    @functools.partial(
        pl.kernel,
        mesh=mesh,
        out_type=jax.ShapeDtypeStruct((SC_CORES, n_pad, 128), jnp.float32),
        scratch_types=[
            pltpu.VMEM((2, S_K * S_PAD), jnp.int32),
            pltpu.VMEM((2, CHUNK + (S_PAD - S_BATCH), 16), jnp.float32),
            pltpu.VMEM_SHARED((n_pad, 16), jnp.float32),
            pltpu.SemaphoreType.DMA,
            pltpu.SemaphoreType.DMA,
            pltpu.SemaphoreType.DMA,
            pltpu.SemaphoreType.DMA,
        ],
        compiler_params=pltpu.CompilerParams(use_tc_tiling_on_sc=False),
    )
    def k(msg_hbm, recv_hbm, z_hbm, out_hbm, idx_v, msg_v, agg_sh,
          si0, sm0, si1, sm1):
        c = lax.axis_index("c")
        s = lax.axis_index("s")
        w = s * SC_CORES + c
        base = w * rows_per_worker
        sems = ((si0, sm0), (si1, sm1))

        def issue(rr, p):
            r0 = base + rr * S_K
            pltpu.async_copy(
                recv_hbm.at[pl.ds((row_off + r0) * S_PAD, S_K * S_PAD)],
                idx_v.at[p], sems[p][0])
            pltpu.async_copy(msg_hbm.at[pl.ds(r0 * S_BATCH, CHUNK), pl.ds(0, 16)],
                             msg_v.at[p, pl.ds(0, CHUNK)], sems[p][1])

        def wait(p):
            pltpu.make_async_copy(recv_hbm.at[pl.ds(0, S_K * S_PAD)],
                                  idx_v.at[p], sems[p][0]).wait()
            pltpu.make_async_copy(msg_hbm.at[pl.ds(0, CHUNK), pl.ds(0, 16)],
                                  msg_v.at[p, pl.ds(0, CHUNK)],
                                  sems[p][1]).wait()

        def scatter(p):
            for j in range(S_K):
                pltpu.sync_copy(
                    msg_v.at[p, pl.ds(j * S_BATCH, S_PAD)],
                    agg_sh.at[idx_v.at[p, pl.ds(j * S_PAD, S_PAD)]],
                    add=True,
                )

        pltpu.sync_copy(z_hbm, agg_sh.at[pl.ds(s * stripe, stripe)])
        plsc.subcore_barrier()

        issue(0, 0)
        issue(1, 1)

        @pl.loop(0, rounds - 2, step=2)
        def _(r):
            wait(0)
            scatter(0)
            issue(r + 2, 0)
            wait(1)
            scatter(1)
            issue(r + 3, 1)

        wait(0)
        scatter(0)
        wait(1)
        scatter(1)

        plsc.subcore_barrier()
        pltpu.sync_copy(agg_sh.at[pl.ds(s * stripe, stripe)],
                        out_hbm.at[c, pl.ds(s * stripe, stripe), pl.ds(0, 16)])

    return k(msg, recv2, zstripe)


def kernel(dyn, rel, send, recv,
           frel_W0, frel_b0, frel_W1, frel_b1, frel_W2, frel_b2, frel_W3,
           frel_b3, frel_W4, frel_b4,
           fdyn_W0, fdyn_b0, fdyn_W1, fdyn_b1, fdyn_W2, fdyn_b2, fdyn_W3,
           fdyn_b3, fdyn_W4, fdyn_b4):
    frel_Ws = [frel_W0, frel_W1, frel_W2, frel_W3, frel_W4]
    frel_bs = [frel_b0, frel_b1, frel_b2, frel_b3, frel_b4]
    fdyn_Ws = [fdyn_W0, fdyn_W1, fdyn_W2, fdyn_W3, fdyn_W4]
    fdyn_bs = [fdyn_b0, fdyn_b1, fdyn_b2, fdyn_b3, fdyn_b4]
    b, n, _ = dyn.shape
    e = rel.shape[1]
    e_ch = e // K_CH

    rel2 = rel.reshape(e, rel.shape[-1])
    align = 8 * SC_SUBCORES
    n_pad = ((n + align - 1) // align) * align
    recv2 = jnp.concatenate(
        [recv.reshape(e // S_BATCH, S_BATCH),
         jnp.full((e // S_BATCH, S_PAD - S_BATCH), n_pad - 1, jnp.int32)],
        axis=1).reshape(-1)

    parts = []
    for kc in range(K_CH):
        msg_k = _edge_mlp_chunk(rel2, frel_Ws, frel_bs, e_ch,
                                kc * (e_ch // E_BLOCK))
        pk = _sc_scatter(msg_k, recv2, n, kc * (e_ch // S_BATCH))
        parts += [pk[0], pk[1]]

    out = _node_mlp(dyn.reshape(n, dyn.shape[-1]), parts, fdyn_Ws, fdyn_bs)
    return out.reshape(b, n, out.shape[-1])

# --- scband reference (transcript-rebuilt; emitter-appended) ---
"""Pipeline reference for scband-sain-39779987096137 (READ-ONLY COPY).

The authoritative reference and input builder live on the scoring server;
editing this copy changes nothing except your own understanding.
"""

import jax, jax.numpy as jnp
import numpy as np

B, N, E = 1, 100000, 3200000
DYN_IN, REL_IN, DELTA = 14, 16, 6
FREL_DIMS = [REL_IN, 128, 64, 32, 16, 16]
FDYN_DIMS = [DYN_IN + 16, 128, 64, 32, 16, DELTA]


def setup_inputs(seed: int = 0) -> dict:
    key = jax.random.key(seed)
    ks = jax.random.split(key, 32)
    inp = {}
    inp["dyn"] = jax.random.normal(ks[0], (B, N, DYN_IN), dtype=jnp.float32)
    inp["rel"] = jax.random.normal(ks[1], (B, E, REL_IN), dtype=jnp.float32)
    inp["send"] = jax.random.randint(ks[2], (E,), 0, N, dtype=jnp.int32)
    inp["recv"] = jax.random.randint(ks[3], (E,), 0, N, dtype=jnp.int32)
    kidx = 4
    for name, dims in (("frel", FREL_DIMS), ("fdyn", FDYN_DIMS)):
        for i in range(5):
            scale = 1.0 / np.sqrt(dims[i])
            inp[f"{name}_W{i}"] = jax.random.normal(ks[kidx], (dims[i], dims[i + 1]), dtype=jnp.float32) * scale
            kidx += 1
            inp[f"{name}_b{i}"] = jnp.zeros((dims[i + 1],), dtype=jnp.float32)
    return inp


def _mlp(x, Ws, bs):
    for i in range(4):
        x = jax.nn.relu(x @ Ws[i] + bs[i])
    return x @ Ws[4] + bs[4]


def reference(dyn, rel, send, recv,
              frel_W0, frel_b0, frel_W1, frel_b1, frel_W2, frel_b2, frel_W3, frel_b3, frel_W4, frel_b4,
              fdyn_W0, fdyn_b0, fdyn_W1, fdyn_b1, fdyn_W2, fdyn_b2, fdyn_W3, fdyn_b3, fdyn_W4, fdyn_b4):
    frel_Ws = [frel_W0, frel_W1, frel_W2, frel_W3, frel_W4]
    frel_bs = [frel_b0, frel_b1, frel_b2, frel_b3, frel_b4]
    fdyn_Ws = [fdyn_W0, fdyn_W1, fdyn_W2, fdyn_W3, fdyn_W4]
    fdyn_bs = [fdyn_b0, fdyn_b1, fdyn_b2, fdyn_b3, fdyn_b4]
    b, n, _ = dyn.shape
    e = rel.shape[1]
    msg = _mlp(rel.reshape(-1, rel.shape[-1]), frel_Ws, frel_bs).reshape(b, e, 16)
    agg = jnp.zeros((b, n, 16), dtype=dyn.dtype).at[:, recv, :].add(msg)
    return _mlp(jnp.concatenate([dyn, agg], axis=-1), fdyn_Ws, fdyn_bs)

if __name__ == "__main__":
    import jax
    _d = setup_inputs()
    print(jax.jit(kernel)(*tuple(_d.values())))

</pallas_src>

<mosaic_0001>
#map = affine_map<(d0, d1) -> (0, 0)>
#map1 = affine_map<(d0, d1) -> (0)>
#map2 = affine_map<(d0, d1) -> (0, 0, 0)>
module attributes {stable_mosaic.version = 14 : i64} {
  func.func @k(%arg0: i32, %arg1: i32, %arg2: memref<1600000x128xf32, #tpu.memory_space<hbm>>, %arg3: memref<3276800xi32, #tpu.memory_space<hbm>>, %arg4: memref<6256x16xf32, #tpu.memory_space<hbm>>, %arg5: memref<2x100096x128xf32, #tpu.memory_space<hbm>>, %arg6: memref<2x512xi32, #tpu.memory_space<vmem>>, %arg7: memref<2x503x16xf32, #tpu.memory_space<vmem>>, %arg8: memref<100096x16xf32, #tpu.memory_space<vmem_shared>>, %arg9: memref<!tpu.dma_semaphore, #tpu.memory_space<semaphore_mem>>, %arg10: memref<!tpu.dma_semaphore, #tpu.memory_space<semaphore_mem>>, %arg11: memref<!tpu.dma_semaphore, #tpu.memory_space<semaphore_mem>>, %arg12: memref<!tpu.dma_semaphore, #tpu.memory_space<semaphore_mem>>) attributes {dimension_semantics = [#tpu.dimension_semantics<core_parallel>, #tpu.dimension_semantics<subcore_parallel>], iteration_bounds = array<i64: 2, 16>, scalar_prefetch = 0 : i64, scratch_operands = 7 : i64, tpu.core_type = #tpu.core_type<sc_vector_subcore>, window_params = [{transform_indices = #map}, {transform_indices = #map1}, {transform_indices = #map}, {transform_indices = #map2}]} {
    %mul3A = arith.constant 2 : i32
    %mul3A_0 = arith.muli %arg1, %mul3A : i32
    %add3A = arith.addi %mul3A_0, %arg0 : i32
    %mul3A_1 = arith.constant 400 : i32
    %mul3A_2 = arith.muli %add3A, %mul3A_1 : i32
    %mul3A_3 = arith.constant 6256 : i32
    %mul3A_4 = arith.muli %arg1, %mul3A_3 : i32
    "tpu.region"() ({
      %run_scoped3A_139 = tpu.sem_alloc : memref<!tpu.dma_semaphore, #tpu.memory_space<semaphore_mem>>
      %dma_start3A_140 = arith.constant 0 : i32
      %dma_start3A_141 = tpu.memref_slice %arg8[%mul3A_4, %dma_start3A_140] : memref<100096x16xf32, #tpu.memory_space<vmem_shared>> -> memref<6256x16xf32, #tpu.memory_space<vmem_shared>>
      tpu.enqueue_dma source(%arg4 : memref<6256x16xf32, #tpu.memory_space<hbm>>) target(%dma_start3A_141 : memref<6256x16xf32, #tpu.memory_space<vmem_shared>>) target_semaphore(%run_scoped3A_139 : memref<!tpu.dma_semaphore, #tpu.memory_space<semaphore_mem>>)
      %dma_wait3A_142 = arith.constant 0 : i32
      %dma_wait3A_143 = tpu.memref_slice %arg8[%mul3A_4, %dma_wait3A_142] : memref<100096x16xf32, #tpu.memory_space<vmem_shared>> -> memref<6256x16xf32, #tpu.memory_space<vmem_shared>>
      tpu.wait_dma2 semaphore(%run_scoped3A_139 : memref<!tpu.dma_semaphore, #tpu.memory_space<semaphore_mem>>) src(%arg4 : memref<6256x16xf32, #tpu.memory_space<hbm>>) dst(%dma_wait3A_143 : memref<6256x16xf32, #tpu.memory_space<vmem_shared>>)
      tpu.yield
    }) : () -> ()
    %barrier3A = arith.constant 0 : index
    tpu.barrier barrier_id(%barrier3A)
    %add3A_5 = arith.constant 0 : i32
    %add3A_6 = arith.addi %mul3A_2, %add3A_5 : i32
    %add3A_7 = arith.constant 0 : i32
    %add3A_8 = arith.addi %add3A_7, %add3A_6 : i32
    %mul3A_9 = arith.constant 128 : i32
    %mul3A_10 = arith.muli %add3A_8, %mul3A_9 : i32
    %dma_start3A = arith.constant 0 : i32
    %dma_start3A_11 = arith.constant 0 : i32
    %dma_start3A_12 = tpu.memref_slice %arg6[%dma_start3A, %dma_start3A_11] : memref<2x512xi32, #tpu.memory_space<vmem>> -> memref<1x512xi32, #tpu.memory_space<vmem>>
    %dma_start3A_13 = tpu.memref_squeeze %dma_start3A_12 : memref<1x512xi32, #tpu.memory_space<vmem>> -> memref<512xi32, #tpu.memory_space<vmem>>
    %dma_start3A_14 = tpu.memref_slice %arg3[%mul3A_10] : memref<3276800xi32, #tpu.memory_space<hbm>> -> memref<512xi32, #tpu.memory_space<hbm>>
    %dma_start3A_15 = arith.constant 0 : i32
    %dma_start3A_16 = tpu.memref_slice %arg6[%dma_start3A, %dma_start3A_15] : memref<2x512xi32, #tpu.memory_space<vmem>> -> memref<1x512xi32, #tpu.memory_space<vmem>>
    %dma_start3A_17 = tpu.memref_squeeze %dma_start3A_16 : memref<1x512xi32, #tpu.memory_space<vmem>> -> memref<512xi32, #tpu.memory_space<vmem>>
    %dma_start3A_18 = tpu.memref_slice %arg3[%mul3A_10] : memref<3276800xi32, #tpu.memory_space<hbm>> -> memref<512xi32, #tpu.memory_space<hbm>>
    tpu.enqueue_dma source(%dma_start3A_18 : memref<512xi32, #tpu.memory_space<hbm>>) target(%dma_start3A_17 : memref<512xi32, #tpu.memory_space<vmem>>) target_semaphore(%arg9 : memref<!tpu.dma_semaphore, #tpu.memory_space<semaphore_mem>>)
    %mul3A_19 = arith.constant 125 : i32
    %mul3A_20 = arith.muli %add3A_6, %mul3A_19 : i32
    %dma_start3A_21 = arith.constant 0 : i32
    %dma_start3A_22 = arith.constant 0 : i32
    %dma_start3A_23 = arith.constant 0 : i32
    %dma_start3A_24 = tpu.memref_slice %arg7[%dma_start3A_21, %dma_start3A_22, %dma_start3A_23] : memref<2x503x16xf32, #tpu.memory_space<vmem>> -> memref<1x500x16xf32, #tpu.memory_space<vmem>>
    %dma_start3A_25 = tpu.memref_squeeze %dma_start3A_24 : memref<1x500x16xf32, #tpu.memory_space<vmem>> -> memref<500x16xf32, #tpu.memory_space<vmem>>
    %dma_start3A_26 = arith.constant 0 : i32
    %dma_start3A_27 = tpu.memref_slice %arg2[%mul3A_20, %dma_start3A_26] : memref<1600000x128xf32, #tpu.memory_space<hbm>> -> memref<500x16xf32, #tpu.memory_space<hbm>>
    %dma_start3A_28 = arith.constant 0 : i32
    %dma_start3A_29 = arith.constant 0 : i32
    %dma_start3A_30 = tpu.memref_slice %arg7[%dma_start3A_21, %dma_start3A_28, %dma_start3A_29] : memref<2x503x16xf32, #tpu.memory_space<vmem>> -> memref<1x500x16xf32, #tpu.memory_space<vmem>>
    %dma_start3A_31 = tpu.memref_squeeze %dma_start3A_30 : memref<1x500x16xf32, #tpu.memory_space<vmem>> -> memref<500x16xf32, #tpu.memory_space<vmem>>
    %dma_start3A_32 = arith.constant 0 : i32
    %dma_start3A_33 = tpu.memref_slice %arg2[%mul3A_20, %dma_start3A_32] : memref<1600000x128xf32, #tpu.memory_space<hbm>> -> memref<500x16xf32, #tpu.memory_space<hbm>>
    tpu.enqueue_dma source(%dma_start3A_33 : memref<500x16xf32, #tpu.memory_space<hbm>>) target(%dma_start3A_31 : memref<500x16xf32, #tpu.memory_space<vmem>>) target_semaphore(%arg10 : memref<!tpu.dma_semaphore, #tpu.memory_space<semaphore_mem>>)
    %add3A_34 = arith.constant 4 : i32
    %add3A_35 = arith.addi %mul3A_2, %add3A_34 : i32
    %add3A_36 = arith.constant 0 : i32
    %add3A_37 = arith.addi %add3A_36, %add3A_35 : i32
    %mul3A_38 = arith.constant 128 : i32
    %mul3A_39 = arith.muli %add3A_37, %mul3A_38 : i32
    %dma_start3A_40 = arith.constant 1 : i32
    %dma_start3A_41 = arith.constant 0 : i32
    %dma_start3A_42 = tpu.memref_slice %arg6[%dma_start3A_40, %dma_start3A_41] : memref<2x512xi32, #tpu.memory_space<vmem>> -> memref<1x512xi32, #tpu.memory_space<vmem>>
    %dma_start3A_43 = tpu.memref_squeeze %dma_start3A_42 : memref<1x512xi32, #tpu.memory_space<vmem>> -> memref<512xi32, #tpu.memory_space<vmem>>
    %dma_start3A_44 = tpu.memref_slice %arg3[%mul3A_39] : memref<3276800xi32, #tpu.memory_space<hbm>> -> memref<512xi32, #tpu.memory_space<hbm>>
    %dma_start3A_45 = arith.constant 0 : i32
    %dma_start3A_46 = tpu.memref_slice %arg6[%dma_start3A_40, %dma_start3A_45] : memref<2x512xi32, #tpu.memory_space<vmem>> -> memref<1x512xi32, #tpu.memory_space<vmem>>
    %dma_start3A_47 = tpu.memref_squeeze %dma_start3A_46 : memref<1x512xi32, #tpu.memory_space<vmem>> -> memref<512xi32, #tpu.memory_space<vmem>>
    %dma_start3A_48 = tpu.memref_slice %arg3[%mul3A_39] : memref<3276800xi32, #tpu.memory_space<hbm>> -> memref<512xi32, #tpu.memory_space<hbm>>
    tpu.enqueue_dma source(%dma_start3A_48 : memref<512xi32, #tpu.memory_space<hbm>>) target(%dma_start3A_47 : memref<512xi32, #tpu.memory_space<vmem>>) target_semaphore(%arg11 : memref<!tpu.dma_semaphore, #tpu.memory_space<semaphore_mem>>)
    %mul3A_49 = arith.constant 125 : i32
    %mul3A_50 = arith.muli %add3A_35, %mul3A_49 : i32
    %dma_start3A_51 = arith.constant 1 : i32
    %dma_start3A_52 = arith.constant 0 : i32
    %dma_start3A_53 = arith.constant 0 : i32
    %dma_start3A_54 = tpu.memref_slice %arg7[%dma_start3A_51, %dma_start3A_52, %dma_start3A_53] : memref<2x503x16xf32, #tpu.memory_space<vmem>> -> memref<1x500x16xf32, #tpu.memory_space<vmem>>
    %dma_start3A_55 = tpu.memref_squeeze %dma_start3A_54 : memref<1x500x16xf32, #tpu.memory_space<vmem>> -> memref<500x16xf32, #tpu.memory_space<vmem>>
    %dma_start3A_56 = arith.constant 0 : i32
    %dma_start3A_57 = tpu.memref_slice %arg2[%mul3A_50, %dma_start3A_56] : memref<1600000x128xf32, #tpu.memory_space<hbm>> -> memref<500x16xf32, #tpu.memory_space<hbm>>
    %dma_start3A_58 = arith.constant 0 : i32
    %dma_start3A_59 = arith.constant 0 : i32
    %dma_start3A_60 = tpu.memref_slice %arg7[%dma_start3A_51, %dma_start3A_58, %dma_start3A_59] : memref<2x503x16xf32, #tpu.memory_space<vmem>> -> memref<1x500x16xf32, #tpu.memory_space<vmem>>
    %dma_start3A_61 = tpu.memref_squeeze %dma_start3A_60 : memref<1x500x16xf32, #tpu.memory_space<vmem>> -> memref<500x16xf32, #tpu.memory_space<vmem>>
    %dma_start3A_62 = arith.constant 0 : i32
    %dma_start3A_63 = tpu.memref_slice %arg2[%mul3A_50, %dma_start3A_62] : memref<1600000x128xf32, #tpu.memory_space<hbm>> -> memref<500x16xf32, #tpu.memory_space<hbm>>
    tpu.enqueue_dma source(%dma_start3A_63 : memref<500x16xf32, #tpu.memory_space<hbm>>) target(%dma_start3A_61 : memref<500x16xf32, #tpu.memory_space<vmem>>) target_semaphore(%arg12 : memref<!tpu.dma_semaphore, #tpu.memory_space<semaphore_mem>>)
    %scan3A = arith.constant 0 : i32
    %scan3A_64 = arith.constant 49 : i32
    %scan3A_65 = arith.addi %scan3A, %scan3A_64 : i32
    %scan3A_66 = arith.constant 1 : i32
    scf.for %scan3A_139 = %scan3A to %scan3A_65 step %scan3A_66  : i32 {
      %mul3A_140 = arith.constant 2 : i32
      %mul3A_141 = arith.muli %scan3A_139, %mul3A_140 : i32
      %add3A_142 = arith.constant 0 : i32
      %add3A_143 = arith.addi %add3A_142, %mul3A_141 : i32
      %dma_wait3A_144 = arith.constant 0 : i32
      %dma_wait3A_145 = arith.constant 0 : i32
      %dma_wait3A_146 = tpu.memref_slice %arg6[%dma_wait3A_144, %dma_wait3A_145] : memref<2x512xi32, #tpu.memory_space<vmem>> -> memref<1x512xi32, #tpu.memory_space<vmem>>
      %dma_wait3A_147 = tpu.memref_squeeze %dma_wait3A_146 : memref<1x512xi32, #tpu.memory_space<vmem>> -> memref<512xi32, #tpu.memory_space<vmem>>
      %dma_wait3A_148 = arith.constant 0 : i32
      %dma_wait3A_149 = tpu.memref_slice %arg3[%dma_wait3A_148] : memref<3276800xi32, #tpu.memory_space<hbm>> -> memref<512xi32, #tpu.memory_space<hbm>>
      %dma_wait3A_150 = arith.constant 0 : i32
      %dma_wait3A_151 = tpu.memref_slice %arg6[%dma_wait3A_144, %dma_wait3A_150] : memref<2x512xi32, #tpu.memory_space<vmem>> -> memref<1x512xi32, #tpu.memory_space<vmem>>
      %dma_wait3A_152 = tpu.memref_squeeze %dma_wait3A_151 : memref<1x512xi32, #tpu.memory_space<vmem>> -> memref<512xi32, #tpu.memory_space<vmem>>
      %dma_wait3A_153 = arith.constant 0 : i32
      %dma_wait3A_154 = tpu.memref_slice %arg3[%dma_wait3A_153] : memref<3276800xi32, #tpu.memory_space<hbm>> -> memref<512xi32, #tpu.memory_space<hbm>>
      tpu.wait_dma2 semaphore(%arg9 : memref<!tpu.dma_semaphore, #tpu.memory_space<semaphore_mem>>) src(%dma_wait3A_154 : memref<512xi32, #tpu.memory_space<hbm>>) dst(%dma_wait3A_152 : memref<512xi32, #tpu.memory_space<vmem>>)
      %dma_wait3A_155 = arith.constant 0 : i32
      %dma_wait3A_156 = arith.constant 0 : i32
      %dma_wait3A_157 = arith.constant 0 : i32
      %dma_wait3A_158 = tpu.memref_slice %arg7[%dma_wait3A_155, %dma_wait3A_156, %dma_wait3A_157] : memref<2x503x16xf32, #tpu.memory_space<vmem>> -> memref<1x500x16xf32, #tpu.memory_space<vmem>>
      %dma_wait3A_159 = tpu.memref_squeeze %dma_wait3A_158 : memref<1x500x16xf32, #tpu.memory_space<vmem>> -> memref<500x16xf32, #tpu.memory_space<vmem>>
      %dma_wait3A_160 = arith.constant 0 : i32
      %dma_wait3A_161 = arith.constant 0 : i32
      %dma_wait3A_162 = tpu.memref_slice %arg2[%dma_wait3A_160, %dma_wait3A_161] : memref<1600000x128xf32, #tpu.memory_space<hbm>> -> memref<500x16xf32, #tpu.memory_space<hbm>>
      %dma_wait3A_163 = arith.constant 0 : i32
      %dma_wait3A_164 = arith.constant 0 : i32
      %dma_wait3A_165 = tpu.memref_slice %arg7[%dma_wait3A_155, %dma_wait3A_163, %dma_wait3A_164] : memref<2x503x16xf32, #tpu.memory_space<vmem>> -> memref<1x500x16xf32, #tpu.memory_space<vmem>>
      %dma_wait3A_166 = tpu.memref_squeeze %dma_wait3A_165 : memref<1x500x16xf32, #tpu.memory_space<vmem>> -> memref<500x16xf32, #tpu.memory_space<vmem>>
      %dma_wait3A_167 = arith.constant 0 : i32
      %dma_wait3A_168 = arith.constant 0 : i32
      %dma_wait3A_169 = tpu.memref_slice %arg2[%dma_wait3A_167, %dma_wait3A_168] : memref<1600000x128xf32, #tpu.memory_space<hbm>> -> memref<500x16xf32, #tpu.memory_space<hbm>>
      tpu.wait_dma2 semaphore(%arg10 : memref<!tpu.dma_semaphore, #tpu.memory_space<semaphore_mem>>) src(%dma_wait3A_169 : memref<500x16xf32, #tpu.memory_space<hbm>>) dst(%dma_wait3A_166 : memref<500x16xf32, #tpu.memory_space<vmem>>)
      %run_scoped3A_170 = arith.constant 0 : i32
      %run_scoped3A_171 = arith.constant 0 : i32
      "tpu.region"() ({
        %run_scoped3A_278 = tpu.sem_alloc : memref<!tpu.dma_semaphore, #tpu.memory_space<semaphore_mem>>
        %dma_start3A_279 = arith.constant 0 : i32
        %dma_start3A_280 = arith.constant 0 : i32
        %dma_start3A_281 = tpu.memref_slice %arg7[%run_scoped3A_170, %dma_start3A_279, %dma_start3A_280] : memref<2x503x16xf32, #tpu.memory_space<vmem>> -> memref<1x128x16xf32, #tpu.memory_space<vmem>>
        %dma_start3A_282 = tpu.memref_squeeze %dma_start3A_281 : memref<1x128x16xf32, #tpu.memory_space<vmem>> -> memref<128x16xf32, #tpu.memory_space<vmem>>
        %dma_start3A_283 = arith.constant 0 : i32
        %dma_start3A_284 = tpu.memref_slice %arg6[%run_scoped3A_171, %dma_start3A_283] : memref<2x512xi32, #tpu.memory_space<vmem>> -> memref<1x128xi32, #tpu.memory_space<vmem>>
        %dma_start3A_285 = tpu.memref_squeeze %dma_start3A_284 : memref<1x128xi32, #tpu.memory_space<vmem>> -> memref<128xi32, #tpu.memory_space<vmem>>
        %dma_start3A_286 = arith.constant 0 : i32
        %dma_start3A_287 = arith.constant 0 : i32
        %dma_start3A_288 = tpu.memref_slice %arg8[%dma_start3A_286, %dma_start3A_287] : memref<100096x16xf32, #tpu.memory_space<vmem_shared>> -> memref<100096x16xf32, #tpu.memory_space<vmem_shared>>
        tpu.enqueue_indirect_dma source(%dma_start3A_282 : memref<128x16xf32, #tpu.memory_space<vmem>>) target(%dma_start3A_288 : memref<100096x16xf32, #tpu.memory_space<vmem_shared>>) offsets(%dma_start3A_285 : memref<128xi32, #tpu.memory_space<vmem>>) semaphore(%run_scoped3A_278 : memref<!tpu.dma_semaphore, #tpu.memory_space<semaphore_mem>>) {add = true}
        %dma_wait3A_289 = arith.constant 0 : i32
        %dma_wait3A_290 = arith.constant 0 : i32
        %dma_wait3A_291 = tpu.memref_slice %arg7[%run_scoped3A_170, %dma_wait3A_289, %dma_wait3A_290] : memref<2x503x16xf32, #tpu.memory_space<vmem>> -> memref<1x128x16xf32, #tpu.memory_space<vmem>>
        %dma_wait3A_292 = tpu.memref_squeeze %dma_wait3A_291 : memref<1x128x16xf32, #tpu.memory_space<vmem>> -> memref<128x16xf32, #tpu.memory_space<vmem>>
        %dma_wait3A_293 = arith.constant 0 : i32
        %dma_wait3A_294 = tpu.memref_slice %arg6[%run_scoped3A_171, %dma_wait3A_293] : memref<2x512xi32, #tpu.memory_space<vmem>> -> memref<1x128xi32, #tpu.memory_space<vmem>>
        %dma_wait3A_295 = tpu.memref_squeeze %dma_wait3A_294 : memref<1x128xi32, #tpu.memory_space<vmem>> -> memref<128xi32, #tpu.memory_space<vmem>>
        %dma_wait3A_296 = arith.constant 0 : i32
        %dma_wait3A_297 = arith.constant 0 : i32
        %dma_wait3A_298 = tpu.memref_slice %arg8[%dma_wait3A_296, %dma_wait3A_297] : memref<100096x16xf32, #tpu.memory_space<vmem_shared>> -> memref<100096x16xf32, #tpu.memory_space<vmem_shared>>
        tpu.wait_indirect_dma semaphore(%run_scoped3A_278 : memref<!tpu.dma_semaphore, #tpu.memory_space<semaphore_mem>>) src(%dma_wait3A_292 : memref<128x16xf32, #tpu.memory_space<vmem>>) dst(%dma_wait3A_298 : memref<100096x16xf32, #tpu.memory_space<vmem_shared>>)
        tpu.yield
      }) : () -> ()
      %run_scoped3A_172 = arith.constant 0 : i32
      %run_scoped3A_173 = arith.constant 0 : i32
      "tpu.region"() ({
        %run_scoped3A_278 = tpu.sem_alloc : memref<!tpu.dma_semaphore, #tpu.memory_space<semaphore_mem>>
        %dma_start3A_279 = arith.constant 125 : i32
        %dma_start3A_280 = arith.constant 0 : i32
        %dma_start3A_281 = tpu.memref_slice %arg7[%run_scoped3A_172, %dma_start3A_279, %dma_start3A_280] : memref<2x503x16xf32, #tpu.memory_space<vmem>> -> memref<1x128x16xf32, #tpu.memory_space<vmem>>
        %dma_start3A_282 = tpu.memref_squeeze %dma_start3A_281 : memref<1x128x16xf32, #tpu.memory_space<vmem>> -> memref<128x16xf32, #tpu.memory_space<vmem>>
        %dma_start3A_283 = arith.constant 128 : i32
        %dma_start3A_284 = tpu.memref_slice %arg6[%run_scoped3A_173, %dma_start3A_283] : memref<2x512xi32, #tpu.memory_space<vmem>> -> memref<1x128xi32, #tpu.memory_space<vmem>>
        %dma_start3A_285 = tpu.memref_squeeze %dma_start3A_284 : memref<1x128xi32, #tpu.memory_space<vmem>> -> memref<128xi32, #tpu.memory_space<vmem>>
        %dma_start3A_286 = arith.constant 0 : i32
        %dma_start3A_287 = arith.constant 0 : i32
        %dma_start3A_288 = tpu.memref_slice %arg8[%dma_start3A_286, %dma_start3A_287] : memref<100096x16xf32, #tpu.memory_space<vmem_shared>> -> memref<100096x16xf32, #tpu.memory_space<vmem_shared>>
        tpu.enqueue_indirect_dma source(%dma_start3A_282 : memref<128x16xf32, #tpu.memory_space<vmem>>) target(%dma_start3A_288 : memref<100096x16xf32, #tpu.memory_space<vmem_shared>>) offsets(%dma_start3A_285 : memref<128xi32, #tpu.memory_space<vmem>>) semaphore(%run_scoped3A_278 : memref<!tpu.dma_semaphore, #tpu.memory_space<semaphore_mem>>) {add = true}
        %dma_wait3A_289 = arith.constant 125 : i32
        %dma_wait3A_290 = arith.constant 0 : i32
        %dma_wait3A_291 = tpu.memref_slice %arg7[%run_scoped3A_172, %dma_wait3A_289, %dma_wait3A_290] : memref<2x503x16xf32, #tpu.memory_space<vmem>> -> memref<1x128x16xf32, #tpu.memory_space<vmem>>
        %dma_wait3A_292 = tpu.memref_squeeze %dma_wait3A_291 : memref<1x128x16xf32, #tpu.memory_space<vmem>> -> memref<128x16xf32, #tpu.memory_space<vmem>>
        %dma_wait3A_293 = arith.constant 128 : i32
        %dma_wait3A_294 = tpu.memref_slice %arg6[%run_scoped3A_173, %dma_wait3A_293] : memref<2x512xi32, #tpu.memory_space<vmem>> -> memref<1x128xi32, #tpu.memory_space<vmem>>
        %dma_wait3A_295 = tpu.memref_squeeze %dma_wait3A_294 : memref<1x128xi32, #tpu.memory_space<vmem>> -> memref<128xi32, #tpu.memory_space<vmem>>
        %dma_wait3A_296 = arith.constant 0 : i32
        %dma_wait3A_297 = arith.constant 0 : i32
        %dma_wait3A_298 = tpu.memref_slice %arg8[%dma_wait3A_296, %dma_wait3A_297] : memref<100096x16xf32, #tpu.memory_space<vmem_shared>> -> memref<100096x16xf32, #tpu.memory_space<vmem_shared>>
        tpu.wait_indirect_dma semaphore(%run_scoped3A_278 : memref<!tpu.dma_semaphore, #tpu.memory_space<semaphore_mem>>) src(%dma_wait3A_292 : memref<128x16xf32, #tpu.memory_space<vmem>>) dst(%dma_wait3A_298 : memref<100096x16xf32, #tpu.memory_space<vmem_shared>>)
        tpu.yield
      }) : () -> ()
      %run_scoped3A_174 = arith.constant 0 : i32
      %run_scoped3A_175 = arith.constant 0 : i32
      "tpu.region"() ({
        %run_scoped3A_278 = tpu.sem_alloc : memref<!tpu.dma_semaphore, #tpu.memory_space<semaphore_mem>>
        %dma_start3A_279 = arith.constant 250 : i32
        %dma_start3A_280 = arith.constant 0 : i32
        %dma_start3A_281 = tpu.memref_slice %arg7[%run_scoped3A_174, %dma_start3A_279, %dma_start3A_280] : memref<2x503x16xf32, #tpu.memory_space<vmem>> -> memref<1x128x16xf32, #tpu.memory_space<vmem>>
        %dma_start3A_282 = tpu.memref_squeeze %dma_start3A_281 : memref<1x128x16xf32, #tpu.memory_space<vmem>> -> memref<128x16xf32, #tpu.memory_space<vmem>>
        %dma_start3A_283 = arith.constant 256 : i32
        %dma_start3A_284 = tpu.memref_slice %arg6[%run_scoped3A_175, %dma_start3A_283] : memref<2x512xi32, #tpu.memory_space<vmem>> -> memref<1x128xi32, #tpu.memory_space<vmem>>
        %dma_start3A_285 = tpu.memref_squeeze %dma_start3A_284 : memref<1x128xi32, #tpu.memory_space<vmem>> -> memref<128xi32, #tpu.memory_space<vmem>>
        %dma_start3A_286 = arith.constant 0 : i32
        %dma_start3A_287 = arith.constant 0 : i32
        %dma_start3A_288 = tpu.memref_slice %arg8[%dma_start3A_286, %dma_start3A_287] : memref<100096x16xf32, #tpu.memory_space<vmem_shared>> -> memref<100096x16xf32, #tpu.memory_space<vmem_shared>>
        tpu.enqueue_indirect_dma source(%dma_start3A_282 : memref<128x16xf32, #tpu.memory_space<vmem>>) target(%dma_start3A_288 : memref<100096x16xf32, #tpu.memory_space<vmem_shared>>) offsets(%dma_start3A_285 : memref<128xi32, #tpu.memory_space<vmem>>) semaphore(%run_scoped3A_278 : memref<!tpu.dma_semaphore, #tpu.memory_space<semaphore_mem>>) {add = true}
        %dma_wait3A_289 = arith.constant 250 : i32
        %dma_wait3A_290 = arith.constant 0 : i32
        %dma_wait3A_291 = tpu.memref_slice %arg7[%run_scoped3A_174, %dma_wait3A_289, %dma_wait3A_290] : memref<2x503x16xf32, #tpu.memory_space<vmem>> -> memref<1x128x16xf32, #tpu.memory_space<vmem>>
        %dma_wait3A_292 = tpu.memref_squeeze %dma_wait3A_291 : memref<1x128x16xf32, #tpu.memory_space<vmem>> -> memref<128x16xf32, #tpu.memory_space<vmem>>
        %dma_wait3A_293 = arith.constant 256 : i32
        %dma_wait3A_294 = tpu.memref_slice %arg6[%run_scoped3A_175, %dma_wait3A_293] : memref<2x512xi32, #tpu.memory_space<vmem>> -> memref<1x128xi32, #tpu.memory_space<vmem>>
        %dma_wait3A_295 = tpu.memref_squeeze %dma_wait3A_294 : memref<1x128xi32, #tpu.memory_space<vmem>> -> memref<128xi32, #tpu.memory_space<vmem>>
        %dma_wait3A_296 = arith.constant 0 : i32
        %dma_wait3A_297 = arith.constant 0 : i32
        %dma_wait3A_298 = tpu.memref_slice %arg8[%dma_wait3A_296, %dma_wait3A_297] : memref<100096x16xf32, #tpu.memory_space<vmem_shared>> -> memref<100096x16xf32, #tpu.memory_space<vmem_shared>>
        tpu.wait_indirect_dma semaphore(%run_scoped3A_278 : memref<!tpu.dma_semaphore, #tpu.memory_space<semaphore_mem>>) src(%dma_wait3A_292 : memref<128x16xf32, #tpu.memory_space<vmem>>) dst(%dma_wait3A_298 : memref<100096x16xf32, #tpu.memory_space<vmem_shared>>)
        tpu.yield
      }) : () -> ()
      %run_scoped3A_176 = arith.constant 0 : i32
      %run_scoped3A_177 = arith.constant 0 : i32
      "tpu.region"() ({
        %run_scoped3A_278 = tpu.sem_alloc : memref<!tpu.dma_semaphore, #tpu.memory_space<semaphore_mem>>
        %dma_start3A_279 = arith.constant 375 : i32
        %dma_start3A_280 = arith.constant 0 : i32
        %dma_start3A_281 = tpu.memref_slice %arg7[%run_scoped3A_176, %dma_start3A_279, %dma_start3A_280] : memref<2x503x16xf32, #tpu.memory_space<vmem>> -> memref<1x128x16xf32, #tpu.memory_space<vmem>>
        %dma_start3A_282 = tpu.memref_squeeze %dma_start3A_281 : memref<1x128x16xf32, #tpu.memory_space<vmem>> -> memref<128x16xf32, #tpu.memory_space<vmem>>
        %dma_start3A_283 = arith.constant 384 : i32
        %dma_start3A_284 = tpu.memref_slice %arg6[%run_scoped3A_177, %dma_start3A_283] : memref<2x512xi32, #tpu.memory_space<vmem>> -> memref<1x128xi32, #tpu.memory_space<vmem>>
        %dma_start3A_285 = tpu.memref_squeeze %dma_start3A_284 : memref<1x128xi32, #tpu.memory_space<vmem>> -> memref<128xi32, #tpu.memory_space<vmem>>
        %dma_start3A_286 = arith.constant 0 : i32
        %dma_start3A_287 = arith.constant 0 : i32
        %dma_start3A_288 = tpu.memref_slice %arg8[%dma_start3A_286, %dma_start3A_287] : memref<100096x16xf32, #tpu.memory_space<vmem_shared>> -> memref<100096x16xf32, #tpu.memory_space<vmem_shared>>
        tpu.enqueue_indirect_dma source(%dma_start3A_282 : memref<128x16xf32, #tpu.memory_space<vmem>>) target(%dma_start3A_288 : memref<100096x16xf32, #tpu.memory_space<vmem_shared>>) offsets(%dma_start3A_285 : memref<128xi32, #tpu.memory_space<vmem>>) semaphore(%run_scoped3A_278 : memref<!tpu.dma_semaphore, #tpu.memory_space<semaphore_mem>>) {add = true}
        %dma_wait3A_289 = arith.constant 375 : i32
        %dma_wait3A_290 = arith.constant 0 : i32
        %dma_wait3A_291 = tpu.memref_slice %arg7[%run_scoped3A_176, %dma_wait3A_289, %dma_wait3A_290] : memref<2x503x16xf32, #tpu.memory_space<vmem>> -> memref<1x128x16xf32, #tpu.memory_space<vmem>>
        %dma_wait3A_292 = tpu.memref_squeeze %dma_wait3A_291 : memref<1x128x16xf32, #tpu.memory_space<vmem>> -> memref<128x16xf32, #tpu.memory_space<vmem>>
        %dma_wait3A_293 = arith.constant 384 : i32
        %dma_wait3A_294 = tpu.memref_slice %arg6[%run_scoped3A_177, %dma_wait3A_293] : memref<2x512xi32, #tpu.memory_space<vmem>> -> memref<1x128xi32, #tpu.memory_space<vmem>>
        %dma_wait3A_295 = tpu.memref_squeeze %dma_wait3A_294 : memref<1x128xi32, #tpu.memory_space<vmem>> -> memref<128xi32, #tpu.memory_space<vmem>>
        %dma_wait3A_296 = arith.constant 0 : i32
        %dma_wait3A_297 = arith.constant 0 : i32
        %dma_wait3A_298 = tpu.memref_slice %arg8[%dma_wait3A_296, %dma_wait3A_297] : memref<100096x16xf32, #tpu.memory_space<vmem_shared>> -> memref<100096x16xf32, #tpu.memory_space<vmem_shared>>
        tpu.wait_indirect_dma semaphore(%run_scoped3A_278 : memref<!tpu.dma_semaphore, #tpu.memory_space<semaphore_mem>>) src(%dma_wait3A_292 : memref<128x16xf32, #tpu.memory_space<vmem>>) dst(%dma_wait3A_298 : memref<100096x16xf32, #tpu.memory_space<vmem_shared>>)
        tpu.yield
      }) : () -> ()
      %add3A_178 = arith.constant 2 : i32
      %add3A_179 = arith.addi %add3A_143, %add3A_178 : i32
      %mul3A_180 = arith.constant 4 : i32
      %mul3A_181 = arith.muli %add3A_179, %mul3A_180 : i32
      %add3A_182 = arith.addi %mul3A_2, %mul3A_181 : i32
      %add3A_183 = arith.constant 0 : i32
      %add3A_184 = arith.addi %add3A_183, %add3A_182 : i32
      %mul3A_185 = arith.constant 128 : i32
      %mul3A_186 = arith.muli %add3A_184, %mul3A_185 : i32
      %dma_start3A_187 = arith.constant 0 : i32
      %dma_start3A_188 = arith.constant 0 : i32
      %dma_start3A_189 = tpu.memref_slice %arg6[%dma_start3A_187, %dma_start3A_188] : memref<2x512xi32, #tpu.memory_space<vmem>> -> memref<1x512xi32, #tpu.memory_space<vmem>>
      %dma_start3A_190 = tpu.memref_squeeze %dma_start3A_189 : memref<1x512xi32, #tpu.memory_space<vmem>> -> memref<512xi32, #tpu.memory_space<vmem>>
      %dma_start3A_191 = tpu.memref_slice %arg3[%mul3A_186] : memref<3276800xi32, #tpu.memory_space<hbm>> -> memref<512xi32, #tpu.memory_space<hbm>>
      %dma_start3A_192 = arith.constant 0 : i32
      %dma_start3A_193 = tpu.memref_slice %arg6[%dma_start3A_187, %dma_start3A_192] : memref<2x512xi32, #tpu.memory_space<vmem>> -> memref<1x512xi32, #tpu.memory_space<vmem>>
      %dma_start3A_194 = tpu.memref_squeeze %dma_start3A_193 : memref<1x512xi32, #tpu.memory_space<vmem>> -> memref<512xi32, #tpu.memory_space<vmem>>
      %dma_start3A_195 = tpu.memref_slice %arg3[%mul3A_186] : memref<3276800xi32, #tpu.memory_space<hbm>> -> memref<512xi32, #tpu.memory_space<hbm>>
      tpu.enqueue_dma source(%dma_start3A_195 : memref<512xi32, #tpu.memory_space<hbm>>) target(%dma_start3A_194 : memref<512xi32, #tpu.memory_space<vmem>>) target_semaphore(%arg9 : memref<!tpu.dma_semaphore, #tpu.memory_space<semaphore_mem>>)
      %mul3A_196 = arith.constant 125 : i32
      %mul3A_197 = arith.muli %add3A_182, %mul3A_196 : i32
      %dma_start3A_198 = arith.constant 0 : i32
      %dma_start3A_199 = arith.constant 0 : i32
      %dma_start3A_200 = arith.constant 0 : i32
      %dma_start3A_201 = tpu.memref_slice %arg7[%dma_start3A_198, %dma_start3A_199, %dma_start3A_200] : memref<2x503x16xf32, #tpu.memory_space<vmem>> -> memref<1x500x16xf32, #tpu.memory_space<vmem>>
      %dma_start3A_202 = tpu.memref_squeeze %dma_start3A_201 : memref<1x500x16xf32, #tpu.memory_space<vmem>> -> memref<500x16xf32, #tpu.memory_space<vmem>>
      %dma_start3A_203 = arith.constant 0 : i32
      %dma_start3A_204 = tpu.memref_slice %arg2[%mul3A_197, %dma_start3A_203] : memref<1600000x128xf32, #tpu.memory_space<hbm>> -> memref<500x16xf32, #tpu.memory_space<hbm>>
      %dma_start3A_205 = arith.constant 0 : i32
      %dma_start3A_206 = arith.constant 0 : i32
      %dma_start3A_207 = tpu.memref_slice %arg7[%dma_start3A_198, %dma_start3A_205, %dma_start3A_206] : memref<2x503x16xf32, #tpu.memory_space<vmem>> -> memref<1x500x16xf32, #tpu.memory_space<vmem>>
      %dma_start3A_208 = tpu.memref_squeeze %dma_start3A_207 : memref<1x500x16xf32, #tpu.memory_space<vmem>> -> memref<500x16xf32, #tpu.memory_space<vmem>>
      %dma_start3A_209 = arith.constant 0 : i32
      %dma_start3A_210 = tpu.memref_slice %arg2[%mul3A_197, %dma_start3A_209] : memref<1600000x128xf32, #tpu.memory_space<hbm>> -> memref<500x16xf32, #tpu.memory_space<hbm>>
      tpu.enqueue_dma source(%dma_start3A_210 : memref<500x16xf32, #tpu.memory_space<hbm>>) target(%dma_start3A_208 : memref<500x16xf32, #tpu.memory_space<vmem>>) target_semaphore(%arg10 : memref<!tpu.dma_semaphore, #tpu.memory_space<semaphore_mem>>)
      %dma_wait3A_211 = arith.constant 1 : i32
      %dma_wait3A_212 = arith.constant 0 : i32
      %dma_wait3A_213 = tpu.memref_slice %arg6[%dma_wait3A_211, %dma_wait3A_212] : memref<2x512xi32, #tpu.memory_space<vmem>> -> memref<1x512xi32, #tpu.memory_space<vmem>>
      %dma_wait3A_214 = tpu.memref_squeeze %dma_wait3A_213 : memref<1x512xi32, #tpu.memory_space<vmem>> -> memref<512xi32, #tpu.memory_space<vmem>>
      %dma_wait3A_215 = arith.constant 0 : i32
      %dma_wait3A_216 = tpu.memref_slice %arg3[%dma_wait3A_215] : memref<3276800xi32, #tpu.memory_space<hbm>> -> memref<512xi32, #tpu.memory_space<hbm>>
      %dma_wait3A_217 = arith.constant 0 : i32
      %dma_wait3A_218 = tpu.memref_slice %arg6[%dma_wait3A_211, %dma_wait3A_217] : memref<2x512xi32, #tpu.memory_space<vmem>> -> memref<1x512xi32, #tpu.memory_space<vmem>>
      %dma_wait3A_219 = tpu.memref_squeeze %dma_wait3A_218 : memref<1x512xi32, #tpu.memory_space<vmem>> -> memref<512xi32, #tpu.memory_space<vmem>>
      %dma_wait3A_220 = arith.constant 0 : i32
      %dma_wait3A_221 = tpu.memref_slice %arg3[%dma_wait3A_220] : memref<3276800xi32, #tpu.memory_space<hbm>> -> memref<512xi32, #tpu.memory_space<hbm>>
      tpu.wait_dma2 semaphore(%arg11 : memref<!tpu.dma_semaphore, #tpu.memory_space<semaphore_mem>>) src(%dma_wait3A_221 : memref<512xi32, #tpu.memory_space<hbm>>) dst(%dma_wait3A_219 : memref<512xi32, #tpu.memory_space<vmem>>)
      %dma_wait3A_222 = arith.constant 1 : i32
      %dma_wait3A_223 = arith.constant 0 : i32
      %dma_wait3A_224 = arith.constant 0 : i32
      %dma_wait3A_225 = tpu.memref_slice %arg7[%dma_wait3A_222, %dma_wait3A_223, %dma_wait3A_224] : memref<2x503x16xf32, #tpu.memory_space<vmem>> -> memref<1x500x16xf32, #tpu.memory_space<vmem>>
      %dma_wait3A_226 = tpu.memref_squeeze %dma_wait3A_225 : memref<1x500x16xf32, #tpu.memory_space<vmem>> -> memref<500x16xf32, #tpu.memory_space<vmem>>
      %dma_wait3A_227 = arith.constant 0 : i32
      %dma_wait3A_228 = arith.constant 0 : i32
      %dma_wait3A_229 = tpu.memref_slice %arg2[%dma_wait3A_227, %dma_wait3A_228] : memref<1600000x128xf32, #tpu.memory_space<hbm>> -> memref<500x16xf32, #tpu.memory_space<hbm>>
      %dma_wait3A_230 = arith.constant 0 : i32
      %dma_wait3A_231 = arith.constant 0 : i32
      %dma_wait3A_232 = tpu.memref_slice %arg7[%dma_wait3A_222, %dma_wait3A_230, %dma_wait3A_231] : memref<2x503x16xf32, #tpu.memory_space<vmem>> -> memref<1x500x16xf32, #tpu.memory_space<vmem>>
      %dma_wait3A_233 = tpu.memref_squeeze %dma_wait3A_232 : memref<1x500x16xf32, #tpu.memory_space<vmem>> -> memref<500x16xf32, #tpu.memory_space<vmem>>
      %dma_wait3A_234 = arith.constant 0 : i32
      %dma_wait3A_235 = arith.constant 0 : i32
      %dma_wait3A_236 = tpu.memref_slice %arg2[%dma_wait3A_234, %dma_wait3A_235] : memref<1600000x128xf32, #tpu.memory_space<hbm>> -> memref<500x16xf32, #tpu.memory_space<hbm>>
      tpu.wait_dma2 semaphore(%arg12 : memref<!tpu.dma_semaphore, #tpu.memory_space<semaphore_mem>>) src(%dma_wait3A_236 : memref<500x16xf32, #tpu.memory_space<hbm>>) dst(%dma_wait3A_233 : memref<500x16xf32, #tpu.memory_space<vmem>>)
      %run_scoped3A_237 = arith.constant 1 : i32
      %run_scoped3A_238 = arith.constant 1 : i32
      "tpu.region"() ({
        %run_scoped3A_278 = tpu.sem_alloc : memref<!tpu.dma_semaphore, #tpu.memory_space<semaphore_mem>>
        %dma_start3A_279 = arith.constant 0 : i32
        %dma_start3A_280 = arith.constant 0 : i32
        %dma_start3A_281 = tpu.memref_slice %arg7[%run_scoped3A_237, %dma_start3A_279, %dma_start3A_280] : memref<2x503x16xf32, #tpu.memory_space<vmem>> -> memref<1x128x16xf32, #tpu.memory_space<vmem>>
        %dma_start3A_282 = tpu.memref_squeeze %dma_start3A_281 : memref<1x128x16xf32, #tpu.memory_space<vmem>> -> memref<128x16xf32, #tpu.memory_space<vmem>>
        %dma_start3A_283 = arith.constant 0 : i32
        %dma_start3A_284 = tpu.memref_slice %arg6[%run_scoped3A_238, %dma_start3A_283] : memref<2x512xi32, #tpu.memory_space<vmem>> -> memref<1x128xi32, #tpu.memory_space<vmem>>
        %dma_start3A_285 = tpu.memref_squeeze %dma_start3A_284 : memref<1x128xi32, #tpu.memory_space<vmem>> -> memref<128xi32, #tpu.memory_space<vmem>>
        %dma_start3A_286 = arith.constant 0 : i32
        %dma_start3A_287 = arith.constant 0 : i32
        %dma_start3A_288 = tpu.memref_slice %arg8[%dma_start3A_286, %dma_start3A_287] : memref<100096x16xf32, #tpu.memory_space<vmem_shared>> -> memref<100096x16xf32, #tpu.memory_space<vmem_shared>>
        tpu.enqueue_indirect_dma source(%dma_start3A_282 : memref<128x16xf32, #tpu.memory_space<vmem>>) target(%dma_start3A_288 : memref<100096x16xf32, #tpu.memory_space<vmem_shared>>) offsets(%dma_start3A_285 : memref<128xi32, #tpu.memory_space<vmem>>) semaphore(%run_scoped3A_278 : memref<!tpu.dma_semaphore, #tpu.memory_space<semaphore_mem>>) {add = true}
        %dma_wait3A_289 = arith.constant 0 : i32
        %dma_wait3A_290 = arith.constant 0 : i32
        %dma_wait3A_291 = tpu.memref_slice %arg7[%run_scoped3A_237, %dma_wait3A_289, %dma_wait3A_290] : memref<2x503x16xf32, #tpu.memory_space<vmem>> -> memref<1x128x16xf32, #tpu.memory_space<vmem>>
        %dma_wait3A_292 = tpu.memref_squeeze %dma_wait3A_291 : memref<1x128x16xf32, #tpu.memory_space<vmem>> -> memref<128x16xf32, #tpu.memory_space<vmem>>
        %dma_wait3A_293 = arith.constant 0 : i32
        %dma_wait3A_294 = tpu.memref_slice %arg6[%run_scoped3A_238, %dma_wait3A_293] : memref<2x512xi32, #tpu.memory_space<vmem>> -> memref<1x128xi32, #tpu.memory_space<vmem>>
        %dma_wait3A_295 = tpu.memref_squeeze %dma_wait3A_294 : memref<1x128xi32, #tpu.memory_space<vmem>> -> memref<128xi32, #tpu.memory_space<vmem>>
        %dma_wait3A_296 = arith.constant 0 : i32
        %dma_wait3A_297 = arith.constant 0 : i32
        %dma_wait3A_298 = tpu.memref_slice %arg8[%dma_wait3A_296, %dma_wait3A_297] : memref<100096x16xf32, #tpu.memory_space<vmem_shared>> -> memref<100096x16xf32, #tpu.memory_space<vmem_shared>>
        tpu.wait_indirect_dma semaphore(%run_scoped3A_278 : memref<!tpu.dma_semaphore, #tpu.memory_space<semaphore_mem>>) src(%dma_wait3A_292 : memref<128x16xf32, #tpu.memory_space<vmem>>) dst(%dma_wait3A_298 : memref<100096x16xf32, #tpu.memory_space<vmem_shared>>)
        tpu.yield
      }) : () -> ()
      %run_scoped3A_239 = arith.constant 1 : i32
      %run_scoped3A_240 = arith.constant 1 : i32
      "tpu.region"() ({
        %run_scoped3A_278 = tpu.sem_alloc : memref<!tpu.dma_semaphore, #tpu.memory_space<semaphore_mem>>
        %dma_start3A_279 = arith.constant 125 : i32
        %dma_start3A_280 = arith.constant 0 : i32
        %dma_start3A_281 = tpu.memref_slice %arg7[%run_scoped3A_239, %dma_start3A_279, %dma_start3A_280] : memref<2x503x16xf32, #tpu.memory_space<vmem>> -> memref<1x128x16xf32, #tpu.memory_space<vmem>>
        %dma_start3A_282 = tpu.memref_squeeze %dma_start3A_281 : memref<1x128x16xf32, #tpu.memory_space<vmem>> -> memref<128x16xf32, #tpu.memory_space<vmem>>
        %dma_start3A_283 = arith.constant 128 : i32
        %dma_start3A_284 = tpu.memref_slice %arg6[%run_scoped3A_240, %dma_start3A_283] : memref<2x512xi32, #tpu.memory_space<vmem>> -> memref<1x128xi32, #tpu.memory_space<vmem>>
        %dma_start3A_285 = tpu.memref_squeeze %dma_start3A_284 : memref<1x128xi32, #tpu.memory_space<vmem>> -> memref<128xi32, #tpu.memory_space<vmem>>
        %dma_start3A_286 = arith.constant 0 : i32
        %dma_start3A_287 = arith.constant 0 : i32
        %dma_start3A_288 = tpu.memref_slice %arg8[%dma_start3A_286, %dma_start3A_287] : memref<100096x16xf32, #tpu.memory_space<vmem_shared>> -> memref<100096x16xf32, #tpu.memory_space<vmem_shared>>
        tpu.enqueue_indirect_dma source(%dma_start3A_282 : memref<128x16xf32, #tpu.memory_space<vmem>>) target(%dma_start3A_288 : memref<100096x16xf32, #tpu.memory_space<vmem_shared>>) offsets(%dma_start3A_285 : memref<128xi32, #tpu.memory_space<vmem>>) semaphore(%run_scoped3A_278 : memref<!tpu.dma_semaphore, #tpu.memory_space<semaphore_mem>>) {add = true}
        %dma_wait3A_289 = arith.constant 125 : i32
        %dma_wait3A_290 = arith.constant 0 : i32
        %dma_wait3A_291 = tpu.memref_slice %arg7[%run_scoped3A_239, %dma_wait3A_289, %dma_wait3A_290] : memref<2x503x16xf32, #tpu.memory_space<vmem>> -> memref<1x128x16xf32, #tpu.memory_space<vmem>>
        %dma_wait3A_292 = tpu.memref_squeeze %dma_wait3A_291 : memref<1x128x16xf32, #tpu.memory_space<vmem>> -> memref<128x16xf32, #tpu.memory_space<vmem>>
        %dma_wait3A_293 = arith.constant 128 : i32
        %dma_wait3A_294 = tpu.memref_slice %arg6[%run_scoped3A_240, %dma_wait3A_293] : memref<2x512xi32, #tpu.memory_space<vmem>> -> memref<1x128xi32, #tpu.memory_space<vmem>>
        %dma_wait3A_295 = tpu.memref_squeeze %dma_wait3A_294 : memref<1x128xi32, #tpu.memory_space<vmem>> -> memref<128xi32, #tpu.memory_space<vmem>>
        %dma_wait3A_296 = arith.constant 0 : i32
        %dma_wait3A_297 = arith.constant 0 : i32
        %dma_wait3A_298 = tpu.memref_slice %arg8[%dma_wait3A_296, %dma_wait3A_297] : memref<100096x16xf32, #tpu.memory_space<vmem_shared>> -> memref<100096x16xf32, #tpu.memory_space<vmem_shared>>
        tpu.wait_indirect_dma semaphore(%run_scoped3A_278 : memref<!tpu.dma_semaphore, #tpu.memory_space<semaphore_mem>>) src(%dma_wait3A_292 : memref<128x16xf32, #tpu.memory_space<vmem>>) dst(%dma_wait3A_298 : memref<100096x16xf32, #tpu.memory_space<vmem_shared>>)
        tpu.yield
      }) : () -> ()
      %run_scoped3A_241 = arith.constant 1 : i32
      %run_scoped3A_242 = arith.constant 1 : i32
      "tpu.region"() ({
        %run_scoped3A_278 = tpu.sem_alloc : memref<!tpu.dma_semaphore, #tpu.memory_space<semaphore_mem>>
        %dma_start3A_279 = arith.constant 250 : i32
        %dma_start3A_280 = arith.constant 0 : i32
        %dma_start3A_281 = tpu.memref_slice %arg7[%run_scoped3A_241, %dma_start3A_279, %dma_start3A_280] : memref<2x503x16xf32, #tpu.memory_space<vmem>> -> memref<1x128x16xf32, #tpu.memory_space<vmem>>
        %dma_start3A_282 = tpu.memref_squeeze %dma_start3A_281 : memref<1x128x16xf32, #tpu.memory_space<vmem>> -> memref<128x16xf32, #tpu.memory_space<vmem>>
        %dma_start3A_283 = arith.constant 256 : i32
        %dma_start3A_284 = tpu.memref_slice %arg6[%run_scoped3A_242, %dma_start3A_283] : memref<2x512xi32, #tpu.memory_space<vmem>> -> memref<1x128xi32, #tpu.memory_space<vmem>>
        %dma_start3A_285 = tpu.memref_squeeze %dma_start3A_284 : memref<1x128xi32, #tpu.memory_space<vmem>> -> memref<128xi32, #tpu.memory_space<vmem>>
        %dma_start3A_286 = arith.constant 0 : i32
        %dma_start3A_287 = arith.constant 0 : i32
        %dma_start3A_288 = tpu.memref_slice %arg8[%dma_start3A_286, %dma_start3A_287] : memref<100096x16xf32, #tpu.memory_space<vmem_shared>> -> memref<100096x16xf32, #tpu.memory_space<vmem_shared>>
        tpu.enqueue_indirect_dma source(%dma_start3A_282 : memref<128x16xf32, #tpu.memory_space<vmem>>) target(%dma_start3A_288 : memref<100096x16xf32, #tpu.memory_space<vmem_shared>>) offsets(%dma_start3A_285 : memref<128xi32, #tpu.memory_space<vmem>>) semaphore(%run_scoped3A_278 : memref<!tpu.dma_semaphore, #tpu.memory_space<semaphore_mem>>) {add = true}
        %dma_wait3A_289 = arith.constant 250 : i32
        %dma_wait3A_290 = arith.constant 0 : i32
        %dma_wait3A_291 = tpu.memref_slice %arg7[%run_scoped3A_241, %dma_wait3A_289, %dma_wait3A_290] : memref<2x503x16xf32, #tpu.memory_space<vmem>> -> memref<1x128x16xf32, #tpu.memory_space<vmem>>
        %dma_wait3A_292 = tpu.memref_squeeze %dma_wait3A_291 : memref<1x128x16xf32, #tpu.memory_space<vmem>> -> memref<128x16xf32, #tpu.memory_space<vmem>>
        %dma_wait3A_293 = arith.constant 256 : i32
        %dma_wait3A_294 = tpu.memref_slice %arg6[%run_scoped3A_242, %dma_wait3A_293] : memref<2x512xi32, #tpu.memory_space<vmem>> -> memref<1x128xi32, #tpu.memory_space<vmem>>
        %dma_wait3A_295 = tpu.memref_squeeze %dma_wait3A_294 : memref<1x128xi32, #tpu.memory_space<vmem>> -> memref<128xi32, #tpu.memory_space<vmem>>
        %dma_wait3A_296 = arith.constant 0 : i32
        %dma_wait3A_297 = arith.constant 0 : i32
        %dma_wait3A_298 = tpu.memref_slice %arg8[%dma_wait3A_296, %dma_wait3A_297] : memref<100096x16xf32, #tpu.memory_space<vmem_shared>> -> memref<100096x16xf32, #tpu.memory_space<vmem_shared>>
        tpu.wait_indirect_dma semaphore(%run_scoped3A_278 : memref<!tpu.dma_semaphore, #tpu.memory_space<semaphore_mem>>) src(%dma_wait3A_292 : memref<128x16xf32, #tpu.memory_space<vmem>>) dst(%dma_wait3A_298 : memref<100096x16xf32, #tpu.memory_space<vmem_shared>>)
        tpu.yield
      }) : () -> ()
      %run_scoped3A_243 = arith.constant 1 : i32
      %run_scoped3A_244 = arith.constant 1 : i32
      "tpu.region"() ({
        %run_scoped3A_278 = tpu.sem_alloc : memref<!tpu.dma_semaphore, #tpu.memory_space<semaphore_mem>>
        %dma_start3A_279 = arith.constant 375 : i32
        %dma_start3A_280 = arith.constant 0 : i32
        %dma_start3A_281 = tpu.memref_slice %arg7[%run_scoped3A_243, %dma_start3A_279, %dma_start3A_280] : memref<2x503x16xf32, #tpu.memory_space<vmem>> -> memref<1x128x16xf32, #tpu.memory_space<vmem>>
        %dma_start3A_282 = tpu.memref_squeeze %dma_start3A_281 : memref<1x128x16xf32, #tpu.memory_space<vmem>> -> memref<128x16xf32, #tpu.memory_space<vmem>>
        %dma_start3A_283 = arith.constant 384 : i32
        %dma_start3A_284 = tpu.memref_slice %arg6[%run_scoped3A_244, %dma_start3A_283] : memref<2x512xi32, #tpu.memory_space<vmem>> -> memref<1x128xi32, #tpu.memory_space<vmem>>
        %dma_start3A_285 = tpu.memref_squeeze %dma_start3A_284 : memref<1x128xi32, #tpu.memory_space<vmem>> -> memref<128xi32, #tpu.memory_space<vmem>>
        %dma_start3A_286 = arith.constant 0 : i32
        %dma_start3A_287 = arith.constant 0 : i32
        %dma_start3A_288 = tpu.memref_slice %arg8[%dma_start3A_286, %dma_start3A_287] : memref<100096x16xf32, #tpu.memory_space<vmem_shared>> -> memref<100096x16xf32, #tpu.memory_space<vmem_shared>>
        tpu.enqueue_indirect_dma source(%dma_start3A_282 : memref<128x16xf32, #tpu.memory_space<vmem>>) target(%dma_start3A_288 : memref<100096x16xf32, #tpu.memory_space<vmem_shared>>) offsets(%dma_start3A_285 : memref<128xi32, #tpu.memory_space<vmem>>) semaphore(%run_scoped3A_278 : memref<!tpu.dma_semaphore, #tpu.memory_space<semaphore_mem>>) {add = true}
        %dma_wait3A_289 = arith.constant 375 : i32
        %dma_wait3A_290 = arith.constant 0 : i32
        %dma_wait3A_291 = tpu.memref_slice %arg7[%run_scoped3A_243, %dma_wait3A_289, %dma_wait3A_290] : memref<2x503x16xf32, #tpu.memory_space<vmem>> -> memref<1x128x16xf32, #tpu.memory_space<vmem>>
        %dma_wait3A_292 = tpu.memref_squeeze %dma_wait3A_291 : memref<1x128x16xf32, #tpu.memory_space<vmem>> -> memref<128x16xf32, #tpu.memory_space<vmem>>
        %dma_wait3A_293 = arith.constant 384 : i32
        %dma_wait3A_294 = tpu.memref_slice %arg6[%run_scoped3A_244, %dma_wait3A_293] : memref<2x512xi32, #tpu.memory_space<vmem>> -> memref<1x128xi32, #tpu.memory_space<vmem>>
        %dma_wait3A_295 = tpu.memref_squeeze %dma_wait3A_294 : memref<1x128xi32, #tpu.memory_space<vmem>> -> memref<128xi32, #tpu.memory_space<vmem>>
        %dma_wait3A_296 = arith.constant 0 : i32
        %dma_wait3A_297 = arith.constant 0 : i32
        %dma_wait3A_298 = tpu.memref_slice %arg8[%dma_wait3A_296, %dma_wait3A_297] : memref<100096x16xf32, #tpu.memory_space<vmem_shared>> -> memref<100096x16xf32, #tpu.memory_space<vmem_shared>>
        tpu.wait_indirect_dma semaphore(%run_scoped3A_278 : memref<!tpu.dma_semaphore, #tpu.memory_space<semaphore_mem>>) src(%dma_wait3A_292 : memref<128x16xf32, #tpu.memory_space<vmem>>) dst(%dma_wait3A_298 : memref<100096x16xf32, #tpu.memory_space<vmem_shared>>)
        tpu.yield
      }) : () -> ()
      %add3A_245 = arith.constant 3 : i32
      %add3A_246 = arith.addi %add3A_143, %add3A_245 : i32
      %mul3A_247 = arith.constant 4 : i32
      %mul3A_248 = arith.muli %add3A_246, %mul3A_247 : i32
      %add3A_249 = arith.addi %mul3A_2, %mul3A_248 : i32
      %add3A_250 = arith.constant 0 : i32
      %add3A_251 = arith.addi %add3A_250, %add3A_249 : i32
      %mul3A_252 = arith.constant 128 : i32
      %mul3A_253 = arith.muli %add3A_251, %mul3A_252 : i32
      %dma_start3A_254 = arith.constant 1 : i32
      %dma_start3A_255 = arith.constant 0 : i32
      %dma_start3A_256 = tpu.memref_slice %arg6[%dma_start3A_254, %dma_start3A_255] : memref<2x512xi32, #tpu.memory_space<vmem>> -> memref<1x512xi32, #tpu.memory_space<vmem>>
      %dma_start3A_257 = tpu.memref_squeeze %dma_start3A_256 : memref<1x512xi32, #tpu.memory_space<vmem>> -> memref<512xi32, #tpu.memory_space<vmem>>
      %dma_start3A_258 = tpu.memref_slice %arg3[%mul3A_253] : memref<3276800xi32, #tpu.memory_space<hbm>> -> memref<512xi32, #tpu.memory_space<hbm>>
      %dma_start3A_259 = arith.constant 0 : i32
      %dma_start3A_260 = tpu.memref_slice %arg6[%dma_start3A_254, %dma_start3A_259] : memref<2x512xi32, #tpu.memory_space<vmem>> -> memref<1x512xi32, #tpu.memory_space<vmem>>
      %dma_start3A_261 = tpu.memref_squeeze %dma_start3A_260 : memref<1x512xi32, #tpu.memory_space<vmem>> -> memref<512xi32, #tpu.memory_space<vmem>>
      %dma_start3A_262 = tpu.memref_slice %arg3[%mul3A_253] : memref<3276800xi32, #tpu.memory_space<hbm>> -> memref<512xi32, #tpu.memory_space<hbm>>
      tpu.enqueue_dma source(%dma_start3A_262 : memref<512xi32, #tpu.memory_space<hbm>>) target(%dma_start3A_261 : memref<512xi32, #tpu.memory_space<vmem>>) target_semaphore(%arg11 : memref<!tpu.dma_semaphore, #tpu.memory_space<semaphore_mem>>)
      %mul3A_263 = arith.constant 125 : i32
      %mul3A_264 = arith.muli %add3A_249, %mul3A_263 : i32
      %dma_start3A_265 = arith.constant 1 : i32
      %dma_start3A_266 = arith.constant 0 : i32
      %dma_start3A_267 = arith.constant 0 : i32
      %dma_start3A_268 = tpu.memref_slice %arg7[%dma_start3A_265, %dma_start3A_266, %dma_start3A_267] : memref<2x503x16xf32, #tpu.memory_space<vmem>> -> memref<1x500x16xf32, #tpu.memory_space<vmem>>
      %dma_start3A_269 = tpu.memref_squeeze %dma_start3A_268 : memref<1x500x16xf32, #tpu.memory_space<vmem>> -> memref<500x16xf32, #tpu.memory_space<vmem>>
      %dma_start3A_270 = arith.constant 0 : i32
      %dma_start3A_271 = tpu.memref_slice %arg2[%mul3A_264, %dma_start3A_270] : memref<1600000x128xf32, #tpu.memory_space<hbm>> -> memref<500x16xf32, #tpu.memory_space<hbm>>
      %dma_start3A_272 = arith.constant 0 : i32
      %dma_start3A_273 = arith.constant 0 : i32
      %dma_start3A_274 = tpu.memref_slice %arg7[%dma_start3A_265, %dma_start3A_272, %dma_start3A_273] : memref<2x503x16xf32, #tpu.memory_space<vmem>> -> memref<1x500x16xf32, #tpu.memory_space<vmem>>
      %dma_start3A_275 = tpu.memref_squeeze %dma_start3A_274 : memref<1x500x16xf32, #tpu.memory_space<vmem>> -> memref<500x16xf32, #tpu.memory_space<vmem>>
      %dma_start3A_276 = arith.constant 0 : i32
      %dma_start3A_277 = tpu.memref_slice %arg2[%mul3A_264, %dma_start3A_276] : memref<1600000x128xf32, #tpu.memory_space<hbm>> -> memref<500x16xf32, #tpu.memory_space<hbm>>
      tpu.enqueue_dma source(%dma_start3A_277 : memref<500x16xf32, #tpu.memory_space<hbm>>) target(%dma_start3A_275 : memref<500x16xf32, #tpu.memory_space<vmem>>) target_semaphore(%arg12 : memref<!tpu.dma_semaphore, #tpu.memory_space<semaphore_mem>>)
    }
    %scan3A_67 = arith.constant 49 : i32
    %dma_wait3A = arith.constant 0 : i32
    %dma_wait3A_68 = arith.constant 0 : i32
    %dma_wait3A_69 = tpu.memref_slice %arg6[%dma_wait3A, %dma_wait3A_68] : memref<2x512xi32, #tpu.memory_space<vmem>> -> memref<1x512xi32, #tpu.memory_space<vmem>>
    %dma_wait3A_70 = tpu.memref_squeeze %dma_wait3A_69 : memref<1x512xi32, #tpu.memory_space<vmem>> -> memref<512xi32, #tpu.memory_space<vmem>>
    %dma_wait3A_71 = arith.constant 0 : i32
    %dma_wait3A_72 = tpu.memref_slice %arg3[%dma_wait3A_71] : memref<3276800xi32, #tpu.memory_space<hbm>> -> memref<512xi32, #tpu.memory_space<hbm>>
    %dma_wait3A_73 = arith.constant 0 : i32
    %dma_wait3A_74 = tpu.memref_slice %arg6[%dma_wait3A, %dma_wait3A_73] : memref<2x512xi32, #tpu.memory_space<vmem>> -> memref<1x512xi32, #tpu.memory_space<vmem>>
    %dma_wait3A_75 = tpu.memref_squeeze %dma_wait3A_74 : memref<1x512xi32, #tpu.memory_space<vmem>> -> memref<512xi32, #tpu.memory_space<vmem>>
    %dma_wait3A_76 = arith.constant 0 : i32
    %dma_wait3A_77 = tpu.memref_slice %arg3[%dma_wait3A_76] : memref<3276800xi32, #tpu.memory_space<hbm>> -> memref<512xi32, #tpu.memory_space<hbm>>
    tpu.wait_dma2 semaphore(%arg9 : memref<!tpu.dma_semaphore, #tpu.memory_space<semaphore_mem>>) src(%dma_wait3A_77 : memref<512xi32, #tpu.memory_space<hbm>>) dst(%dma_wait3A_75 : memref<512xi32, #tpu.memory_space<vmem>>)
    %dma_wait3A_78 = arith.constant 0 : i32
    %dma_wait3A_79 = arith.constant 0 : i32
    %dma_wait3A_80 = arith.constant 0 : i32
    %dma_wait3A_81 = tpu.memref_slice %arg7[%dma_wait3A_78, %dma_wait3A_79, %dma_wait3A_80] : memref<2x503x16xf32, #tpu.memory_space<vmem>> -> memref<1x500x16xf32, #tpu.memory_space<vmem>>
    %dma_wait3A_82 = tpu.memref_squeeze %dma_wait3A_81 : memref<1x500x16xf32, #tpu.memory_space<vmem>> -> memref<500x16xf32, #tpu.memory_space<vmem>>
    %dma_wait3A_83 = arith.constant 0 : i32
    %dma_wait3A_84 = arith.constant 0 : i32
    %dma_wait3A_85 = tpu.memref_slice %arg2[%dma_wait3A_83, %dma_wait3A_84] : memref<1600000x128xf32, #tpu.memory_space<hbm>> -> memref<500x16xf32, #tpu.memory_space<hbm>>
    %dma_wait3A_86 = arith.constant 0 : i32
    %dma_wait3A_87 = arith.constant 0 : i32
    %dma_wait3A_88 = tpu.memref_slice %arg7[%dma_wait3A_78, %dma_wait3A_86, %dma_wait3A_87] : memref<2x503x16xf32, #tpu.memory_space<vmem>> -> memref<1x500x16xf32, #tpu.memory_space<vmem>>
    %dma_wait3A_89 = tpu.memref_squeeze %dma_wait3A_88 : memref<1x500x16xf32, #tpu.memory_space<vmem>> -> memref<500x16xf32, #tpu.memory_space<vmem>>
    %dma_wait3A_90 = arith.constant 0 : i32
    %dma_wait3A_91 = arith.constant 0 : i32
    %dma_wait3A_92 = tpu.memref_slice %arg2[%dma_wait3A_90, %dma_wait3A_91] : memref<1600000x128xf32, #tpu.memory_space<hbm>> -> memref<500x16xf32, #tpu.memory_space<hbm>>
    tpu.wait_dma2 semaphore(%arg10 : memref<!tpu.dma_semaphore, #tpu.memory_space<semaphore_mem>>) src(%dma_wait3A_92 : memref<500x16xf32, #tpu.memory_space<hbm>>) dst(%dma_wait3A_89 : memref<500x16xf32, #tpu.memory_space<vmem>>)
    %run_scoped3A = arith.constant 0 : i32
    %run_scoped3A_93 = arith.constant 0 : i32
    "tpu.region"() ({
      %run_scoped3A_139 = tpu.sem_alloc : memref<!tpu.dma_semaphore, #tpu.memory_space<semaphore_mem>>
      %dma_start3A_140 = arith.constant 0 : i32
      %dma_start3A_141 = arith.constant 0 : i32
      %dma_start3A_142 = tpu.memref_slice %arg7[%run_scoped3A, %dma_start3A_140, %dma_start3A_141] : memref<2x503x16xf32, #tpu.memory_space<vmem>> -> memref<1x128x16xf32, #tpu.memory_space<vmem>>
      %dma_start3A_143 = tpu.memref_squeeze %dma_start3A_142 : memref<1x128x16xf32, #tpu.memory_space<vmem>> -> memref<128x16xf32, #tpu.memory_space<vmem>>
      %dma_start3A_144 = arith.constant 0 : i32
      %dma_start3A_145 = tpu.memref_slice %arg6[%run_scoped3A_93, %dma_start3A_144] : memref<2x512xi32, #tpu.memory_space<vmem>> -> memref<1x128xi32, #tpu.memory_space<vmem>>
      %dma_start3A_146 = tpu.memref_squeeze %dma_start3A_145 : memref<1x128xi32, #tpu.memory_space<vmem>> -> memref<128xi32, #tpu.memory_space<vmem>>
      %dma_start3A_147 = arith.constant 0 : i32
      %dma_start3A_148 = arith.constant 0 : i32
      %dma_start3A_149 = tpu.memref_slice %arg8[%dma_start3A_147, %dma_start3A_148] : memref<100096x16xf32, #tpu.memory_space<vmem_shared>> -> memref<100096x16xf32, #tpu.memory_space<vmem_shared>>
      tpu.enqueue_indirect_dma source(%dma_start3A_143 : memref<128x16xf32, #tpu.memory_space<vmem>>) target(%dma_start3A_149 : memref<100096x16xf32, #tpu.memory_space<vmem_shared>>) offsets(%dma_start3A_146 : memref<128xi32, #tpu.memory_space<vmem>>) semaphore(%run_scoped3A_139 : memref<!tpu.dma_semaphore, #tpu.memory_space<semaphore_mem>>) {add = true}
      %dma_wait3A_150 = arith.constant 0 : i32
      %dma_wait3A_151 = arith.constant 0 : i32
      %dma_wait3A_152 = tpu.memref_slice %arg7[%run_scoped3A, %dma_wait3A_150, %dma_wait3A_151] : memref<2x503x16xf32, #tpu.memory_space<vmem>> -> memref<1x128x16xf32, #tpu.memory_space<vmem>>
      %dma_wait3A_153 = tpu.memref_squeeze %dma_wait3A_152 : memref<1x128x16xf32, #tpu.memory_space<vmem>> -> memref<128x16xf32, #tpu.memory_space<vmem>>
      %dma_wait3A_154 = arith.constant 0 : i32
      %dma_wait3A_155 = tpu.memref_slice %arg6[%run_scoped3A_93, %dma_wait3A_154] : memref<2x512xi32, #tpu.memory_space<vmem>> -> memref<1x128xi32, #tpu.memory_space<vmem>>
      %dma_wait3A_156 = tpu.memref_squeeze %dma_wait3A_155 : memref<1x128xi32, #tpu.memory_space<vmem>> -> memref<128xi32, #tpu.memory_space<vmem>>
      %dma_wait3A_157 = arith.constant 0 : i32
      %dma_wait3A_158 = arith.constant 0 : i32
      %dma_wait3A_159 = tpu.memref_slice %arg8[%dma_wait3A_157, %dma_wait3A_158] : memref<100096x16xf32, #tpu.memory_space<vmem_shared>> -> memref<100096x16xf32, #tpu.memory_space<vmem_shared>>
      tpu.wait_indirect_dma semaphore(%run_scoped3A_139 : memref<!tpu.dma_semaphore, #tpu.memory_space<semaphore_mem>>) src(%dma_wait3A_153 : memref<128x16xf32, #tpu.memory_space<vmem>>) dst(%dma_wait3A_159 : memref<100096x16xf32, #tpu.memory_space<vmem_shared>>)
      tpu.yield
    }) : () -> ()
    %run_scoped3A_94 = arith.constant 0 : i32
    %run_scoped3A_95 = arith.constant 0 : i32
    "tpu.region"() ({
      %run_scoped3A_139 = tpu.sem_alloc : memref<!tpu.dma_semaphore, #tpu.memory_space<semaphore_mem>>
      %dma_start3A_140 = arith.constant 125 : i32
      %dma_start3A_141 = arith.constant 0 : i32
      %dma_start3A_142 = tpu.memref_slice %arg7[%run_scoped3A_94, %dma_start3A_140, %dma_start3A_141] : memref<2x503x16xf32, #tpu.memory_space<vmem>> -> memref<1x128x16xf32, #tpu.memory_space<vmem>>
      %dma_start3A_143 = tpu.memref_squeeze %dma_start3A_142 : memref<1x128x16xf32, #tpu.memory_space<vmem>> -> memref<128x16xf32, #tpu.memory_space<vmem>>
      %dma_start3A_144 = arith.constant 128 : i32
      %dma_start3A_145 = tpu.memref_slice %arg6[%run_scoped3A_95, %dma_start3A_144] : memref<2x512xi32, #tpu.memory_space<vmem>> -> memref<1x128xi32, #tpu.memory_space<vmem>>
      %dma_start3A_146 = tpu.memref_squeeze %dma_start3A_145 : memref<1x128xi32, #tpu.memory_space<vmem>> -> memref<128xi32, #tpu.memory_space<vmem>>
      %dma_start3A_147 = arith.constant 0 : i32
      %dma_start3A_148 = arith.constant 0 : i32
      %dma_start3A_149 = tpu.memref_slice %arg8[%dma_start3A_147, %dma_start3A_148] : memref<100096x16xf32, #tpu.memory_space<vmem_shared>> -> memref<100096x16xf32, #tpu.memory_space<vmem_shared>>
      tpu.enqueue_indirect_dma source(%dma_start3A_143 : memref<128x16xf32, #tpu.memory_space<vmem>>) target(%dma_start3A_149 : memref<100096x16xf32, #tpu.memory_space<vmem_shared>>) offsets(%dma_start3A_146 : memref<128xi32, #tpu.memory_space<vmem>>) semaphore(%run_scoped3A_139 : memref<!tpu.dma_semaphore, #tpu.memory_space<semaphore_mem>>) {add = true}
      %dma_wait3A_150 = arith.constant 125 : i32
      %dma_wait3A_151 = arith.constant 0 : i32
      %dma_wait3A_152 = tpu.memref_slice %arg7[%run_scoped3A_94, %dma_wait3A_150, %dma_wait3A_151] : memref<2x503x16xf32, #tpu.memory_space<vmem>> -> memref<1x128x16xf32, #tpu.memory_space<vmem>>
      %dma_wait3A_153 = tpu.memref_squeeze %dma_wait3A_152 : memref<1x128x16xf32, #tpu.memory_space<vmem>> -> memref<128x16xf32, #tpu.memory_space<vmem>>
      %dma_wait3A_154 = arith.constant 128 : i32
      %dma_wait3A_155 = tpu.memref_slice %arg6[%run_scoped3A_95, %dma_wait3A_154] : memref<2x512xi32, #tpu.memory_space<vmem>> -> memref<1x128xi32, #tpu.memory_space<vmem>>
      %dma_wait3A_156 = tpu.memref_squeeze %dma_wait3A_155 : memref<1x128xi32, #tpu.memory_space<vmem>> -> memref<128xi32, #tpu.memory_space<vmem>>
      %dma_wait3A_157 = arith.constant 0 : i32
      %dma_wait3A_158 = arith.constant 0 : i32
      %dma_wait3A_159 = tpu.memref_slice %arg8[%dma_wait3A_157, %dma_wait3A_158] : memref<100096x16xf32, #tpu.memory_space<vmem_shared>> -> memref<100096x16xf32, #tpu.memory_space<vmem_shared>>
      tpu.wait_indirect_dma semaphore(%run_scoped3A_139 : memref<!tpu.dma_semaphore, #tpu.memory_space<semaphore_mem>>) src(%dma_wait3A_153 : memref<128x16xf32, #tpu.memory_space<vmem>>) dst(%dma_wait3A_159 : memref<100096x16xf32, #tpu.memory_space<vmem_shared>>)
      tpu.yield
    }) : () -> ()
    %run_scoped3A_96 = arith.constant 0 : i32
    %run_scoped3A_97 = arith.constant 0 : i32
    "tpu.region"() ({
      %run_scoped3A_139 = tpu.sem_alloc : memref<!tpu.dma_semaphore, #tpu.memory_space<semaphore_mem>>
      %dma_start3A_140 = arith.constant 250 : i32
      %dma_start3A_141 = arith.constant 0 : i32
      %dma_start3A_142 = tpu.memref_slice %arg7[%run_scoped3A_96, %dma_start3A_140, %dma_start3A_141] : memref<2x503x16xf32, #tpu.memory_space<vmem>> -> memref<1x128x16xf32, #tpu.memory_space<vmem>>
      %dma_start3A_143 = tpu.memref_squeeze %dma_start3A_142 : memref<1x128x16xf32, #tpu.memory_space<vmem>> -> memref<128x16xf32, #tpu.memory_space<vmem>>
      %dma_start3A_144 = arith.constant 256 : i32
      %dma_start3A_145 = tpu.memref_slice %arg6[%run_scoped3A_97, %dma_start3A_144] : memref<2x512xi32, #tpu.memory_space<vmem>> -> memref<1x128xi32, #tpu.memory_space<vmem>>
      %dma_start3A_146 = tpu.memref_squeeze %dma_start3A_145 : memref<1x128xi32, #tpu.memory_space<vmem>> -> memref<128xi32, #tpu.memory_space<vmem>>
      %dma_start3A_147 = arith.constant 0 : i32
      %dma_start3A_148 = arith.constant 0 : i32
      %dma_start3A_149 = tpu.memref_slice %arg8[%dma_start3A_147, %dma_start3A_148] : memref<100096x16xf32, #tpu.memory_space<vmem_shared>> -> memref<100096x16xf32, #tpu.memory_space<vmem_shared>>
      tpu.enqueue_indirect_dma source(%dma_start3A_143 : memref<128x16xf32, #tpu.memory_space<vmem>>) target(%dma_start3A_149 : memref<100096x16xf32, #tpu.memory_space<vmem_shared>>) offsets(%dma_start3A_146 : memref<128xi32, #tpu.memory_space<vmem>>) semaphore(%run_scoped3A_139 : memref<!tpu.dma_semaphore, #tpu.memory_space<semaphore_mem>>) {add = true}
      %dma_wait3A_150 = arith.constant 250 : i32
      %dma_wait3A_151 = arith.constant 0 : i32
      %dma_wait3A_152 = tpu.memref_slice %arg7[%run_scoped3A_96, %dma_wait3A_150, %dma_wait3A_151] : memref<2x503x16xf32, #tpu.memory_space<vmem>> -> memref<1x128x16xf32, #tpu.memory_space<vmem>>
      %dma_wait3A_153 = tpu.memref_squeeze %dma_wait3A_152 : memref<1x128x16xf32, #tpu.memory_space<vmem>> -> memref<128x16xf32, #tpu.memory_space<vmem>>
      %dma_wait3A_154 = arith.constant 256 : i32
      %dma_wait3A_155 = tpu.memref_slice %arg6[%run_scoped3A_97, %dma_wait3A_154] : memref<2x512xi32, #tpu.memory_space<vmem>> -> memref<1x128xi32, #tpu.memory_space<vmem>>
      %dma_wait3A_156 = tpu.memref_squeeze %dma_wait3A_155 : memref<1x128xi32, #tpu.memory_space<vmem>> -> memref<128xi32, #tpu.memory_space<vmem>>
      %dma_wait3A_157 = arith.constant 0 : i32
      %dma_wait3A_158 = arith.constant 0 : i32
      %dma_wait3A_159 = tpu.memref_slice %arg8[%dma_wait3A_157, %dma_wait3A_158] : memref<100096x16xf32, #tpu.memory_space<vmem_shared>> -> memref<100096x16xf32, #tpu.memory_space<vmem_shared>>
      tpu.wait_indirect_dma semaphore(%run_scoped3A_139 : memref<!tpu.dma_semaphore, #tpu.memory_space<semaphore_mem>>) src(%dma_wait3A_153 : memref<128x16xf32, #tpu.memory_space<vmem>>) dst(%dma_wait3A_159 : memref<100096x16xf32, #tpu.memory_space<vmem_shared>>)
      tpu.yield
    }) : () -> ()
    %run_scoped3A_98 = arith.constant 0 : i32
    %run_scoped3A_99 = arith.constant 0 : i32
    "tpu.region"() ({
      %run_scoped3A_139 = tpu.sem_alloc : memref<!tpu.dma_semaphore, #tpu.memory_space<semaphore_mem>>
      %dma_start3A_140 = arith.constant 375 : i32
      %dma_start3A_141 = arith.constant 0 : i32
      %dma_start3A_142 = tpu.memref_slice %arg7[%run_scoped3A_98, %dma_start3A_140, %dma_start3A_141] : memref<2x503x16xf32, #tpu.memory_space<vmem>> -> memref<1x128x16xf32, #tpu.memory_space<vmem>>
      %dma_start3A_143 = tpu.memref_squeeze %dma_start3A_142 : memref<1x128x16xf32, #tpu.memory_space<vmem>> -> memref<128x16xf32, #tpu.memory_space<vmem>>
      %dma_start3A_144 = arith.constant 384 : i32
      %dma_start3A_145 = tpu.memref_slice %arg6[%run_scoped3A_99, %dma_start3A_144] : memref<2x512xi32, #tpu.memory_space<vmem>> -> memref<1x128xi32, #tpu.memory_space<vmem>>
      %dma_start3A_146 = tpu.memref_squeeze %dma_start3A_145 : memref<1x128xi32, #tpu.memory_space<vmem>> -> memref<128xi32, #tpu.memory_space<vmem>>
      %dma_start3A_147 = arith.constant 0 : i32
      %dma_start3A_148 = arith.constant 0 : i32
      %dma_start3A_149 = tpu.memref_slice %arg8[%dma_start3A_147, %dma_start3A_148] : memref<100096x16xf32, #tpu.memory_space<vmem_shared>> -> memref<100096x16xf32, #tpu.memory_space<vmem_shared>>
      tpu.enqueue_indirect_dma source(%dma_start3A_143 : memref<128x16xf32, #tpu.memory_space<vmem>>) target(%dma_start3A_149 : memref<100096x16xf32, #tpu.memory_space<vmem_shared>>) offsets(%dma_start3A_146 : memref<128xi32, #tpu.memory_space<vmem>>) semaphore(%run_scoped3A_139 : memref<!tpu.dma_semaphore, #tpu.memory_space<semaphore_mem>>) {add = true}
      %dma_wait3A_150 = arith.constant 375 : i32
      %dma_wait3A_151 = arith.constant 0 : i32
      %dma_wait3A_152 = tpu.memref_slice %arg7[%run_scoped3A_98, %dma_wait3A_150, %dma_wait3A_151] : memref<2x503x16xf32, #tpu.memory_space<vmem>> -> memref<1x128x16xf32, #tpu.memory_space<vmem>>
      %dma_wait3A_153 = tpu.memref_squeeze %dma_wait3A_152 : memref<1x128x16xf32, #tpu.memory_space<vmem>> -> memref<128x16xf32, #tpu.memory_space<vmem>>
      %dma_wait3A_154 = arith.constant 384 : i32
      %dma_wait3A_155 = tpu.memref_slice %arg6[%run_scoped3A_99, %dma_wait3A_154] : memref<2x512xi32, #tpu.memory_space<vmem>> -> memref<1x128xi32, #tpu.memory_space<vmem>>
      %dma_wait3A_156 = tpu.memref_squeeze %dma_wait3A_155 : memref<1x128xi32, #tpu.memory_space<vmem>> -> memref<128xi32, #tpu.memory_space<vmem>>
      %dma_wait3A_157 = arith.constant 0 : i32
      %dma_wait3A_158 = arith.constant 0 : i32
      %dma_wait3A_159 = tpu.memref_slice %arg8[%dma_wait3A_157, %dma_wait3A_158] : memref<100096x16xf32, #tpu.memory_space<vmem_shared>> -> memref<100096x16xf32, #tpu.memory_space<vmem_shared>>
      tpu.wait_indirect_dma semaphore(%run_scoped3A_139 : memref<!tpu.dma_semaphore, #tpu.memory_space<semaphore_mem>>) src(%dma_wait3A_153 : memref<128x16xf32, #tpu.memory_space<vmem>>) dst(%dma_wait3A_159 : memref<100096x16xf32, #tpu.memory_space<vmem_shared>>)
      tpu.yield
    }) : () -> ()
    %dma_wait3A_100 = arith.constant 1 : i32
    %dma_wait3A_101 = arith.constant 0 : i32
    %dma_wait3A_102 = tpu.memref_slice %arg6[%dma_wait3A_100, %dma_wait3A_101] : memref<2x512xi32, #tpu.memory_space<vmem>> -> memref<1x512xi32, #tpu.memory_space<vmem>>
    %dma_wait3A_103 = tpu.memref_squeeze %dma_wait3A_102 : memref<1x512xi32, #tpu.memory_space<vmem>> -> memref<512xi32, #tpu.memory_space<vmem>>
    %dma_wait3A_104 = arith.constant 0 : i32
    %dma_wait3A_105 = tpu.memref_slice %arg3[%dma_wait3A_104] : memref<3276800xi32, #tpu.memory_space<hbm>> -> memref<512xi32, #tpu.memory_space<hbm>>
    %dma_wait3A_106 = arith.constant 0 : i32
    %dma_wait3A_107 = tpu.memref_slice %arg6[%dma_wait3A_100, %dma_wait3A_106] : memref<2x512xi32, #tpu.memory_space<vmem>> -> memref<1x512xi32, #tpu.memory_space<vmem>>
    %dma_wait3A_108 = tpu.memref_squeeze %dma_wait3A_107 : memref<1x512xi32, #tpu.memory_space<vmem>> -> memref<512xi32, #tpu.memory_space<vmem>>
    %dma_wait3A_109 = arith.constant 0 : i32
    %dma_wait3A_110 = tpu.memref_slice %arg3[%dma_wait3A_109] : memref<3276800xi32, #tpu.memory_space<hbm>> -> memref<512xi32, #tpu.memory_space<hbm>>
    tpu.wait_dma2 semaphore(%arg11 : memref<!tpu.dma_semaphore, #tpu.memory_space<semaphore_mem>>) src(%dma_wait3A_110 : memref<512xi32, #tpu.memory_space<hbm>>) dst(%dma_wait3A_108 : memref<512xi32, #tpu.memory_space<vmem>>)
    %dma_wait3A_111 = arith.constant 1 : i32
    %dma_wait3A_112 = arith.constant 0 : i32
    %dma_wait3A_113 = arith.constant 0 : i32
    %dma_wait3A_114 = tpu.memref_slice %arg7[%dma_wait3A_111, %dma_wait3A_112, %dma_wait3A_113] : memref<2x503x16xf32, #tpu.memory_space<vmem>> -> memref<1x500x16xf32, #tpu.memory_space<vmem>>
    %dma_wait3A_115 = tpu.memref_squeeze %dma_wait3A_114 : memref<1x500x16xf32, #tpu.memory_space<vmem>> -> memref<500x16xf32, #tpu.memory_space<vmem>>
    %dma_wait3A_116 = arith.constant 0 : i32
    %dma_wait3A_117 = arith.constant 0 : i32
    %dma_wait3A_118 = tpu.memref_slice %arg2[%dma_wait3A_116, %dma_wait3A_117] : memref<1600000x128xf32, #tpu.memory_space<hbm>> -> memref<500x16xf32, #tpu.memory_space<hbm>>
    %dma_wait3A_119 = arith.constant 0 : i32
    %dma_wait3A_120 = arith.constant 0 : i32
    %dma_wait3A_121 = tpu.memref_slice %arg7[%dma_wait3A_111, %dma_wait3A_119, %dma_wait3A_120] : memref<2x503x16xf32, #tpu.memory_space<vmem>> -> memref<1x500x16xf32, #tpu.memory_space<vmem>>
    %dma_wait3A_122 = tpu.memref_squeeze %dma_wait3A_121 : memref<1x500x16xf32, #tpu.memory_space<vmem>> -> memref<500x16xf32, #tpu.memory_space<vmem>>
    %dma_wait3A_123 = arith.constant 0 : i32
    %dma_wait3A_124 = arith.constant 0 : i32
    %dma_wait3A_125 = tpu.memref_slice %arg2[%dma_wait3A_123, %dma_wait3A_124] : memref<1600000x128xf32, #tpu.memory_space<hbm>> -> memref<500x16xf32, #tpu.memory_space<hbm>>
    tpu.wait_dma2 semaphore(%arg12 : memref<!tpu.dma_semaphore, #tpu.memory_space<semaphore_mem>>) src(%dma_wait3A_125 : memref<500x16xf32, #tpu.memory_space<hbm>>) dst(%dma_wait3A_122 : memref<500x16xf32, #tpu.memory_space<vmem>>)
    %run_scoped3A_126 = arith.constant 1 : i32
    %run_scoped3A_127 = arith.constant 1 : i32
    "tpu.region"() ({
      %run_scoped3A_139 = tpu.sem_alloc : memref<!tpu.dma_semaphore, #tpu.memory_space<semaphore_mem>>
      %dma_start3A_140 = arith.constant 0 : i32
      %dma_start3A_141 = arith.constant 0 : i32
      %dma_start3A_142 = tpu.memref_slice %arg7[%run_scoped3A_126, %dma_start3A_140, %dma_start3A_141] : memref<2x503x16xf32, #tpu.memory_space<vmem>> -> memref<1x128x16xf32, #tpu.memory_space<vmem>>
      %dma_start3A_143 = tpu.memref_squeeze %dma_start3A_142 : memref<1x128x16xf32, #tpu.memory_space<vmem>> -> memref<128x16xf32, #tpu.memory_space<vmem>>
      %dma_start3A_144 = arith.constant 0 : i32
      %dma_start3A_145 = tpu.memref_slice %arg6[%run_scoped3A_127, %dma_start3A_144] : memref<2x512xi32, #tpu.memory_space<vmem>> -> memref<1x128xi32, #tpu.memory_space<vmem>>
      %dma_start3A_146 = tpu.memref_squeeze %dma_start3A_145 : memref<1x128xi32, #tpu.memory_space<vmem>> -> memref<128xi32, #tpu.memory_space<vmem>>
      %dma_start3A_147 = arith.constant 0 : i32
      %dma_start3A_148 = arith.constant 0 : i32
      %dma_start3A_149 = tpu.memref_slice %arg8[%dma_start3A_147, %dma_start3A_148] : memref<100096x16xf32, #tpu.memory_space<vmem_shared>> -> memref<100096x16xf32, #tpu.memory_space<vmem_shared>>
      tpu.enqueue_indirect_dma source(%dma_start3A_143 : memref<128x16xf32, #tpu.memory_space<vmem>>) target(%dma_start3A_149 : memref<100096x16xf32, #tpu.memory_space<vmem_shared>>) offsets(%dma_start3A_146 : memref<128xi32, #tpu.memory_space<vmem>>) semaphore(%run_scoped3A_139 : memref<!tpu.dma_semaphore, #tpu.memory_space<semaphore_mem>>) {add = true}
      %dma_wait3A_150 = arith.constant 0 : i32
      %dma_wait3A_151 = arith.constant 0 : i32
      %dma_wait3A_152 = tpu.memref_slice %arg7[%run_scoped3A_126, %dma_wait3A_150, %dma_wait3A_151] : memref<2x503x16xf32, #tpu.memory_space<vmem>> -> memref<1x128x16xf32, #tpu.memory_space<vmem>>
      %dma_wait3A_153 = tpu.memref_squeeze %dma_wait3A_152 : memref<1x128x16xf32, #tpu.memory_space<vmem>> -> memref<128x16xf32, #tpu.memory_space<vmem>>
      %dma_wait3A_154 = arith.constant 0 : i32
      %dma_wait3A_155 = tpu.memref_slice %arg6[%run_scoped3A_127, %dma_wait3A_154] : memref<2x512xi32, #tpu.memory_space<vmem>> -> memref<1x128xi32, #tpu.memory_space<vmem>>
      %dma_wait3A_156 = tpu.memref_squeeze %dma_wait3A_155 : memref<1x128xi32, #tpu.memory_space<vmem>> -> memref<128xi32, #tpu.memory_space<vmem>>
      %dma_wait3A_157 = arith.constant 0 : i32
      %dma_wait3A_158 = arith.constant 0 : i32
      %dma_wait3A_159 = tpu.memref_slice %arg8[%dma_wait3A_157, %dma_wait3A_158] : memref<100096x16xf32, #tpu.memory_space<vmem_shared>> -> memref<100096x16xf32, #tpu.memory_space<vmem_shared>>
      tpu.wait_indirect_dma semaphore(%run_scoped3A_139 : memref<!tpu.dma_semaphore, #tpu.memory_space<semaphore_mem>>) src(%dma_wait3A_153 : memref<128x16xf32, #tpu.memory_space<vmem>>) dst(%dma_wait3A_159 : memref<100096x16xf32, #tpu.memory_space<vmem_shared>>)
      tpu.yield
    }) : () -> ()
    %run_scoped3A_128 = arith.constant 1 : i32
    %run_scoped3A_129 = arith.constant 1 : i32
    "tpu.region"() ({
      %run_scoped3A_139 = tpu.sem_alloc : memref<!tpu.dma_semaphore, #tpu.memory_space<semaphore_mem>>
      %dma_start3A_140 = arith.constant 125 : i32
      %dma_start3A_141 = arith.constant 0 : i32
      %dma_start3A_142 = tpu.memref_slice %arg7[%run_scoped3A_128, %dma_start3A_140, %dma_start3A_141] : memref<2x503x16xf32, #tpu.memory_space<vmem>> -> memref<1x128x16xf32, #tpu.memory_space<vmem>>
      %dma_start3A_143 = tpu.memref_squeeze %dma_start3A_142 : memref<1x128x16xf32, #tpu.memory_space<vmem>> -> memref<128x16xf32, #tpu.memory_space<vmem>>
      %dma_start3A_144 = arith.constant 128 : i32
      %dma_start3A_145 = tpu.memref_slice %arg6[%run_scoped3A_129, %dma_start3A_144] : memref<2x512xi32, #tpu.memory_space<vmem>> -> memref<1x128xi32, #tpu.memory_space<vmem>>
      %dma_start3A_146 = tpu.memref_squeeze %dma_start3A_145 : memref<1x128xi32, #tpu.memory_space<vmem>> -> memref<128xi32, #tpu.memory_space<vmem>>
      %dma_start3A_147 = arith.constant 0 : i32
      %dma_start3A_148 = arith.constant 0 : i32
      %dma_start3A_149 = tpu.memref_slice %arg8[%dma_start3A_147, %dma_start3A_148] : memref<100096x16xf32, #tpu.memory_space<vmem_shared>> -> memref<100096x16xf32, #tpu.memory_space<vmem_shared>>
      tpu.enqueue_indirect_dma source(%dma_start3A_143 : memref<128x16xf32, #tpu.memory_space<vmem>>) target(%dma_start3A_149 : memref<100096x16xf32, #tpu.memory_space<vmem_shared>>) offsets(%dma_start3A_146 : memref<128xi32, #tpu.memory_space<vmem>>) semaphore(%run_scoped3A_139 : memref<!tpu.dma_semaphore, #tpu.memory_space<semaphore_mem>>) {add = true}
      %dma_wait3A_150 = arith.constant 125 : i32
      %dma_wait3A_151 = arith.constant 0 : i32
      %dma_wait3A_152 = tpu.memref_slice %arg7[%run_scoped3A_128, %dma_wait3A_150, %dma_wait3A_151] : memref<2x503x16xf32, #tpu.memory_space<vmem>> -> memref<1x128x16xf32, #tpu.memory_space<vmem>>
      %dma_wait3A_153 = tpu.memref_squeeze %dma_wait3A_152 : memref<1x128x16xf32, #tpu.memory_space<vmem>> -> memref<128x16xf32, #tpu.memory_space<vmem>>
      %dma_wait3A_154 = arith.constant 128 : i32
      %dma_wait3A_155 = tpu.memref_slice %arg6[%run_scoped3A_129, %dma_wait3A_154] : memref<2x512xi32, #tpu.memory_space<vmem>> -> memref<1x128xi32, #tpu.memory_space<vmem>>
      %dma_wait3A_156 = tpu.memref_squeeze %dma_wait3A_155 : memref<1x128xi32, #tpu.memory_space<vmem>> -> memref<128xi32, #tpu.memory_space<vmem>>
      %dma_wait3A_157 = arith.constant 0 : i32
      %dma_wait3A_158 = arith.constant 0 : i32
      %dma_wait3A_159 = tpu.memref_slice %arg8[%dma_wait3A_157, %dma_wait3A_158] : memref<100096x16xf32, #tpu.memory_space<vmem_shared>> -> memref<100096x16xf32, #tpu.memory_space<vmem_shared>>
      tpu.wait_indirect_dma semaphore(%run_scoped3A_139 : memref<!tpu.dma_semaphore, #tpu.memory_space<semaphore_mem>>) src(%dma_wait3A_153 : memref<128x16xf32, #tpu.memory_space<vmem>>) dst(%dma_wait3A_159 : memref<100096x16xf32, #tpu.memory_space<vmem_shared>>)
      tpu.yield
    }) : () -> ()
    %run_scoped3A_130 = arith.constant 1 : i32
    %run_scoped3A_131 = arith.constant 1 : i32
    "tpu.region"() ({
      %run_scoped3A_139 = tpu.sem_alloc : memref<!tpu.dma_semaphore, #tpu.memory_space<semaphore_mem>>
      %dma_start3A_140 = arith.constant 250 : i32
      %dma_start3A_141 = arith.constant 0 : i32
      %dma_start3A_142 = tpu.memref_slice %arg7[%run_scoped3A_130, %dma_start3A_140, %dma_start3A_141] : memref<2x503x16xf32, #tpu.memory_space<vmem>> -> memref<1x128x16xf32, #tpu.memory_space<vmem>>
      %dma_start3A_143 = tpu.memref_squeeze %dma_start3A_142 : memref<1x128x16xf32, #tpu.memory_space<vmem>> -> memref<128x16xf32, #tpu.memory_space<vmem>>
      %dma_start3A_144 = arith.constant 256 : i32
      %dma_start3A_145 = tpu.memref_slice %arg6[%run_scoped3A_131, %dma_start3A_144] : memref<2x512xi32, #tpu.memory_space<vmem>> -> memref<1x128xi32, #tpu.memory_space<vmem>>
      %dma_start3A_146 = tpu.memref_squeeze %dma_start3A_145 : memref<1x128xi32, #tpu.memory_space<vmem>> -> memref<128xi32, #tpu.memory_space<vmem>>
      %dma_start3A_147 = arith.constant 0 : i32
      %dma_start3A_148 = arith.constant 0 : i32
      %dma_start3A_149 = tpu.memref_slice %arg8[%dma_start3A_147, %dma_start3A_148] : memref<100096x16xf32, #tpu.memory_space<vmem_shared>> -> memref<100096x16xf32, #tpu.memory_space<vmem_shared>>
      tpu.enqueue_indirect_dma source(%dma_start3A_143 : memref<128x16xf32, #tpu.memory_space<vmem>>) target(%dma_start3A_149 : memref<100096x16xf32, #tpu.memory_space<vmem_shared>>) offsets(%dma_start3A_146 : memref<128xi32, #tpu.memory_space<vmem>>) semaphore(%run_scoped3A_139 : memref<!tpu.dma_semaphore, #tpu.memory_space<semaphore_mem>>) {add = true}
      %dma_wait3A_150 = arith.constant 250 : i32
      %dma_wait3A_151 = arith.constant 0 : i32
      %dma_wait3A_152 = tpu.memref_slice %arg7[%run_scoped3A_130, %dma_wait3A_150, %dma_wait3A_151] : memref<2x503x16xf32, #tpu.memory_space<vmem>> -> memref<1x128x16xf32, #tpu.memory_space<vmem>>
      %dma_wait3A_153 = tpu.memref_squeeze %dma_wait3A_152 : memref<1x128x16xf32, #tpu.memory_space<vmem>> -> memref<128x16xf32, #tpu.memory_space<vmem>>
      %dma_wait3A_154 = arith.constant 256 : i32
      %dma_wait3A_155 = tpu.memref_slice %arg6[%run_scoped3A_131, %dma_wait3A_154] : memref<2x512xi32, #tpu.memory_space<vmem>> -> memref<1x128xi32, #tpu.memory_space<vmem>>
      %dma_wait3A_156 = tpu.memref_squeeze %dma_wait3A_155 : memref<1x128xi32, #tpu.memory_space<vmem>> -> memref<128xi32, #tpu.memory_space<vmem>>
      %dma_wait3A_157 = arith.constant 0 : i32
      %dma_wait3A_158 = arith.constant 0 : i32
      %dma_wait3A_159 = tpu.memref_slice %arg8[%dma_wait3A_157, %dma_wait3A_158] : memref<100096x16xf32, #tpu.memory_space<vmem_shared>> -> memref<100096x16xf32, #tpu.memory_space<vmem_shared>>
      tpu.wait_indirect_dma semaphore(%run_scoped3A_139 : memref<!tpu.dma_semaphore, #tpu.memory_space<semaphore_mem>>) src(%dma_wait3A_153 : memref<128x16xf32, #tpu.memory_space<vmem>>) dst(%dma_wait3A_159 : memref<100096x16xf32, #tpu.memory_space<vmem_shared>>)
      tpu.yield
    }) : () -> ()
    %run_scoped3A_132 = arith.constant 1 : i32
    %run_scoped3A_133 = arith.constant 1 : i32
    "tpu.region"() ({
      %run_scoped3A_139 = tpu.sem_alloc : memref<!tpu.dma_semaphore, #tpu.memory_space<semaphore_mem>>
      %dma_start3A_140 = arith.constant 375 : i32
      %dma_start3A_141 = arith.constant 0 : i32
      %dma_start3A_142 = tpu.memref_slice %arg7[%run_scoped3A_132, %dma_start3A_140, %dma_start3A_141] : memref<2x503x16xf32, #tpu.memory_space<vmem>> -> memref<1x128x16xf32, #tpu.memory_space<vmem>>
      %dma_start3A_143 = tpu.memref_squeeze %dma_start3A_142 : memref<1x128x16xf32, #tpu.memory_space<vmem>> -> memref<128x16xf32, #tpu.memory_space<vmem>>
      %dma_start3A_144 = arith.constant 384 : i32
      %dma_start3A_145 = tpu.memref_slice %arg6[%run_scoped3A_133, %dma_start3A_144] : memref<2x512xi32, #tpu.memory_space<vmem>> -> memref<1x128xi32, #tpu.memory_space<vmem>>
      %dma_start3A_146 = tpu.memref_squeeze %dma_start3A_145 : memref<1x128xi32, #tpu.memory_space<vmem>> -> memref<128xi32, #tpu.memory_space<vmem>>
      %dma_start3A_147 = arith.constant 0 : i32
      %dma_start3A_148 = arith.constant 0 : i32
      %dma_start3A_149 = tpu.memref_slice %arg8[%dma_start3A_147, %dma_start3A_148] : memref<100096x16xf32, #tpu.memory_space<vmem_shared>> -> memref<100096x16xf32, #tpu.memory_space<vmem_shared>>
      tpu.enqueue_indirect_dma source(%dma_start3A_143 : memref<128x16xf32, #tpu.memory_space<vmem>>) target(%dma_start3A_149 : memref<100096x16xf32, #tpu.memory_space<vmem_shared>>) offsets(%dma_start3A_146 : memref<128xi32, #tpu.memory_space<vmem>>) semaphore(%run_scoped3A_139 : memref<!tpu.dma_semaphore, #tpu.memory_space<semaphore_mem>>) {add = true}
      %dma_wait3A_150 = arith.constant 375 : i32
      %dma_wait3A_151 = arith.constant 0 : i32
      %dma_wait3A_152 = tpu.memref_slice %arg7[%run_scoped3A_132, %dma_wait3A_150, %dma_wait3A_151] : memref<2x503x16xf32, #tpu.memory_space<vmem>> -> memref<1x128x16xf32, #tpu.memory_space<vmem>>
      %dma_wait3A_153 = tpu.memref_squeeze %dma_wait3A_152 : memref<1x128x16xf32, #tpu.memory_space<vmem>> -> memref<128x16xf32, #tpu.memory_space<vmem>>
      %dma_wait3A_154 = arith.constant 384 : i32
      %dma_wait3A_155 = tpu.memref_slice %arg6[%run_scoped3A_133, %dma_wait3A_154] : memref<2x512xi32, #tpu.memory_space<vmem>> -> memref<1x128xi32, #tpu.memory_space<vmem>>
      %dma_wait3A_156 = tpu.memref_squeeze %dma_wait3A_155 : memref<1x128xi32, #tpu.memory_space<vmem>> -> memref<128xi32, #tpu.memory_space<vmem>>
      %dma_wait3A_157 = arith.constant 0 : i32
      %dma_wait3A_158 = arith.constant 0 : i32
      %dma_wait3A_159 = tpu.memref_slice %arg8[%dma_wait3A_157, %dma_wait3A_158] : memref<100096x16xf32, #tpu.memory_space<vmem_shared>> -> memref<100096x16xf32, #tpu.memory_space<vmem_shared>>
      tpu.wait_indirect_dma semaphore(%run_scoped3A_139 : memref<!tpu.dma_semaphore, #tpu.memory_space<semaphore_mem>>) src(%dma_wait3A_153 : memref<128x16xf32, #tpu.memory_space<vmem>>) dst(%dma_wait3A_159 : memref<100096x16xf32, #tpu.memory_space<vmem_shared>>)
      tpu.yield
    }) : () -> ()
    %barrier3A_134 = arith.constant 0 : index
    tpu.barrier barrier_id(%barrier3A_134)
    %mul3A_135 = arith.constant 6256 : i32
    %mul3A_136 = arith.muli %arg1, %mul3A_135 : i32
    %mul3A_137 = arith.constant 6256 : i32
    %mul3A_138 = arith.muli %arg1, %mul3A_137 : i32
    "tpu.region"() ({
      %run_scoped3A_139 = tpu.sem_alloc : memref<!tpu.dma_semaphore, #tpu.memory_space<semaphore_mem>>
      %dma_start3A_140 = arith.constant 0 : i32
      %dma_start3A_141 = tpu.memref_slice %arg5[%arg0, %mul3A_138, %dma_start3A_140] : memref<2x100096x128xf32, #tpu.memory_space<hbm>> -> memref<1x6256x16xf32, #tpu.memory_space<hbm>>
      %dma_start3A_142 = tpu.memref_squeeze %dma_start3A_141 : memref<1x6256x16xf32, #tpu.memory_space<hbm>> -> memref<6256x16xf32, #tpu.memory_space<hbm>>
      %dma_start3A_143 = arith.constant 0 : i32
      %dma_start3A_144 = tpu.memref_slice %arg8[%mul3A_136, %dma_start3A_143] : memref<100096x16xf32, #tpu.memory_space<vmem_shared>> -> memref<6256x16xf32, #tpu.memory_space<vmem_shared>>
      tpu.enqueue_dma source(%dma_start3A_144 : memref<6256x16xf32, #tpu.memory_space<vmem_shared>>) target(%dma_start3A_142 : memref<6256x16xf32, #tpu.memory_space<hbm>>) target_semaphore(%run_scoped3A_139 : memref<!tpu.dma_semaphore, #tpu.memory_space<semaphore_mem>>)
      %dma_wait3A_145 = arith.constant 0 : i32
      %dma_wait3A_146 = tpu.memref_slice %arg5[%arg0, %mul3A_138, %dma_wait3A_145] : memref<2x100096x128xf32, #tpu.memory_space<hbm>> -> memref<1x6256x16xf32, #tpu.memory_space<hbm>>
      %dma_wait3A_147 = tpu.memref_squeeze %dma_wait3A_146 : memref<1x6256x16xf32, #tpu.memory_space<hbm>> -> memref<6256x16xf32, #tpu.memory_space<hbm>>
      %dma_wait3A_148 = arith.constant 0 : i32
      %dma_wait3A_149 = tpu.memref_slice %arg8[%mul3A_136, %dma_wait3A_148] : memref<100096x16xf32, #tpu.memory_space<vmem_shared>> -> memref<6256x16xf32, #tpu.memory_space<vmem_shared>>
      tpu.wait_dma2 semaphore(%run_scoped3A_139 : memref<!tpu.dma_semaphore, #tpu.memory_space<semaphore_mem>>) src(%dma_wait3A_149 : memref<6256x16xf32, #tpu.memory_space<vmem_shared>>) dst(%dma_wait3A_147 : memref<6256x16xf32, #tpu.memory_space<hbm>>)
      tpu.yield
    }) : () -> ()
    return
  }
}

#map = affine_map<(d0, d1) -> (0, 0)>
#map1 = affine_map<(d0, d1) -> (0)>
#map2 = affine_map<(d0, d1) -> (0, 0, 0)>
module attributes {stable_mosaic.version = 14 : i64} {
  func.func @k(%arg0: i32, %arg1: i32, %arg2: memref<1600000x128xf32, #tpu.memory_space<hbm>>, %arg3: memref<3276800xi32, #tpu.memory_space<hbm>>, %arg4: memref<6256x16xf32, #tpu.memory_space<hbm>>, %arg5: memref<2x100096x128xf32, #tpu.memory_space<hbm>>, %arg6: memref<2x512xi32, #tpu.memory_space<vmem>>, %arg7: memref<2x503x16xf32, #tpu.memory_space<vmem>>, %arg8: memref<100096x16xf32, #tpu.memory_space<vmem_shared>>, %arg9: memref<!tpu.dma_semaphore, #tpu.memory_space<semaphore_mem>>, %arg10: memref<!tpu.dma_semaphore, #tpu.memory_space<semaphore_mem>>, %arg11: memref<!tpu.dma_semaphore, #tpu.memory_space<semaphore_mem>>, %arg12: memref<!tpu.dma_semaphore, #tpu.memory_space<semaphore_mem>>) attributes {dimension_semantics = [#tpu.dimension_semantics<core_parallel>, #tpu.dimension_semantics<subcore_parallel>], iteration_bounds = array<i64: 2, 16>, scalar_prefetch = 0 : i64, scratch_operands = 7 : i64, tpu.core_type = #tpu.core_type<sc_vector_subcore>, window_params = [{transform_indices = #map}, {transform_indices = #map1}, {transform_indices = #map}, {transform_indices = #map2}]} {
    %mul3A = arith.constant 2 : i32
    %mul3A_0 = arith.muli %arg1, %mul3A : i32
    %add3A = arith.addi %mul3A_0, %arg0 : i32
    %mul3A_1 = arith.constant 400 : i32
    %mul3A_2 = arith.muli %add3A, %mul3A_1 : i32
    %mul3A_3 = arith.constant 6256 : i32
    %mul3A_4 = arith.muli %arg1, %mul3A_3 : i32
    "tpu.region"() ({
      %run_scoped3A_139 = tpu.sem_alloc : memref<!tpu.dma_semaphore, #tpu.memory_space<semaphore_mem>>
      %dma_start3A_140 = arith.constant 0 : i32
      %dma_start3A_141 = tpu.memref_slice %arg8[%mul3A_4, %dma_start3A_140] : memref<100096x16xf32, #tpu.memory_space<vmem_shared>> -> memref<6256x16xf32, #tpu.memory_space<vmem_shared>>
      tpu.enqueue_dma source(%arg4 : memref<6256x16xf32, #tpu.memory_space<hbm>>) target(%dma_start3A_141 : memref<6256x16xf32, #tpu.memory_space<vmem_shared>>) target_semaphore(%run_scoped3A_139 : memref<!tpu.dma_semaphore, #tpu.memory_space<semaphore_mem>>)
      %dma_wait3A_142 = arith.constant 0 : i32
      %dma_wait3A_143 = tpu.memref_slice %arg8[%mul3A_4, %dma_wait3A_142] : memref<100096x16xf32, #tpu.memory_space<vmem_shared>> -> memref<6256x16xf32, #tpu.memory_space<vmem_shared>>
      tpu.wait_dma2 semaphore(%run_scoped3A_139 : memref<!tpu.dma_semaphore, #tpu.memory_space<semaphore_mem>>) src(%arg4 : memref<6256x16xf32, #tpu.memory_space<hbm>>) dst(%dma_wait3A_143 : memref<6256x16xf32, #tpu.memory_space<vmem_shared>>)
      tpu.yield
    }) : () -> ()
    %barrier3A = arith.constant 0 : index
    tpu.barrier barrier_id(%barrier3A)
    %add3A_5 = arith.constant 0 : i32
    %add3A_6 = arith.addi %mul3A_2, %add3A_5 : i32
    %add3A_7 = arith.constant 12800 : i32
    %add3A_8 = arith.addi %add3A_7, %add3A_6 : i32
    %mul3A_9 = arith.constant 128 : i32
    %mul3A_10 = arith.muli %add3A_8, %mul3A_9 : i32
    %dma_start3A = arith.constant 0 : i32
    %dma_start3A_11 = arith.constant 0 : i32
    %dma_start3A_12 = tpu.memref_slice %arg6[%dma_start3A, %dma_start3A_11] : memref<2x512xi32, #tpu.memory_space<vmem>> -> memref<1x512xi32, #tpu.memory_space<vmem>>
    %dma_start3A_13 = tpu.memref_squeeze %dma_start3A_12 : memref<1x512xi32, #tpu.memory_space<vmem>> -> memref<512xi32, #tpu.memory_space<vmem>>
    %dma_start3A_14 = tpu.memref_slice %arg3[%mul3A_10] : memref<3276800xi32, #tpu.memory_space<hbm>> -> memref<512xi32, #tpu.memory_space<hbm>>
    %dma_start3A_15 = arith.constant 0 : i32
    %dma_start3A_16 = tpu.memref_slice %arg6[%dma_start3A, %dma_start3A_15] : memref<2x512xi32, #tpu.memory_space<vmem>> -> memref<1x512xi32, #tpu.memory_space<vmem>>
    %dma_start3A_17 = tpu.memref_squeeze %dma_start3A_16 : memref<1x512xi32, #tpu.memory_space<vmem>> -> memref<512xi32, #tpu.memory_space<vmem>>
    %dma_start3A_18 = tpu.memref_slice %arg3[%mul3A_10] : memref<3276800xi32, #tpu.memory_space<hbm>> -> memref<512xi32, #tpu.memory_space<hbm>>
    tpu.enqueue_dma source(%dma_start3A_18 : memref<512xi32, #tpu.memory_space<hbm>>) target(%dma_start3A_17 : memref<512xi32, #tpu.memory_space<vmem>>) target_semaphore(%arg9 : memref<!tpu.dma_semaphore, #tpu.memory_space<semaphore_mem>>)
    %mul3A_19 = arith.constant 125 : i32
    %mul3A_20 = arith.muli %add3A_6, %mul3A_19 : i32
    %dma_start3A_21 = arith.constant 0 : i32
    %dma_start3A_22 = arith.constant 0 : i32
    %dma_start3A_23 = arith.constant 0 : i32
    %dma_start3A_24 = tpu.memref_slice %arg7[%dma_start3A_21, %dma_start3A_22, %dma_start3A_23] : memref<2x503x16xf32, #tpu.memory_space<vmem>> -> memref<1x500x16xf32, #tpu.memory_space<vmem>>
    %dma_start3A_25 = tpu.memref_squeeze %dma_start3A_24 : memref<1x500x16xf32, #tpu.memory_space<vmem>> -> memref<500x16xf32, #tpu.memory_space<vmem>>
    %dma_start3A_26 = arith.constant 0 : i32
    %dma_start3A_27 = tpu.memref_slice %arg2[%mul3A_20, %dma_start3A_26] : memref<1600000x128xf32, #tpu.memory_space<hbm>> -> memref<500x16xf32, #tpu.memory_space<hbm>>
    %dma_start3A_28 = arith.constant 0 : i32
    %dma_start3A_29 = arith.constant 0 : i32
    %dma_start3A_30 = tpu.memref_slice %arg7[%dma_start3A_21, %dma_start3A_28, %dma_start3A_29] : memref<2x503x16xf32, #tpu.memory_space<vmem>> -> memref<1x500x16xf32, #tpu.memory_space<vmem>>
    %dma_start3A_31 = tpu.memref_squeeze %dma_start3A_30 : memref<1x500x16xf32, #tpu.memory_space<vmem>> -> memref<500x16xf32, #tpu.memory_space<vmem>>
    %dma_start3A_32 = arith.constant 0 : i32
    %dma_start3A_33 = tpu.memref_slice %arg2[%mul3A_20, %dma_start3A_32] : memref<1600000x128xf32, #tpu.memory_space<hbm>> -> memref<500x16xf32, #tpu.memory_space<hbm>>
    tpu.enqueue_dma source(%dma_start3A_33 : memref<500x16xf32, #tpu.memory_space<hbm>>) target(%dma_start3A_31 : memref<500x16xf32, #tpu.memory_space<vmem>>) target_semaphore(%arg10 : memref<!tpu.dma_semaphore, #tpu.memory_space<semaphore_mem>>)
    %add3A_34 = arith.constant 4 : i32
    %add3A_35 = arith.addi %mul3A_2, %add3A_34 : i32
    %add3A_36 = arith.constant 12800 : i32
    %add3A_37 = arith.addi %add3A_36, %add3A_35 : i32
    %mul3A_38 = arith.constant 128 : i32
    %mul3A_39 = arith.muli %add3A_37, %mul3A_38 : i32
    %dma_start3A_40 = arith.constant 1 : i32
    %dma_start3A_41 = arith.constant 0 : i32
    %dma_start3A_42 = tpu.memref_slice %arg6[%dma_start3A_40, %dma_start3A_41] : memref<2x512xi32, #tpu.memory_space<vmem>> -> memref<1x512xi32, #tpu.memory_space<vmem>>
    %dma_start3A_43 = tpu.memref_squeeze %dma_start3A_42 : memref<1x512xi32, #tpu.memory_space<vmem>> -> memref<512xi32, #tpu.memory_space<vmem>>
    %dma_start3A_44 = tpu.memref_slice %arg3[%mul3A_39] : memref<3276800xi32, #tpu.memory_space<hbm>> -> memref<512xi32, #tpu.memory_space<hbm>>
    %dma_start3A_45 = arith.constant 0 : i32
    %dma_start3A_46 = tpu.memref_slice %arg6[%dma_start3A_40, %dma_start3A_45] : memref<2x512xi32, #tpu.memory_space<vmem>> -> memref<1x512xi32, #tpu.memory_space<vmem>>
    %dma_start3A_47 = tpu.memref_squeeze %dma_start3A_46 : memref<1x512xi32, #tpu.memory_space<vmem>> -> memref<512xi32, #tpu.memory_space<vmem>>
    %dma_start3A_48 = tpu.memref_slice %arg3[%mul3A_39] : memref<3276800xi32, #tpu.memory_space<hbm>> -> memref<512xi32, #tpu.memory_space<hbm>>
    tpu.enqueue_dma source(%dma_start3A_48 : memref<512xi32, #tpu.memory_space<hbm>>) target(%dma_start3A_47 : memref<512xi32, #tpu.memory_space<vmem>>) target_semaphore(%arg11 : memref<!tpu.dma_semaphore, #tpu.memory_space<semaphore_mem>>)
    %mul3A_49 = arith.constant 125 : i32
    %mul3A_50 = arith.muli %add3A_35, %mul3A_49 : i32
    %dma_start3A_51 = arith.constant 1 : i32
    %dma_start3A_52 = arith.constant 0 : i32
    %dma_start3A_53 = arith.constant 0 : i32
    %dma_start3A_54 = tpu.memref_slice %arg7[%dma_start3A_51, %dma_start3A_52, %dma_start3A_53] : memref<2x503x16xf32, #tpu.memory_space<vmem>> -> memref<1x500x16xf32, #tpu.memory_space<vmem>>
    %dma_start3A_55 = tpu.memref_squeeze %dma_start3A_54 : memref<1x500x16xf32, #tpu.memory_space<vmem>> -> memref<500x16xf32, #tpu.memory_space<vmem>>
    %dma_start3A_56 = arith.constant 0 : i32
    %dma_start3A_57 = tpu.memref_slice %arg2[%mul3A_50, %dma_start3A_56] : memref<1600000x128xf32, #tpu.memory_space<hbm>> -> memref<500x16xf32, #tpu.memory_space<hbm>>
    %dma_start3A_58 = arith.constant 0 : i32
    %dma_start3A_59 = arith.constant 0 : i32
    %dma_start3A_60 = tpu.memref_slice %arg7[%dma_start3A_51, %dma_start3A_58, %dma_start3A_59] : memref<2x503x16xf32, #tpu.memory_space<vmem>> -> memref<1x500x16xf32, #tpu.memory_space<vmem>>
    %dma_start3A_61 = tpu.memref_squeeze %dma_start3A_60 : memref<1x500x16xf32, #tpu.memory_space<vmem>> -> memref<500x16xf32, #tpu.memory_space<vmem>>
    %dma_start3A_62 = arith.constant 0 : i32
    %dma_start3A_63 = tpu.memref_slice %arg2[%mul3A_50, %dma_start3A_62] : memref<1600000x128xf32, #tpu.memory_space<hbm>> -> memref<500x16xf32, #tpu.memory_space<hbm>>
    tpu.enqueue_dma source(%dma_start3A_63 : memref<500x16xf32, #tpu.memory_space<hbm>>) target(%dma_start3A_61 : memref<500x16xf32, #tpu.memory_space<vmem>>) target_semaphore(%arg12 : memref<!tpu.dma_semaphore, #tpu.memory_space<semaphore_mem>>)
    %scan3A = arith.constant 0 : i32
    %scan3A_64 = arith.constant 49 : i32
    %scan3A_65 = arith.addi %scan3A, %scan3A_64 : i32
    %scan3A_66 = arith.constant 1 : i32
    scf.for %scan3A_139 = %scan3A to %scan3A_65 step %scan3A_66  : i32 {
      %mul3A_140 = arith.constant 2 : i32
      %mul3A_141 = arith.muli %scan3A_139, %mul3A_140 : i32
      %add3A_142 = arith.constant 0 : i32
      %add3A_143 = arith.addi %add3A_142, %mul3A_141 : i32
      %dma_wait3A_144 = arith.constant 0 : i32
      %dma_wait3A_145 = arith.constant 0 : i32
      %dma_wait3A_146 = tpu.memref_slice %arg6[%dma_wait3A_144, %dma_wait3A_145] : memref<2x512xi32, #tpu.memory_space<vmem>> -> memref<1x512xi32, #tpu.memory_space<vmem>>
      %dma_wait3A_147 = tpu.memref_squeeze %dma_wait3A_146 : memref<1x512xi32, #tpu.memory_space<vmem>> -> memref<512xi32, #tpu.memory_space<vmem>>
      %dma_wait3A_148 = arith.constant 0 : i32
      %dma_wait3A_149 = tpu.memref_slice %arg3[%dma_wait3A_148] : memref<3276800xi32, #tpu.memory_space<hbm>> -> memref<512xi32, #tpu.memory_space<hbm>>
      %dma_wait3A_150 = arith.constant 0 : i32
      %dma_wait3A_151 = tpu.memref_slice %arg6[%dma_wait3A_144, %dma_wait3A_150] : memref<2x512xi32, #tpu.memory_space<vmem>> -> memref<1x512xi32, #tpu.memory_space<vmem>>
      %dma_wait3A_152 = tpu.memref_squeeze %dma_wait3A_151 : memref<1x512xi32, #tpu.memory_space<vmem>> -> memref<512xi32, #tpu.memory_space<vmem>>
      %dma_wait3A_153 = arith.constant 0 : i32
      %dma_wait3A_154 = tpu.memref_slice %arg3[%dma_wait3A_153] : memref<3276800xi32, #tpu.memory_space<hbm>> -> memref<512xi32, #tpu.memory_space<hbm>>
      tpu.wait_dma2 semaphore(%arg9 : memref<!tpu.dma_semaphore, #tpu.memory_space<semaphore_mem>>) src(%dma_wait3A_154 : memref<512xi32, #tpu.memory_space<hbm>>) dst(%dma_wait3A_152 : memref<512xi32, #tpu.memory_space<vmem>>)
      %dma_wait3A_155 = arith.constant 0 : i32
      %dma_wait3A_156 = arith.constant 0 : i32
      %dma_wait3A_157 = arith.constant 0 : i32
      %dma_wait3A_158 = tpu.memref_slice %arg7[%dma_wait3A_155, %dma_wait3A_156, %dma_wait3A_157] : memref<2x503x16xf32, #tpu.memory_space<vmem>> -> memref<1x500x16xf32, #tpu.memory_space<vmem>>
      %dma_wait3A_159 = tpu.memref_squeeze %dma_wait3A_158 : memref<1x500x16xf32, #tpu.memory_space<vmem>> -> memref<500x16xf32, #tpu.memory_space<vmem>>
      %dma_wait3A_160 = arith.constant 0 : i32
      %dma_wait3A_161 = arith.constant 0 : i32
      %dma_wait3A_162 = tpu.memref_slice %arg2[%dma_wait3A_160, %dma_wait3A_161] : memref<1600000x128xf32, #tpu.memory_space<hbm>> -> memref<500x16xf32, #tpu.memory_space<hbm>>
      %dma_wait3A_163 = arith.constant 0 : i32
      %dma_wait3A_164 = arith.constant 0 : i32
      %dma_wait3A_165 = tpu.memref_slice %arg7[%dma_wait3A_155, %dma_wait3A_163, %dma_wait3A_164] : memref<2x503x16xf32, #tpu.memory_space<vmem>> -> memref<1x500x16xf32, #tpu.memory_space<vmem>>
      %dma_wait3A_166 = tpu.memref_squeeze %dma_wait3A_165 : memref<1x500x16xf32, #tpu.memory_space<vmem>> -> memref<500x16xf32, #tpu.memory_space<vmem>>
      %dma_wait3A_167 = arith.constant 0 : i32
      %dma_wait3A_168 = arith.constant 0 : i32
      %dma_wait3A_169 = tpu.memref_slice %arg2[%dma_wait3A_167, %dma_wait3A_168] : memref<1600000x128xf32, #tpu.memory_space<hbm>> -> memref<500x16xf32, #tpu.memory_space<hbm>>
      tpu.wait_dma2 semaphore(%arg10 : memref<!tpu.dma_semaphore, #tpu.memory_space<semaphore_mem>>) src(%dma_wait3A_169 : memref<500x16xf32, #tpu.memory_space<hbm>>) dst(%dma_wait3A_166 : memref<500x16xf32, #tpu.memory_space<vmem>>)
      %run_scoped3A_170 = arith.constant 0 : i32
      %run_scoped3A_171 = arith.constant 0 : i32
      "tpu.region"() ({
        %run_scoped3A_278 = tpu.sem_alloc : memref<!tpu.dma_semaphore, #tpu.memory_space<semaphore_mem>>
        %dma_start3A_279 = arith.constant 0 : i32
        %dma_start3A_280 = arith.constant 0 : i32
        %dma_start3A_281 = tpu.memref_slice %arg7[%run_scoped3A_170, %dma_start3A_279, %dma_start3A_280] : memref<2x503x16xf32, #tpu.memory_space<vmem>> -> memref<1x128x16xf32, #tpu.memory_space<vmem>>
        %dma_start3A_282 = tpu.memref_squeeze %dma_start3A_281 : memref<1x128x16xf32, #tpu.memory_space<vmem>> -> memref<128x16xf32, #tpu.memory_space<vmem>>
        %dma_start3A_283 = arith.constant 0 : i32
        %dma_start3A_284 = tpu.memref_slice %arg6[%run_scoped3A_171, %dma_start3A_283] : memref<2x512xi32, #tpu.memory_space<vmem>> -> memref<1x128xi32, #tpu.memory_space<vmem>>
        %dma_start3A_285 = tpu.memref_squeeze %dma_start3A_284 : memref<1x128xi32, #tpu.memory_space<vmem>> -> memref<128xi32, #tpu.memory_space<vmem>>
        %dma_start3A_286 = arith.constant 0 : i32
        %dma_start3A_287 = arith.constant 0 : i32
        %dma_start3A_288 = tpu.memref_slice %arg8[%dma_start3A_286, %dma_start3A_287] : memref<100096x16xf32, #tpu.memory_space<vmem_shared>> -> memref<100096x16xf32, #tpu.memory_space<vmem_shared>>
        tpu.enqueue_indirect_dma source(%dma_start3A_282 : memref<128x16xf32, #tpu.memory_space<vmem>>) target(%dma_start3A_288 : memref<100096x16xf32, #tpu.memory_space<vmem_shared>>) offsets(%dma_start3A_285 : memref<128xi32, #tpu.memory_space<vmem>>) semaphore(%run_scoped3A_278 : memref<!tpu.dma_semaphore, #tpu.memory_space<semaphore_mem>>) {add = true}
        %dma_wait3A_289 = arith.constant 0 : i32
        %dma_wait3A_290 = arith.constant 0 : i32
        %dma_wait3A_291 = tpu.memref_slice %arg7[%run_scoped3A_170, %dma_wait3A_289, %dma_wait3A_290] : memref<2x503x16xf32, #tpu.memory_space<vmem>> -> memref<1x128x16xf32, #tpu.memory_space<vmem>>
        %dma_wait3A_292 = tpu.memref_squeeze %dma_wait3A_291 : memref<1x128x16xf32, #tpu.memory_space<vmem>> -> memref<128x16xf32, #tpu.memory_space<vmem>>
        %dma_wait3A_293 = arith.constant 0 : i32
        %dma_wait3A_294 = tpu.memref_slice %arg6[%run_scoped3A_171, %dma_wait3A_293] : memref<2x512xi32, #tpu.memory_space<vmem>> -> memref<1x128xi32, #tpu.memory_space<vmem>>
        %dma_wait3A_295 = tpu.memref_squeeze %dma_wait3A_294 : memref<1x128xi32, #tpu.memory_space<vmem>> -> memref<128xi32, #tpu.memory_space<vmem>>
        %dma_wait3A_296 = arith.constant 0 : i32
        %dma_wait3A_297 = arith.constant 0 : i32
        %dma_wait3A_298 = tpu.memref_slice %arg8[%dma_wait3A_296, %dma_wait3A_297] : memref<100096x16xf32, #tpu.memory_space<vmem_shared>> -> memref<100096x16xf32, #tpu.memory_space<vmem_shared>>
        tpu.wait_indirect_dma semaphore(%run_scoped3A_278 : memref<!tpu.dma_semaphore, #tpu.memory_space<semaphore_mem>>) src(%dma_wait3A_292 : memref<128x16xf32, #tpu.memory_space<vmem>>) dst(%dma_wait3A_298 : memref<100096x16xf32, #tpu.memory_space<vmem_shared>>)
        tpu.yield
      }) : () -> ()
      %run_scoped3A_172 = arith.constant 0 : i32
      %run_scoped3A_173 = arith.constant 0 : i32
      "tpu.region"() ({
        %run_scoped3A_278 = tpu.sem_alloc : memref<!tpu.dma_semaphore, #tpu.memory_space<semaphore_mem>>
        %dma_start3A_279 = arith.constant 125 : i32
        %dma_start3A_280 = arith.constant 0 : i32
        %dma_start3A_281 = tpu.memref_slice %arg7[%run_scoped3A_172, %dma_start3A_279, %dma_start3A_280] : memref<2x503x16xf32, #tpu.memory_space<vmem>> -> memref<1x128x16xf32, #tpu.memory_space<vmem>>
        %dma_start3A_282 = tpu.memref_squeeze %dma_start3A_281 : memref<1x128x16xf32, #tpu.memory_space<vmem>> -> memref<128x16xf32, #tpu.memory_space<vmem>>
        %dma_start3A_283 = arith.constant 128 : i32
        %dma_start3A_284 = tpu.memref_slice %arg6[%run_scoped3A_173, %dma_start3A_283] : memref<2x512xi32, #tpu.memory_space<vmem>> -> memref<1x128xi32, #tpu.memory_space<vmem>>
        %dma_start3A_285 = tpu.memref_squeeze %dma_start3A_284 : memref<1x128xi32, #tpu.memory_space<vmem>> -> memref<128xi32, #tpu.memory_space<vmem>>
        %dma_start3A_286 = arith.constant 0 : i32
        %dma_start3A_287 = arith.constant 0 : i32
        %dma_start3A_288 = tpu.memref_slice %arg8[%dma_start3A_286, %dma_start3A_287] : memref<100096x16xf32, #tpu.memory_space<vmem_shared>> -> memref<100096x16xf32, #tpu.memory_space<vmem_shared>>
        tpu.enqueue_indirect_dma source(%dma_start3A_282 : memref<128x16xf32, #tpu.memory_space<vmem>>) target(%dma_start3A_288 : memref<100096x16xf32, #tpu.memory_space<vmem_shared>>) offsets(%dma_start3A_285 : memref<128xi32, #tpu.memory_space<vmem>>) semaphore(%run_scoped3A_278 : memref<!tpu.dma_semaphore, #tpu.memory_space<semaphore_mem>>) {add = true}
        %dma_wait3A_289 = arith.constant 125 : i32
        %dma_wait3A_290 = arith.constant 0 : i32
        %dma_wait3A_291 = tpu.memref_slice %arg7[%run_scoped3A_172, %dma_wait3A_289, %dma_wait3A_290] : memref<2x503x16xf32, #tpu.memory_space<vmem>> -> memref<1x128x16xf32, #tpu.memory_space<vmem>>
        %dma_wait3A_292 = tpu.memref_squeeze %dma_wait3A_291 : memref<1x128x16xf32, #tpu.memory_space<vmem>> -> memref<128x16xf32, #tpu.memory_space<vmem>>
        %dma_wait3A_293 = arith.constant 128 : i32
        %dma_wait3A_294 = tpu.memref_slice %arg6[%run_scoped3A_173, %dma_wait3A_293] : memref<2x512xi32, #tpu.memory_space<vmem>> -> memref<1x128xi32, #tpu.memory_space<vmem>>
        %dma_wait3A_295 = tpu.memref_squeeze %dma_wait3A_294 : memref<1x128xi32, #tpu.memory_space<vmem>> -> memref<128xi32, #tpu.memory_space<vmem>>
        %dma_wait3A_296 = arith.constant 0 : i32
        %dma_wait3A_297 = arith.constant 0 : i32
        %dma_wait3A_298 = tpu.memref_slice %arg8[%dma_wait3A_296, %dma_wait3A_297] : memref<100096x16xf32, #tpu.memory_space<vmem_shared>> -> memref<100096x16xf32, #tpu.memory_space<vmem_shared>>
        tpu.wait_indirect_dma semaphore(%run_scoped3A_278 : memref<!tpu.dma_semaphore, #tpu.memory_space<semaphore_mem>>) src(%dma_wait3A_292 : memref<128x16xf32, #tpu.memory_space<vmem>>) dst(%dma_wait3A_298 : memref<100096x16xf32, #tpu.memory_space<vmem_shared>>)
        tpu.yield
      }) : () -> ()
      %run_scoped3A_174 = arith.constant 0 : i32
      %run_scoped3A_175 = arith.constant 0 : i32
      "tpu.region"() ({
        %run_scoped3A_278 = tpu.sem_alloc : memref<!tpu.dma_semaphore, #tpu.memory_space<semaphore_mem>>
        %dma_start3A_279 = arith.constant 250 : i32
        %dma_start3A_280 = arith.constant 0 : i32
        %dma_start3A_281 = tpu.memref_slice %arg7[%run_scoped3A_174, %dma_start3A_279, %dma_start3A_280] : memref<2x503x16xf32, #tpu.memory_space<vmem>> -> memref<1x128x16xf32, #tpu.memory_space<vmem>>
        %dma_start3A_282 = tpu.memref_squeeze %dma_start3A_281 : memref<1x128x16xf32, #tpu.memory_space<vmem>> -> memref<128x16xf32, #tpu.memory_space<vmem>>
        %dma_start3A_283 = arith.constant 256 : i32
        %dma_start3A_284 = tpu.memref_slice %arg6[%run_scoped3A_175, %dma_start3A_283] : memref<2x512xi32, #tpu.memory_space<vmem>> -> memref<1x128xi32, #tpu.memory_space<vmem>>
        %dma_start3A_285 = tpu.memref_squeeze %dma_start3A_284 : memref<1x128xi32, #tpu.memory_space<vmem>> -> memref<128xi32, #tpu.memory_space<vmem>>
        %dma_start3A_286 = arith.constant 0 : i32
        %dma_start3A_287 = arith.constant 0 : i32
        %dma_start3A_288 = tpu.memref_slice %arg8[%dma_start3A_286, %dma_start3A_287] : memref<100096x16xf32, #tpu.memory_space<vmem_shared>> -> memref<100096x16xf32, #tpu.memory_space<vmem_shared>>
        tpu.enqueue_indirect_dma source(%dma_start3A_282 : memref<128x16xf32, #tpu.memory_space<vmem>>) target(%dma_start3A_288 : memref<100096x16xf32, #tpu.memory_space<vmem_shared>>) offsets(%dma_start3A_285 : memref<128xi32, #tpu.memory_space<vmem>>) semaphore(%run_scoped3A_278 : memref<!tpu.dma_semaphore, #tpu.memory_space<semaphore_mem>>) {add = true}
        %dma_wait3A_289 = arith.constant 250 : i32
        %dma_wait3A_290 = arith.constant 0 : i32
        %dma_wait3A_291 = tpu.memref_slice %arg7[%run_scoped3A_174, %dma_wait3A_289, %dma_wait3A_290] : memref<2x503x16xf32, #tpu.memory_space<vmem>> -> memref<1x128x16xf32, #tpu.memory_space<vmem>>
        %dma_wait3A_292 = tpu.memref_squeeze %dma_wait3A_291 : memref<1x128x16xf32, #tpu.memory_space<vmem>> -> memref<128x16xf32, #tpu.memory_space<vmem>>
        %dma_wait3A_293 = arith.constant 256 : i32
        %dma_wait3A_294 = tpu.memref_slice %arg6[%run_scoped3A_175, %dma_wait3A_293] : memref<2x512xi32, #tpu.memory_space<vmem>> -> memref<1x128xi32, #tpu.memory_space<vmem>>
        %dma_wait3A_295 = tpu.memref_squeeze %dma_wait3A_294 : memref<1x128xi32, #tpu.memory_space<vmem>> -> memref<128xi32, #tpu.memory_space<vmem>>
        %dma_wait3A_296 = arith.constant 0 : i32
        %dma_wait3A_297 = arith.constant 0 : i32
        %dma_wait3A_298 = tpu.memref_slice %arg8[%dma_wait3A_296, %dma_wait3A_297] : memref<100096x16xf32, #tpu.memory_space<vmem_shared>> -> memref<100096x16xf32, #tpu.memory_space<vmem_shared>>
        tpu.wait_indirect_dma semaphore(%run_scoped3A_278 : memref<!tpu.dma_semaphore, #tpu.memory_space<semaphore_mem>>) src(%dma_wait3A_292 : memref<128x16xf32, #tpu.memory_space<vmem>>) dst(%dma_wait3A_298 : memref<100096x16xf32, #tpu.memory_space<vmem_shared>>)
        tpu.yield
      }) : () -> ()
      %run_scoped3A_176 = arith.constant 0 : i32
      %run_scoped3A_177 = arith.constant 0 : i32
      "tpu.region"() ({
        %run_scoped3A_278 = tpu.sem_alloc : memref<!tpu.dma_semaphore, #tpu.memory_space<semaphore_mem>>
        %dma_start3A_279 = arith.constant 375 : i32
        %dma_start3A_280 = arith.constant 0 : i32
        %dma_start3A_281 = tpu.memref_slice %arg7[%run_scoped3A_176, %dma_start3A_279, %dma_start3A_280] : memref<2x503x16xf32, #tpu.memory_space<vmem>> -> memref<1x128x16xf32, #tpu.memory_space<vmem>>
        %dma_start3A_282 = tpu.memref_squeeze %dma_start3A_281 : memref<1x128x16xf32, #tpu.memory_space<vmem>> -> memref<128x16xf32, #tpu.memory_space<vmem>>
        %dma_start3A_283 = arith.constant 384 : i32
        %dma_start3A_284 = tpu.memref_slice %arg6[%run_scoped3A_177, %dma_start3A_283] : memref<2x512xi32, #tpu.memory_space<vmem>> -> memref<1x128xi32, #tpu.memory_space<vmem>>
        %dma_start3A_285 = tpu.memref_squeeze %dma_start3A_284 : memref<1x128xi32, #tpu.memory_space<vmem>> -> memref<128xi32, #tpu.memory_space<vmem>>
        %dma_start3A_286 = arith.constant 0 : i32
        %dma_start3A_287 = arith.constant 0 : i32
        %dma_start3A_288 = tpu.memref_slice %arg8[%dma_start3A_286, %dma_start3A_287] : memref<100096x16xf32, #tpu.memory_space<vmem_shared>> -> memref<100096x16xf32, #tpu.memory_space<vmem_shared>>
        tpu.enqueue_indirect_dma source(%dma_start3A_282 : memref<128x16xf32, #tpu.memory_space<vmem>>) target(%dma_start3A_288 : memref<100096x16xf32, #tpu.memory_space<vmem_shared>>) offsets(%dma_start3A_285 : memref<128xi32, #tpu.memory_space<vmem>>) semaphore(%run_scoped3A_278 : memref<!tpu.dma_semaphore, #tpu.memory_space<semaphore_mem>>) {add = true}
        %dma_wait3A_289 = arith.constant 375 : i32
        %dma_wait3A_290 = arith.constant 0 : i32
        %dma_wait3A_291 = tpu.memref_slice %arg7[%run_scoped3A_176, %dma_wait3A_289, %dma_wait3A_290] : memref<2x503x16xf32, #tpu.memory_space<vmem>> -> memref<1x128x16xf32, #tpu.memory_space<vmem>>
        %dma_wait3A_292 = tpu.memref_squeeze %dma_wait3A_291 : memref<1x128x16xf32, #tpu.memory_space<vmem>> -> memref<128x16xf32, #tpu.memory_space<vmem>>
        %dma_wait3A_293 = arith.constant 384 : i32
        %dma_wait3A_294 = tpu.memref_slice %arg6[%run_scoped3A_177, %dma_wait3A_293] : memref<2x512xi32, #tpu.memory_space<vmem>> -> memref<1x128xi32, #tpu.memory_space<vmem>>
        %dma_wait3A_295 = tpu.memref_squeeze %dma_wait3A_294 : memref<1x128xi32, #tpu.memory_space<vmem>> -> memref<128xi32, #tpu.memory_space<vmem>>
        %dma_wait3A_296 = arith.constant 0 : i32
        %dma_wait3A_297 = arith.constant 0 : i32
        %dma_wait3A_298 = tpu.memref_slice %arg8[%dma_wait3A_296, %dma_wait3A_297] : memref<100096x16xf32, #tpu.memory_space<vmem_shared>> -> memref<100096x16xf32, #tpu.memory_space<vmem_shared>>
        tpu.wait_indirect_dma semaphore(%run_scoped3A_278 : memref<!tpu.dma_semaphore, #tpu.memory_space<semaphore_mem>>) src(%dma_wait3A_292 : memref<128x16xf32, #tpu.memory_space<vmem>>) dst(%dma_wait3A_298 : memref<100096x16xf32, #tpu.memory_space<vmem_shared>>)
        tpu.yield
      }) : () -> ()
      %add3A_178 = arith.constant 2 : i32
      %add3A_179 = arith.addi %add3A_143, %add3A_178 : i32
      %mul3A_180 = arith.constant 4 : i32
      %mul3A_181 = arith.muli %add3A_179, %mul3A_180 : i32
      %add3A_182 = arith.addi %mul3A_2, %mul3A_181 : i32
      %add3A_183 = arith.constant 12800 : i32
      %add3A_184 = arith.addi %add3A_183, %add3A_182 : i32
      %mul3A_185 = arith.constant 128 : i32
      %mul3A_186 = arith.muli %add3A_184, %mul3A_185 : i32
      %dma_start3A_187 = arith.constant 0 : i32
      %dma_start3A_188 = arith.constant 0 : i32
      %dma_start3A_189 = tpu.memref_slice %arg6[%dma_start3A_187, %dma_start3A_188] : memref<2x512xi32, #tpu.memory_space<vmem>> -> memref<1x512xi32, #tpu.memory_space<vmem>>
      %dma_start3A_190 = tpu.memref_squeeze %dma_start3A_189 : memref<1x512xi32, #tpu.memory_space<vmem>> -> memref<512xi32, #tpu.memory_space<vmem>>
      %dma_start3A_191 = tpu.memref_slice %arg3[%mul3A_186] : memref<3276800xi32, #tpu.memory_space<hbm>> -> memref<512xi32, #tpu.memory_space<hbm>>
      %dma_start3A_192 = arith.constant 0 : i32
      %dma_start3A_193 = tpu.memref_slice %arg6[%dma_start3A_187, %dma_start3A_192] : memref<2x512xi32, #tpu.memory_space<vmem>> -> memref<1x512xi32, #tpu.memory_space<vmem>>
      %dma_start3A_194 = tpu.memref_squeeze %dma_start3A_193 : memref<1x512xi32, #tpu.memory_space<vmem>> -> memref<512xi32, #tpu.memory_space<vmem>>
      %dma_start3A_195 = tpu.memref_slice %arg3[%mul3A_186] : memref<3276800xi32, #tpu.memory_space<hbm>> -> memref<512xi32, #tpu.memory_space<hbm>>
      tpu.enqueue_dma source(%dma_start3A_195 : memref<512xi32, #tpu.memory_space<hbm>>) target(%dma_start3A_194 : memref<512xi32, #tpu.memory_space<vmem>>) target_semaphore(%arg9 : memref<!tpu.dma_semaphore, #tpu.memory_space<semaphore_mem>>)
      %mul3A_196 = arith.constant 125 : i32
      %mul3A_197 = arith.muli %add3A_182, %mul3A_196 : i32
      %dma_start3A_198 = arith.constant 0 : i32
      %dma_start3A_199 = arith.constant 0 : i32
      %dma_start3A_200 = arith.constant 0 : i32
      %dma_start3A_201 = tpu.memref_slice %arg7[%dma_start3A_198, %dma_start3A_199, %dma_start3A_200] : memref<2x503x16xf32, #tpu.memory_space<vmem>> -> memref<1x500x16xf32, #tpu.memory_space<vmem>>
      %dma_start3A_202 = tpu.memref_squeeze %dma_start3A_201 : memref<1x500x16xf32, #tpu.memory_space<vmem>> -> memref<500x16xf32, #tpu.memory_space<vmem>>
      %dma_start3A_203 = arith.constant 0 : i32
      %dma_start3A_204 = tpu.memref_slice %arg2[%mul3A_197, %dma_start3A_203] : memref<1600000x128xf32, #tpu.memory_space<hbm>> -> memref<500x16xf32, #tpu.memory_space<hbm>>
      %dma_start3A_205 = arith.constant 0 : i32
      %dma_start3A_206 = arith.constant 0 : i32
      %dma_start3A_207 = tpu.memref_slice %arg7[%dma_start3A_198, %dma_start3A_205, %dma_start3A_206] : memref<2x503x16xf32, #tpu.memory_space<vmem>> -> memref<1x500x16xf32, #tpu.memory_space<vmem>>
      %dma_start3A_208 = tpu.memref_squeeze %dma_start3A_207 : memref<1x500x16xf32, #tpu.memory_space<vmem>> -> memref<500x16xf32, #tpu.memory_space<vmem>>
      %dma_start3A_209 = arith.constant 0 : i32
      %dma_start3A_210 = tpu.memref_slice %arg2[%mul3A_197, %dma_start3A_209] : memref<1600000x128xf32, #tpu.memory_space<hbm>> -> memref<500x16xf32, #tpu.memory_space<hbm>>
      tpu.enqueue_dma source(%dma_start3A_210 : memref<500x16xf32, #tpu.memory_space<hbm>>) target(%dma_start3A_208 : memref<500x16xf32, #tpu.memory_space<vmem>>) target_semaphore(%arg10 : memref<!tpu.dma_semaphore, #tpu.memory_space<semaphore_mem>>)
      %dma_wait3A_211 = arith.constant 1 : i32
      %dma_wait3A_212 = arith.constant 0 : i32
      %dma_wait3A_213 = tpu.memref_slice %arg6[%dma_wait3A_211, %dma_wait3A_212] : memref<2x512xi32, #tpu.memory_space<vmem>> -> memref<1x512xi32, #tpu.memory_space<vmem>>
      %dma_wait3A_214 = tpu.memref_squeeze %dma_wait3A_213 : memref<1x512xi32, #tpu.memory_space<vmem>> -> memref<512xi32, #tpu.memory_space<vmem>>
      %dma_wait3A_215 = arith.constant 0 : i32
      %dma_wait3A_216 = tpu.memref_slice %arg3[%dma_wait3A_215] : memref<3276800xi32, #tpu.memory_space<hbm>> -> memref<512xi32, #tpu.memory_space<hbm>>
      %dma_wait3A_217 = arith.constant 0 : i32
      %dma_wait3A_218 = tpu.memref_slice %arg6[%dma_wait3A_211, %dma_wait3A_217] : memref<2x512xi32, #tpu.memory_space<vmem>> -> memref<1x512xi32, #tpu.memory_space<vmem>>
      %dma_wait3A_219 = tpu.memref_squeeze %dma_wait3A_218 : memref<1x512xi32, #tpu.memory_space<vmem>> -> memref<512xi32, #tpu.memory_space<vmem>>
      %dma_wait3A_220 = arith.constant 0 : i32
      %dma_wait3A_221 = tpu.memref_slice %arg3[%dma_wait3A_220] : memref<3276800xi32, #tpu.memory_space<hbm>> -> memref<512xi32, #tpu.memory_space<hbm>>
      tpu.wait_dma2 semaphore(%arg11 : memref<!tpu.dma_semaphore, #tpu.memory_space<semaphore_mem>>) src(%dma_wait3A_221 : memref<512xi32, #tpu.memory_space<hbm>>) dst(%dma_wait3A_219 : memref<512xi32, #tpu.memory_space<vmem>>)
      %dma_wait3A_222 = arith.constant 1 : i32
      %dma_wait3A_223 = arith.constant 0 : i32
      %dma_wait3A_224 = arith.constant 0 : i32
      %dma_wait3A_225 = tpu.memref_slice %arg7[%dma_wait3A_222, %dma_wait3A_223, %dma_wait3A_224] : memref<2x503x16xf32, #tpu.memory_space<vmem>> -> memref<1x500x16xf32, #tpu.memory_space<vmem>>
      %dma_wait3A_226 = tpu.memref_squeeze %dma_wait3A_225 : memref<1x500x16xf32, #tpu.memory_space<vmem>> -> memref<500x16xf32, #tpu.memory_space<vmem>>
      %dma_wait3A_227 = arith.constant 0 : i32
      %dma_wait3A_228 = arith.constant 0 : i32
      %dma_wait3A_229 = tpu.memref_slice %arg2[%dma_wait3A_227, %dma_wait3A_228] : memref<1600000x128xf32, #tpu.memory_space<hbm>> -> memref<500x16xf32, #tpu.memory_space<hbm>>
      %dma_wait3A_230 = arith.constant 0 : i32
      %dma_wait3A_231 = arith.constant 0 : i32
      %dma_wait3A_232 = tpu.memref_slice %arg7[%dma_wait3A_222, %dma_wait3A_230, %dma_wait3A_231] : memref<2x503x16xf32, #tpu.memory_space<vmem>> -> memref<1x500x16xf32, #tpu.memory_space<vmem>>
      %dma_wait3A_233 = tpu.memref_squeeze %dma_wait3A_232 : memref<1x500x16xf32, #tpu.memory_space<vmem>> -> memref<500x16xf32, #tpu.memory_space<vmem>>
      %dma_wait3A_234 = arith.constant 0 : i32
      %dma_wait3A_235 = arith.constant 0 : i32
      %dma_wait3A_236 = tpu.memref_slice %arg2[%dma_wait3A_234, %dma_wait3A_235] : memref<1600000x128xf32, #tpu.memory_space<hbm>> -> memref<500x16xf32, #tpu.memory_space<hbm>>
      tpu.wait_dma2 semaphore(%arg12 : memref<!tpu.dma_semaphore, #tpu.memory_space<semaphore_mem>>) src(%dma_wait3A_236 : memref<500x16xf32, #tpu.memory_space<hbm>>) dst(%dma_wait3A_233 : memref<500x16xf32, #tpu.memory_space<vmem>>)
      %run_scoped3A_237 = arith.constant 1 : i32
      %run_scoped3A_238 = arith.constant 1 : i32
      "tpu.region"() ({
        %run_scoped3A_278 = tpu.sem_alloc : memref<!tpu.dma_semaphore, #tpu.memory_space<semaphore_mem>>
        %dma_start3A_279 = arith.constant 0 : i32
        %dma_start3A_280 = arith.constant 0 : i32
        %dma_start3A_281 = tpu.memref_slice %arg7[%run_scoped3A_237, %dma_start3A_279, %dma_start3A_280] : memref<2x503x16xf32, #tpu.memory_space<vmem>> -> memref<1x128x16xf32, #tpu.memory_space<vmem>>
        %dma_start3A_282 = tpu.memref_squeeze %dma_start3A_281 : memref<1x128x16xf32, #tpu.memory_space<vmem>> -> memref<128x16xf32, #tpu.memory_space<vmem>>
        %dma_start3A_283 = arith.constant 0 : i32
        %dma_start3A_284 = tpu.memref_slice %arg6[%run_scoped3A_238, %dma_start3A_283] : memref<2x512xi32, #tpu.memory_space<vmem>> -> memref<1x128xi32, #tpu.memory_space<vmem>>
        %dma_start3A_285 = tpu.memref_squeeze %dma_start3A_284 : memref<1x128xi32, #tpu.memory_space<vmem>> -> memref<128xi32, #tpu.memory_space<vmem>>
        %dma_start3A_286 = arith.constant 0 : i32
        %dma_start3A_287 = arith.constant 0 : i32
        %dma_start3A_288 = tpu.memref_slice %arg8[%dma_start3A_286, %dma_start3A_287] : memref<100096x16xf32, #tpu.memory_space<vmem_shared>> -> memref<100096x16xf32, #tpu.memory_space<vmem_shared>>
        tpu.enqueue_indirect_dma source(%dma_start3A_282 : memref<128x16xf32, #tpu.memory_space<vmem>>) target(%dma_start3A_288 : memref<100096x16xf32, #tpu.memory_space<vmem_shared>>) offsets(%dma_start3A_285 : memref<128xi32, #tpu.memory_space<vmem>>) semaphore(%run_scoped3A_278 : memref<!tpu.dma_semaphore, #tpu.memory_space<semaphore_mem>>) {add = true}
        %dma_wait3A_289 = arith.constant 0 : i32
        %dma_wait3A_290 = arith.constant 0 : i32
        %dma_wait3A_291 = tpu.memref_slice %arg7[%run_scoped3A_237, %dma_wait3A_289, %dma_wait3A_290] : memref<2x503x16xf32, #tpu.memory_space<vmem>> -> memref<1x128x16xf32, #tpu.memory_space<vmem>>
        %dma_wait3A_292 = tpu.memref_squeeze %dma_wait3A_291 : memref<1x128x16xf32, #tpu.memory_space<vmem>> -> memref<128x16xf32, #tpu.memory_space<vmem>>
        %dma_wait3A_293 = arith.constant 0 : i32
        %dma_wait3A_294 = tpu.memref_slice %arg6[%run_scoped3A_238, %dma_wait3A_293] : memref<2x512xi32, #tpu.memory_space<vmem>> -> memref<1x128xi32, #tpu.memory_space<vmem>>
        %dma_wait3A_295 = tpu.memref_squeeze %dma_wait3A_294 : memref<1x128xi32, #tpu.memory_space<vmem>> -> memref<128xi32, #tpu.memory_space<vmem>>
        %dma_wait3A_296 = arith.constant 0 : i32
        %dma_wait3A_297 = arith.constant 0 : i32
        %dma_wait3A_298 = tpu.memref_slice %arg8[%dma_wait3A_296, %dma_wait3A_297] : memref<100096x16xf32, #tpu.memory_space<vmem_shared>> -> memref<100096x16xf32, #tpu.memory_space<vmem_shared>>
        tpu.wait_indirect_dma semaphore(%run_scoped3A_278 : memref<!tpu.dma_semaphore, #tpu.memory_space<semaphore_mem>>) src(%dma_wait3A_292 : memref<128x16xf32, #tpu.memory_space<vmem>>) dst(%dma_wait3A_298 : memref<100096x16xf32, #tpu.memory_space<vmem_shared>>)
        tpu.yield
      }) : () -> ()
      %run_scoped3A_239 = arith.constant 1 : i32
      %run_scoped3A_240 = arith.constant 1 : i32
      "tpu.region"() ({
        %run_scoped3A_278 = tpu.sem_alloc : memref<!tpu.dma_semaphore, #tpu.memory_space<semaphore_mem>>
        %dma_start3A_279 = arith.constant 125 : i32
        %dma_start3A_280 = arith.constant 0 : i32
        %dma_start3A_281 = tpu.memref_slice %arg7[%run_scoped3A_239, %dma_start3A_279, %dma_start3A_280] : memref<2x503x16xf32, #tpu.memory_space<vmem>> -> memref<1x128x16xf32, #tpu.memory_space<vmem>>
        %dma_start3A_282 = tpu.memref_squeeze %dma_start3A_281 : memref<1x128x16xf32, #tpu.memory_space<vmem>> -> memref<128x16xf32, #tpu.memory_space<vmem>>
        %dma_start3A_283 = arith.constant 128 : i32
        %dma_start3A_284 = tpu.memref_slice %arg6[%run_scoped3A_240, %dma_start3A_283] : memref<2x512xi32, #tpu.memory_space<vmem>> -> memref<1x128xi32, #tpu.memory_space<vmem>>
        %dma_start3A_285 = tpu.memref_squeeze %dma_start3A_284 : memref<1x128xi32, #tpu.memory_space<vmem>> -> memref<128xi32, #tpu.memory_space<vmem>>
        %dma_start3A_286 = arith.constant 0 : i32
        %dma_start3A_287 = arith.constant 0 : i32
        %dma_start3A_288 = tpu.memref_slice %arg8[%dma_start3A_286, %dma_start3A_287] : memref<100096x16xf32, #tpu.memory_space<vmem_shared>> -> memref<100096x16xf32, #tpu.memory_space<vmem_shared>>
        tpu.enqueue_indirect_dma source(%dma_start3A_282 : memref<128x16xf32, #tpu.memory_space<vmem>>) target(%dma_start3A_288 : memref<100096x16xf32, #tpu.memory_space<vmem_shared>>) offsets(%dma_start3A_285 : memref<128xi32, #tpu.memory_space<vmem>>) semaphore(%run_scoped3A_278 : memref<!tpu.dma_semaphore, #tpu.memory_space<semaphore_mem>>) {add = true}
        %dma_wait3A_289 = arith.constant 125 : i32
        %dma_wait3A_290 = arith.constant 0 : i32
        %dma_wait3A_291 = tpu.memref_slice %arg7[%run_scoped3A_239, %dma_wait3A_289, %dma_wait3A_290] : memref<2x503x16xf32, #tpu.memory_space<vmem>> -> memref<1x128x16xf32, #tpu.memory_space<vmem>>
        %dma_wait3A_292 = tpu.memref_squeeze %dma_wait3A_291 : memref<1x128x16xf32, #tpu.memory_space<vmem>> -> memref<128x16xf32, #tpu.memory_space<vmem>>
        %dma_wait3A_293 = arith.constant 128 : i32
        %dma_wait3A_294 = tpu.memref_slice %arg6[%run_scoped3A_240, %dma_wait3A_293] : memref<2x512xi32, #tpu.memory_space<vmem>> -> memref<1x128xi32, #tpu.memory_space<vmem>>
        %dma_wait3A_295 = tpu.memref_squeeze %dma_wait3A_294 : memref<1x128xi32, #tpu.memory_space<vmem>> -> memref<128xi32, #tpu.memory_space<vmem>>
        %dma_wait3A_296 = arith.constant 0 : i32
        %dma_wait3A_297 = arith.constant 0 : i32
        %dma_wait3A_298 = tpu.memref_slice %arg8[%dma_wait3A_296, %dma_wait3A_297] : memref<100096x16xf32, #tpu.memory_space<vmem_shared>> -> memref<100096x16xf32, #tpu.memory_space<vmem_shared>>
        tpu.wait_indirect_dma semaphore(%run_scoped3A_278 : memref<!tpu.dma_semaphore, #tpu.memory_space<semaphore_mem>>) src(%dma_wait3A_292 : memref<128x16xf32, #tpu.memory_space<vmem>>) dst(%dma_wait3A_298 : memref<100096x16xf32, #tpu.memory_space<vmem_shared>>)
        tpu.yield
      }) : () -> ()
      %run_scoped3A_241 = arith.constant 1 : i32
      %run_scoped3A_242 = arith.constant 1 : i32
      "tpu.region"() ({
        %run_scoped3A_278 = tpu.sem_alloc : memref<!tpu.dma_semaphore, #tpu.memory_space<semaphore_mem>>
        %dma_start3A_279 = arith.constant 250 : i32
        %dma_start3A_280 = arith.constant 0 : i32
        %dma_start3A_281 = tpu.memref_slice %arg7[%run_scoped3A_241, %dma_start3A_279, %dma_start3A_280] : memref<2x503x16xf32, #tpu.memory_space<vmem>> -> memref<1x128x16xf32, #tpu.memory_space<vmem>>
        %dma_start3A_282 = tpu.memref_squeeze %dma_start3A_281 : memref<1x128x16xf32, #tpu.memory_space<vmem>> -> memref<128x16xf32, #tpu.memory_space<vmem>>
        %dma_start3A_283 = arith.constant 256 : i32
        %dma_start3A_284 = tpu.memref_slice %arg6[%run_scoped3A_242, %dma_start3A_283] : memref<2x512xi32, #tpu.memory_space<vmem>> -> memref<1x128xi32, #tpu.memory_space<vmem>>
        %dma_start3A_285 = tpu.memref_squeeze %dma_start3A_284 : memref<1x128xi32, #tpu.memory_space<vmem>> -> memref<128xi32, #tpu.memory_space<vmem>>
        %dma_start3A_286 = arith.constant 0 : i32
        %dma_start3A_287 = arith.constant 0 : i32
        %dma_start3A_288 = tpu.memref_slice %arg8[%dma_start3A_286, %dma_start3A_287] : memref<100096x16xf32, #tpu.memory_space<vmem_shared>> -> memref<100096x16xf32, #tpu.memory_space<vmem_shared>>
        tpu.enqueue_indirect_dma source(%dma_start3A_282 : memref<128x16xf32, #tpu.memory_space<vmem>>) target(%dma_start3A_288 : memref<100096x16xf32, #tpu.memory_space<vmem_shared>>) offsets(%dma_start3A_285 : memref<128xi32, #tpu.memory_space<vmem>>) semaphore(%run_scoped3A_278 : memref<!tpu.dma_semaphore, #tpu.memory_space<semaphore_mem>>) {add = true}
        %dma_wait3A_289 = arith.constant 250 : i32
        %dma_wait3A_290 = arith.constant 0 : i32
        %dma_wait3A_291 = tpu.memref_slice %arg7[%run_scoped3A_241, %dma_wait3A_289, %dma_wait3A_290] : memref<2x503x16xf32, #tpu.memory_space<vmem>> -> memref<1x128x16xf32, #tpu.memory_space<vmem>>
        %dma_wait3A_292 = tpu.memref_squeeze %dma_wait3A_291 : memref<1x128x16xf32, #tpu.memory_space<vmem>> -> memref<128x16xf32, #tpu.memory_space<vmem>>
        %dma_wait3A_293 = arith.constant 256 : i32
        %dma_wait3A_294 = tpu.memref_slice %arg6[%run_scoped3A_242, %dma_wait3A_293] : memref<2x512xi32, #tpu.memory_space<vmem>> -> memref<1x128xi32, #tpu.memory_space<vmem>>
        %dma_wait3A_295 = tpu.memref_squeeze %dma_wait3A_294 : memref<1x128xi32, #tpu.memory_space<vmem>> -> memref<128xi32, #tpu.memory_space<vmem>>
        %dma_wait3A_296 = arith.constant 0 : i32
        %dma_wait3A_297 = arith.constant 0 : i32
        %dma_wait3A_298 = tpu.memref_slice %arg8[%dma_wait3A_296, %dma_wait3A_297] : memref<100096x16xf32, #tpu.memory_space<vmem_shared>> -> memref<100096x16xf32, #tpu.memory_space<vmem_shared>>
        tpu.wait_indirect_dma semaphore(%run_scoped3A_278 : memref<!tpu.dma_semaphore, #tpu.memory_space<semaphore_mem>>) src(%dma_wait3A_292 : memref<128x16xf32, #tpu.memory_space<vmem>>) dst(%dma_wait3A_298 : memref<100096x16xf32, #tpu.memory_space<vmem_shared>>)
        tpu.yield
      }) : () -> ()
      %run_scoped3A_243 = arith.constant 1 : i32
      %run_scoped3A_244 = arith.constant 1 : i32
      "tpu.region"() ({
        %run_scoped3A_278 = tpu.sem_alloc : memref<!tpu.dma_semaphore, #tpu.memory_space<semaphore_mem>>
        %dma_start3A_279 = arith.constant 375 : i32
        %dma_start3A_280 = arith.constant 0 : i32
        %dma_start3A_281 = tpu.memref_slice %arg7[%run_scoped3A_243, %dma_start3A_279, %dma_start3A_280] : memref<2x503x16xf32, #tpu.memory_space<vmem>> -> memref<1x128x16xf32, #tpu.memory_space<vmem>>
        %dma_start3A_282 = tpu.memref_squeeze %dma_start3A_281 : memref<1x128x16xf32, #tpu.memory_space<vmem>> -> memref<128x16xf32, #tpu.memory_space<vmem>>
        %dma_start3A_283 = arith.constant 384 : i32
        %dma_start3A_284 = tpu.memref_slice %arg6[%run_scoped3A_244, %dma_start3A_283] : memref<2x512xi32, #tpu.memory_space<vmem>> -> memref<1x128xi32, #tpu.memory_space<vmem>>
        %dma_start3A_285 = tpu.memref_squeeze %dma_start3A_284 : memref<1x128xi32, #tpu.memory_space<vmem>> -> memref<128xi32, #tpu.memory_space<vmem>>
        %dma_start3A_286 = arith.constant 0 : i32
        %dma_start3A_287 = arith.constant 0 : i32
        %dma_start3A_288 = tpu.memref_slice %arg8[%dma_start3A_286, %dma_start3A_287] : memref<100096x16xf32, #tpu.memory_space<vmem_shared>> -> memref<100096x16xf32, #tpu.memory_space<vmem_shared>>
        tpu.enqueue_indirect_dma source(%dma_start3A_282 : memref<128x16xf32, #tpu.memory_space<vmem>>) target(%dma_start3A_288 : memref<100096x16xf32, #tpu.memory_space<vmem_shared>>) offsets(%dma_start3A_285 : memref<128xi32, #tpu.memory_space<vmem>>) semaphore(%run_scoped3A_278 : memref<!tpu.dma_semaphore, #tpu.memory_space<semaphore_mem>>) {add = true}
        %dma_wait3A_289 = arith.constant 375 : i32
        %dma_wait3A_290 = arith.constant 0 : i32
        %dma_wait3A_291 = tpu.memref_slice %arg7[%run_scoped3A_243, %dma_wait3A_289, %dma_wait3A_290] : memref<2x503x16xf32, #tpu.memory_space<vmem>> -> memref<1x128x16xf32, #tpu.memory_space<vmem>>
        %dma_wait3A_292 = tpu.memref_squeeze %dma_wait3A_291 : memref<1x128x16xf32, #tpu.memory_space<vmem>> -> memref<128x16xf32, #tpu.memory_space<vmem>>
        %dma_wait3A_293 = arith.constant 384 : i32
        %dma_wait3A_294 = tpu.memref_slice %arg6[%run_scoped3A_244, %dma_wait3A_293] : memref<2x512xi32, #tpu.memory_space<vmem>> -> memref<1x128xi32, #tpu.memory_space<vmem>>
        %dma_wait3A_295 = tpu.memref_squeeze %dma_wait3A_294 : memref<1x128xi32, #tpu.memory_space<vmem>> -> memref<128xi32, #tpu.memory_space<vmem>>
        %dma_wait3A_296 = arith.constant 0 : i32
        %dma_wait3A_297 = arith.constant 0 : i32
        %dma_wait3A_298 = tpu.memref_slice %arg8[%dma_wait3A_296, %dma_wait3A_297] : memref<100096x16xf32, #tpu.memory_space<vmem_shared>> -> memref<100096x16xf32, #tpu.memory_space<vmem_shared>>
        tpu.wait_indirect_dma semaphore(%run_scoped3A_278 : memref<!tpu.dma_semaphore, #tpu.memory_space<semaphore_mem>>) src(%dma_wait3A_292 : memref<128x16xf32, #tpu.memory_space<vmem>>) dst(%dma_wait3A_298 : memref<100096x16xf32, #tpu.memory_space<vmem_shared>>)
        tpu.yield
      }) : () -> ()
      %add3A_245 = arith.constant 3 : i32
      %add3A_246 = arith.addi %add3A_143, %add3A_245 : i32
      %mul3A_247 = arith.constant 4 : i32
      %mul3A_248 = arith.muli %add3A_246, %mul3A_247 : i32
      %add3A_249 = arith.addi %mul3A_2, %mul3A_248 : i32
      %add3A_250 = arith.constant 12800 : i32
      %add3A_251 = arith.addi %add3A_250, %add3A_249 : i32
      %mul3A_252 = arith.constant 128 : i32
      %mul3A_253 = arith.muli %add3A_251, %mul3A_252 : i32
      %dma_start3A_254 = arith.constant 1 : i32
      %dma_start3A_255 = arith.constant 0 : i32
      %dma_start3A_256 = tpu.memref_slice %arg6[%dma_start3A_254, %dma_start3A_255] : memref<2x512xi32, #tpu.memory_space<vmem>> -> memref<1x512xi32, #tpu.memory_space<vmem>>
      %dma_start3A_257 = tpu.memref_squeeze %dma_start3A_256 : memref<1x512xi32, #tpu.memory_space<vmem>> -> memref<512xi32, #tpu.memory_space<vmem>>
      %dma_start3A_258 = tpu.memref_slice %arg3[%mul3A_253] : memref<3276800xi32, #tpu.memory_space<hbm>> -> memref<512xi32, #tpu.memory_space<hbm>>
      %dma_start3A_259 = arith.constant 0 : i32
      %dma_start3A_260 = tpu.memref_slice %arg6[%dma_start3A_254, %dma_start3A_259] : memref<2x512xi32, #tpu.memory_space<vmem>> -> memref<1x512xi32, #tpu.memory_space<vmem>>
      %dma_start3A_261 = tpu.memref_squeeze %dma_start3A_260 : memref<1x512xi32, #tpu.memory_space<vmem>> -> memref<512xi32, #tpu.memory_space<vmem>>
      %dma_start3A_262 = tpu.memref_slice %arg3[%mul3A_253] : memref<3276800xi32, #tpu.memory_space<hbm>> -> memref<512xi32, #tpu.memory_space<hbm>>
      tpu.enqueue_dma source(%dma_start3A_262 : memref<512xi32, #tpu.memory_space<hbm>>) target(%dma_start3A_261 : memref<512xi32, #tpu.memory_space<vmem>>) target_semaphore(%arg11 : memref<!tpu.dma_semaphore, #tpu.memory_space<semaphore_mem>>)
      %mul3A_263 = arith.constant 125 : i32
      %mul3A_264 = arith.muli %add3A_249, %mul3A_263 : i32
      %dma_start3A_265 = arith.constant 1 : i32
      %dma_start3A_266 = arith.constant 0 : i32
      %dma_start3A_267 = arith.constant 0 : i32
      %dma_start3A_268 = tpu.memref_slice %arg7[%dma_start3A_265, %dma_start3A_266, %dma_start3A_267] : memref<2x503x16xf32, #tpu.memory_space<vmem>> -> memref<1x500x16xf32, #tpu.memory_space<vmem>>
      %dma_start3A_269 = tpu.memref_squeeze %dma_start3A_268 : memref<1x500x16xf32, #tpu.memory_space<vmem>> -> memref<500x16xf32, #tpu.memory_space<vmem>>
      %dma_start3A_270 = arith.constant 0 : i32
      %dma_start3A_271 = tpu.memref_slice %arg2[%mul3A_264, %dma_start3A_270] : memref<1600000x128xf32, #tpu.memory_space<hbm>> -> memref<500x16xf32, #tpu.memory_space<hbm>>
      %dma_start3A_272 = arith.constant 0 : i32
      %dma_start3A_273 = arith.constant 0 : i32
      %dma_start3A_274 = tpu.memref_slice %arg7[%dma_start3A_265, %dma_start3A_272, %dma_start3A_273] : memref<2x503x16xf32, #tpu.memory_space<vmem>> -> memref<1x500x16xf32, #tpu.memory_space<vmem>>
      %dma_start3A_275 = tpu.memref_squeeze %dma_start3A_274 : memref<1x500x16xf32, #tpu.memory_space<vmem>> -> memref<500x16xf32, #tpu.memory_space<vmem>>
      %dma_start3A_276 = arith.constant 0 : i32
      %dma_start3A_277 = tpu.memref_slice %arg2[%mul3A_264, %dma_start3A_276] : memref<1600000x128xf32, #tpu.memory_space<hbm>> -> memref<500x16xf32, #tpu.memory_space<hbm>>
      tpu.enqueue_dma source(%dma_start3A_277 : memref<500x16xf32, #tpu.memory_space<hbm>>) target(%dma_start3A_275 : memref<500x16xf32, #tpu.memory_space<vmem>>) target_semaphore(%arg12 : memref<!tpu.dma_semaphore, #tpu.memory_space<semaphore_mem>>)
    }
    %scan3A_67 = arith.constant 49 : i32
    %dma_wait3A = arith.constant 0 : i32
    %dma_wait3A_68 = arith.constant 0 : i32
    %dma_wait3A_69 = tpu.memref_slice %arg6[%dma_wait3A, %dma_wait3A_68] : memref<2x512xi32, #tpu.memory_space<vmem>> -> memref<1x512xi32, #tpu.memory_space<vmem>>
    %dma_wait3A_70 = tpu.memref_squeeze %dma_wait3A_69 : memref<1x512xi32, #tpu.memory_space<vmem>> -> memref<512xi32, #tpu.memory_space<vmem>>
    %dma_wait3A_71 = arith.constant 0 : i32
    %dma_wait3A_72 = tpu.memref_slice %arg3[%dma_wait3A_71] : memref<3276800xi32, #tpu.memory_space<hbm>> -> memref<512xi32, #tpu.memory_space<hbm>>
    %dma_wait3A_73 = arith.constant 0 : i32
    %dma_wait3A_74 = tpu.memref_slice %arg6[%dma_wait3A, %dma_wait3A_73] : memref<2x512xi32, #tpu.memory_space<vmem>> -> memref<1x512xi32, #tpu.memory_space<vmem>>
    %dma_wait3A_75 = tpu.memref_squeeze %dma_wait3A_74 : memref<1x512xi32, #tpu.memory_space<vmem>> -> memref<512xi32, #tpu.memory_space<vmem>>
    %dma_wait3A_76 = arith.constant 0 : i32
    %dma_wait3A_77 = tpu.memref_slice %arg3[%dma_wait3A_76] : memref<3276800xi32, #tpu.memory_space<hbm>> -> memref<512xi32, #tpu.memory_space<hbm>>
    tpu.wait_dma2 semaphore(%arg9 : memref<!tpu.dma_semaphore, #tpu.memory_space<semaphore_mem>>) src(%dma_wait3A_77 : memref<512xi32, #tpu.memory_space<hbm>>) dst(%dma_wait3A_75 : memref<512xi32, #tpu.memory_space<vmem>>)
    %dma_wait3A_78 = arith.constant 0 : i32
    %dma_wait3A_79 = arith.constant 0 : i32
    %dma_wait3A_80 = arith.constant 0 : i32
    %dma_wait3A_81 = tpu.memref_slice %arg7[%dma_wait3A_78, %dma_wait3A_79, %dma_wait3A_80] : memref<2x503x16xf32, #tpu.memory_space<vmem>> -> memref<1x500x16xf32, #tpu.memory_space<vmem>>
    %dma_wait3A_82 = tpu.memref_squeeze %dma_wait3A_81 : memref<1x500x16xf32, #tpu.memory_space<vmem>> -> memref<500x16xf32, #tpu.memory_space<vmem>>
    %dma_wait3A_83 = arith.constant 0 : i32
    %dma_wait3A_84 = arith.constant 0 : i32
    %dma_wait3A_85 = tpu.memref_slice %arg2[%dma_wait3A_83, %dma_wait3A_84] : memref<1600000x128xf32, #tpu.memory_space<hbm>> -> memref<500x16xf32, #tpu.memory_space<hbm>>
    %dma_wait3A_86 = arith.constant 0 : i32
    %dma_wait3A_87 = arith.constant 0 : i32
    %dma_wait3A_88 = tpu.memref_slice %arg7[%dma_wait3A_78, %dma_wait3A_86, %dma_wait3A_87] : memref<2x503x16xf32, #tpu.memory_space<vmem>> -> memref<1x500x16xf32, #tpu.memory_space<vmem>>
    %dma_wait3A_89 = tpu.memref_squeeze %dma_wait3A_88 : memref<1x500x16xf32, #tpu.memory_space<vmem>> -> memref<500x16xf32, #tpu.memory_space<vmem>>
    %dma_wait3A_90 = arith.constant 0 : i32
    %dma_wait3A_91 = arith.constant 0 : i32
    %dma_wait3A_92 = tpu.memref_slice %arg2[%dma_wait3A_90, %dma_wait3A_91] : memref<1600000x128xf32, #tpu.memory_space<hbm>> -> memref<500x16xf32, #tpu.memory_space<hbm>>
    tpu.wait_dma2 semaphore(%arg10 : memref<!tpu.dma_semaphore, #tpu.memory_space<semaphore_mem>>) src(%dma_wait3A_92 : memref<500x16xf32, #tpu.memory_space<hbm>>) dst(%dma_wait3A_89 : memref<500x16xf32, #tpu.memory_space<vmem>>)
    %run_scoped3A = arith.constant 0 : i32
    %run_scoped3A_93 = arith.constant 0 : i32
    "tpu.region"() ({
      %run_scoped3A_139 = tpu.sem_alloc : memref<!tpu.dma_semaphore, #tpu.memory_space<semaphore_mem>>
      %dma_start3A_140 = arith.constant 0 : i32
      %dma_start3A_141 = arith.constant 0 : i32
      %dma_start3A_142 = tpu.memref_slice %arg7[%run_scoped3A, %dma_start3A_140, %dma_start3A_141] : memref<2x503x16xf32, #tpu.memory_space<vmem>> -> memref<1x128x16xf32, #tpu.memory_space<vmem>>
      %dma_start3A_143 = tpu.memref_squeeze %dma_start3A_142 : memref<1x128x16xf32, #tpu.memory_space<vmem>> -> memref<128x16xf32, #tpu.memory_space<vmem>>
      %dma_start3A_144 = arith.constant 0 : i32
      %dma_start3A_145 = tpu.memref_slice %arg6[%run_scoped3A_93, %dma_start3A_144] : memref<2x512xi32, #tpu.memory_space<vmem>> -> memref<1x128xi32, #tpu.memory_space<vmem>>
      %dma_start3A_146 = tpu.memref_squeeze %dma_start3A_145 : memref<1x128xi32, #tpu.memory_space<vmem>> -> memref<128xi32, #tpu.memory_space<vmem>>
      %dma_start3A_147 = arith.constant 0 : i32
      %dma_start3A_148 = arith.constant 0 : i32
      %dma_start3A_149 = tpu.memref_slice %arg8[%dma_start3A_147, %dma_start3A_148] : memref<100096x16xf32, #tpu.memory_space<vmem_shared>> -> memref<100096x16xf32, #tpu.memory_space<vmem_shared>>
      tpu.enqueue_indirect_dma source(%dma_start3A_143 : memref<128x16xf32, #tpu.memory_space<vmem>>) target(%dma_start3A_149 : memref<100096x16xf32, #tpu.memory_space<vmem_shared>>) offsets(%dma_start3A_146 : memref<128xi32, #tpu.memory_space<vmem>>) semaphore(%run_scoped3A_139 : memref<!tpu.dma_semaphore, #tpu.memory_space<semaphore_mem>>) {add = true}
      %dma_wait3A_150 = arith.constant 0 : i32
      %dma_wait3A_151 = arith.constant 0 : i32
      %dma_wait3A_152 = tpu.memref_slice %arg7[%run_scoped3A, %dma_wait3A_150, %dma_wait3A_151] : memref<2x503x16xf32, #tpu.memory_space<vmem>> -> memref<1x128x16xf32, #tpu.memory_space<vmem>>
      %dma_wait3A_153 = tpu.memref_squeeze %dma_wait3A_152 : memref<1x128x16xf32, #tpu.memory_space<vmem>> -> memref<128x16xf32, #tpu.memory_space<vmem>>
      %dma_wait3A_154 = arith.constant 0 : i32
      %dma_wait3A_155 = tpu.memref_slice %arg6[%run_scoped3A_93, %dma_wait3A_154] : memref<2x512xi32, #tpu.memory_space<vmem>> -> memref<1x128xi32, #tpu.memory_space<vmem>>
      %dma_wait3A_156 = tpu.memref_squeeze %dma_wait3A_155 : memref<1x128xi32, #tpu.memory_space<vmem>> -> memref<128xi32, #tpu.memory_space<vmem>>
      %dma_wait3A_157 = arith.constant 0 : i32
      %dma_wait3A_158 = arith.constant 0 : i32
      %dma_wait3A_159 = tpu.memref_slice %arg8[%dma_wait3A_157, %dma_wait3A_158] : memref<100096x16xf32, #tpu.memory_space<vmem_shared>> -> memref<100096x16xf32, #tpu.memory_space<vmem_shared>>
      tpu.wait_indirect_dma semaphore(%run_scoped3A_139 : memref<!tpu.dma_semaphore, #tpu.memory_space<semaphore_mem>>) src(%dma_wait3A_153 : memref<128x16xf32, #tpu.memory_space<vmem>>) dst(%dma_wait3A_159 : memref<100096x16xf32, #tpu.memory_space<vmem_shared>>)
      tpu.yield
    }) : () -> ()
    %run_scoped3A_94 = arith.constant 0 : i32
    %run_scoped3A_95 = arith.constant 0 : i32
    "tpu.region"() ({
      %run_scoped3A_139 = tpu.sem_alloc : memref<!tpu.dma_semaphore, #tpu.memory_space<semaphore_mem>>
      %dma_start3A_140 = arith.constant 125 : i32
      %dma_start3A_141 = arith.constant 0 : i32
      %dma_start3A_142 = tpu.memref_slice %arg7[%run_scoped3A_94, %dma_start3A_140, %dma_start3A_141] : memref<2x503x16xf32, #tpu.memory_space<vmem>> -> memref<1x128x16xf32, #tpu.memory_space<vmem>>
      %dma_start3A_143 = tpu.memref_squeeze %dma_start3A_142 : memref<1x128x16xf32, #tpu.memory_space<vmem>> -> memref<128x16xf32, #tpu.memory_space<vmem>>
      %dma_start3A_144 = arith.constant 128 : i32
      %dma_start3A_145 = tpu.memref_slice %arg6[%run_scoped3A_95, %dma_start3A_144] : memref<2x512xi32, #tpu.memory_space<vmem>> -> memref<1x128xi32, #tpu.memory_space<vmem>>
      %dma_start3A_146 = tpu.memref_squeeze %dma_start3A_145 : memref<1x128xi32, #tpu.memory_space<vmem>> -> memref<128xi32, #tpu.memory_space<vmem>>
      %dma_start3A_147 = arith.constant 0 : i32
      %dma_start3A_148 = arith.constant 0 : i32
      %dma_start3A_149 = tpu.memref_slice %arg8[%dma_start3A_147, %dma_start3A_148] : memref<100096x16xf32, #tpu.memory_space<vmem_shared>> -> memref<100096x16xf32, #tpu.memory_space<vmem_shared>>
      tpu.enqueue_indirect_dma source(%dma_start3A_143 : memref<128x16xf32, #tpu.memory_space<vmem>>) target(%dma_start3A_149 : memref<100096x16xf32, #tpu.memory_space<vmem_shared>>) offsets(%dma_start3A_146 : memref<128xi32, #tpu.memory_space<vmem>>) semaphore(%run_scoped3A_139 : memref<!tpu.dma_semaphore, #tpu.memory_space<semaphore_mem>>) {add = true}
      %dma_wait3A_150 = arith.constant 125 : i32
      %dma_wait3A_151 = arith.constant 0 : i32
      %dma_wait3A_152 = tpu.memref_slice %arg7[%run_scoped3A_94, %dma_wait3A_150, %dma_wait3A_151] : memref<2x503x16xf32, #tpu.memory_space<vmem>> -> memref<1x128x16xf32, #tpu.memory_space<vmem>>
      %dma_wait3A_153 = tpu.memref_squeeze %dma_wait3A_152 : memref<1x128x16xf32, #tpu.memory_space<vmem>> -> memref<128x16xf32, #tpu.memory_space<vmem>>
      %dma_wait3A_154 = arith.constant 128 : i32
      %dma_wait3A_155 = tpu.memref_slice %arg6[%run_scoped3A_95, %dma_wait3A_154] : memref<2x512xi32, #tpu.memory_space<vmem>> -> memref<1x128xi32, #tpu.memory_space<vmem>>
      %dma_wait3A_156 = tpu.memref_squeeze %dma_wait3A_155 : memref<1x128xi32, #tpu.memory_space<vmem>> -> memref<128xi32, #tpu.memory_space<vmem>>
      %dma_wait3A_157 = arith.constant 0 : i32
      %dma_wait3A_158 = arith.constant 0 : i32
      %dma_wait3A_159 = tpu.memref_slice %arg8[%dma_wait3A_157, %dma_wait3A_158] : memref<100096x16xf32, #tpu.memory_space<vmem_shared>> -> memref<100096x16xf32, #tpu.memory_space<vmem_shared>>
      tpu.wait_indirect_dma semaphore(%run_scoped3A_139 : memref<!tpu.dma_semaphore, #tpu.memory_space<semaphore_mem>>) src(%dma_wait3A_153 : memref<128x16xf32, #tpu.memory_space<vmem>>) dst(%dma_wait3A_159 : memref<100096x16xf32, #tpu.memory_space<vmem_shared>>)
      tpu.yield
    }) : () -> ()
    %run_scoped3A_96 = arith.constant 0 : i32
    %run_scoped3A_97 = arith.constant 0 : i32
    "tpu.region"() ({
      %run_scoped3A_139 = tpu.sem_alloc : memref<!tpu.dma_semaphore, #tpu.memory_space<semaphore_mem>>
      %dma_start3A_140 = arith.constant 250 : i32
      %dma_start3A_141 = arith.constant 0 : i32
      %dma_start3A_142 = tpu.memref_slice %arg7[%run_scoped3A_96, %dma_start3A_140, %dma_start3A_141] : memref<2x503x16xf32, #tpu.memory_space<vmem>> -> memref<1x128x16xf32, #tpu.memory_space<vmem>>
      %dma_start3A_143 = tpu.memref_squeeze %dma_start3A_142 : memref<1x128x16xf32, #tpu.memory_space<vmem>> -> memref<128x16xf32, #tpu.memory_space<vmem>>
      %dma_start3A_144 = arith.constant 256 : i32
      %dma_start3A_145 = tpu.memref_slice %arg6[%run_scoped3A_97, %dma_start3A_144] : memref<2x512xi32, #tpu.memory_space<vmem>> -> memref<1x128xi32, #tpu.memory_space<vmem>>
      %dma_start3A_146 = tpu.memref_squeeze %dma_start3A_145 : memref<1x128xi32, #tpu.memory_space<vmem>> -> memref<128xi32, #tpu.memory_space<vmem>>
      %dma_start3A_147 = arith.constant 0 : i32
      %dma_start3A_148 = arith.constant 0 : i32
      %dma_start3A_149 = tpu.memref_slice %arg8[%dma_start3A_147, %dma_start3A_148] : memref<100096x16xf32, #tpu.memory_space<vmem_shared>> -> memref<100096x16xf32, #tpu.memory_space<vmem_shared>>
      tpu.enqueue_indirect_dma source(%dma_start3A_143 : memref<128x16xf32, #tpu.memory_space<vmem>>) target(%dma_start3A_149 : memref<100096x16xf32, #tpu.memory_space<vmem_shared>>) offsets(%dma_start3A_146 : memref<128xi32, #tpu.memory_space<vmem>>) semaphore(%run_scoped3A_139 : memref<!tpu.dma_semaphore, #tpu.memory_space<semaphore_mem>>) {add = true}
      %dma_wait3A_150 = arith.constant 250 : i32
      %dma_wait3A_151 = arith.constant 0 : i32
      %dma_wait3A_152 = tpu.memref_slice %arg7[%run_scoped3A_96, %dma_wait3A_150, %dma_wait3A_151] : memref<2x503x16xf32, #tpu.memory_space<vmem>> -> memref<1x128x16xf32, #tpu.memory_space<vmem>>
      %dma_wait3A_153 = tpu.memref_squeeze %dma_wait3A_152 : memref<1x128x16xf32, #tpu.memory_space<vmem>> -> memref<128x16xf32, #tpu.memory_space<vmem>>
      %dma_wait3A_154 = arith.constant 256 : i32
      %dma_wait3A_155 = tpu.memref_slice %arg6[%run_scoped3A_97, %dma_wait3A_154] : memref<2x512xi32, #tpu.memory_space<vmem>> -> memref<1x128xi32, #tpu.memory_space<vmem>>
      %dma_wait3A_156 = tpu.memref_squeeze %dma_wait3A_155 : memref<1x128xi32, #tpu.memory_space<vmem>> -> memref<128xi32, #tpu.memory_space<vmem>>
      %dma_wait3A_157 = arith.constant 0 : i32
      %dma_wait3A_158 = arith.constant 0 : i32
      %dma_wait3A_159 = tpu.memref_slice %arg8[%dma_wait3A_157, %dma_wait3A_158] : memref<100096x16xf32, #tpu.memory_space<vmem_shared>> -> memref<100096x16xf32, #tpu.memory_space<vmem_shared>>
      tpu.wait_indirect_dma semaphore(%run_scoped3A_139 : memref<!tpu.dma_semaphore, #tpu.memory_space<semaphore_mem>>) src(%dma_wait3A_153 : memref<128x16xf32, #tpu.memory_space<vmem>>) dst(%dma_wait3A_159 : memref<100096x16xf32, #tpu.memory_space<vmem_shared>>)
      tpu.yield
    }) : () -> ()
    %run_scoped3A_98 = arith.constant 0 : i32
    %run_scoped3A_99 = arith.constant 0 : i32
    "tpu.region"() ({
      %run_scoped3A_139 = tpu.sem_alloc : memref<!tpu.dma_semaphore, #tpu.memory_space<semaphore_mem>>
      %dma_start3A_140 = arith.constant 375 : i32
      %dma_start3A_141 = arith.constant 0 : i32
      %dma_start3A_142 = tpu.memref_slice %arg7[%run_scoped3A_98, %dma_start3A_140, %dma_start3A_141] : memref<2x503x16xf32, #tpu.memory_space<vmem>> -> memref<1x128x16xf32, #tpu.memory_space<vmem>>
      %dma_start3A_143 = tpu.memref_squeeze %dma_start3A_142 : memref<1x128x16xf32, #tpu.memory_space<vmem>> -> memref<128x16xf32, #tpu.memory_space<vmem>>
      %dma_start3A_144 = arith.constant 384 : i32
      %dma_start3A_145 = tpu.memref_slice %arg6[%run_scoped3A_99, %dma_start3A_144] : memref<2x512xi32, #tpu.memory_space<vmem>> -> memref<1x128xi32, #tpu.memory_space<vmem>>
      %dma_start3A_146 = tpu.memref_squeeze %dma_start3A_145 : memref<1x128xi32, #tpu.memory_space<vmem>> -> memref<128xi32, #tpu.memory_space<vmem>>
      %dma_start3A_147 = arith.constant 0 : i32
      %dma_start3A_148 = arith.constant 0 : i32
      %dma_start3A_149 = tpu.memref_slice %arg8[%dma_start3A_147, %dma_start3A_148] : memref<100096x16xf32, #tpu.memory_space<vmem_shared>> -> memref<100096x16xf32, #tpu.memory_space<vmem_shared>>
      tpu.enqueue_indirect_dma source(%dma_start3A_143 : memref<128x16xf32, #tpu.memory_space<vmem>>) target(%dma_start3A_149 : memref<100096x16xf32, #tpu.memory_space<vmem_shared>>) offsets(%dma_start3A_146 : memref<128xi32, #tpu.memory_space<vmem>>) semaphore(%run_scoped3A_139 : memref<!tpu.dma_semaphore, #tpu.memory_space<semaphore_mem>>) {add = true}
      %dma_wait3A_150 = arith.constant 375 : i32
      %dma_wait3A_151 = arith.constant 0 : i32
      %dma_wait3A_152 = tpu.memref_slice %arg7[%run_scoped3A_98, %dma_wait3A_150, %dma_wait3A_151] : memref<2x503x16xf32, #tpu.memory_space<vmem>> -> memref<1x128x16xf32, #tpu.memory_space<vmem>>
      %dma_wait3A_153 = tpu.memref_squeeze %dma_wait3A_152 : memref<1x128x16xf32, #tpu.memory_space<vmem>> -> memref<128x16xf32, #tpu.memory_space<vmem>>
      %dma_wait3A_154 = arith.constant 384 : i32
      %dma_wait3A_155 = tpu.memref_slice %arg6[%run_scoped3A_99, %dma_wait3A_154] : memref<2x512xi32, #tpu.memory_space<vmem>> -> memref<1x128xi32, #tpu.memory_space<vmem>>
      %dma_wait3A_156 = tpu.memref_squeeze %dma_wait3A_155 : memref<1x128xi32, #tpu.memory_space<vmem>> -> memref<128xi32, #tpu.memory_space<vmem>>
      %dma_wait3A_157 = arith.constant 0 : i32
      %dma_wait3A_158 = arith.constant 0 : i32
      %dma_wait3A_159 = tpu.memref_slice %arg8[%dma_wait3A_157, %dma_wait3A_158] : memref<100096x16xf32, #tpu.memory_space<vmem_shared>> -> memref<100096x16xf32, #tpu.memory_space<vmem_shared>>
      tpu.wait_indirect_dma semaphore(%run_scoped3A_139 : memref<!tpu.dma_semaphore, #tpu.memory_space<semaphore_mem>>) src(%dma_wait3A_153 : memref<128x16xf32, #tpu.memory_space<vmem>>) dst(%dma_wait3A_159 : memref<100096x16xf32, #tpu.memory_space<vmem_shared>>)
      tpu.yield
    }) : () -> ()
    %dma_wait3A_100 = arith.constant 1 : i32
    %dma_wait3A_101 = arith.constant 0 : i32
    %dma_wait3A_102 = tpu.memref_slice %arg6[%dma_wait3A_100, %dma_wait3A_101] : memref<2x512xi32, #tpu.memory_space<vmem>> -> memref<1x512xi32, #tpu.memory_space<vmem>>
    %dma_wait3A_103 = tpu.memref_squeeze %dma_wait3A_102 : memref<1x512xi32, #tpu.memory_space<vmem>> -> memref<512xi32, #tpu.memory_space<vmem>>
    %dma_wait3A_104 = arith.constant 0 : i32
    %dma_wait3A_105 = tpu.memref_slice %arg3[%dma_wait3A_104] : memref<3276800xi32, #tpu.memory_space<hbm>> -> memref<512xi32, #tpu.memory_space<hbm>>
    %dma_wait3A_106 = arith.constant 0 : i32
    %dma_wait3A_107 = tpu.memref_slice %arg6[%dma_wait3A_100, %dma_wait3A_106] : memref<2x512xi32, #tpu.memory_space<vmem>> -> memref<1x512xi32, #tpu.memory_space<vmem>>
    %dma_wait3A_108 = tpu.memref_squeeze %dma_wait3A_107 : memref<1x512xi32, #tpu.memory_space<vmem>> -> memref<512xi32, #tpu.memory_space<vmem>>
    %dma_wait3A_109 = arith.constant 0 : i32
    %dma_wait3A_110 = tpu.memref_slice %arg3[%dma_wait3A_109] : memref<3276800xi32, #tpu.memory_space<hbm>> -> memref<512xi32, #tpu.memory_space<hbm>>
    tpu.wait_dma2 semaphore(%arg11 : memref<!tpu.dma_semaphore, #tpu.memory_space<semaphore_mem>>) src(%dma_wait3A_110 : memref<512xi32, #tpu.memory_space<hbm>>) dst(%dma_wait3A_108 : memref<512xi32, #tpu.memory_space<vmem>>)
    %dma_wait3A_111 = arith.constant 1 : i32
    %dma_wait3A_112 = arith.constant 0 : i32
    %dma_wait3A_113 = arith.constant 0 : i32
    %dma_wait3A_114 = tpu.memref_slice %arg7[%dma_wait3A_111, %dma_wait3A_112, %dma_wait3A_113] : memref<2x503x16xf32, #tpu.memory_space<vmem>> -> memref<1x500x16xf32, #tpu.memory_space<vmem>>
    %dma_wait3A_115 = tpu.memref_squeeze %dma_wait3A_114 : memref<1x500x16xf32, #tpu.memory_space<vmem>> -> memref<500x16xf32, #tpu.memory_space<vmem>>
    %dma_wait3A_116 = arith.constant 0 : i32
    %dma_wait3A_117 = arith.constant 0 : i32
    %dma_wait3A_118 = tpu.memref_slice %arg2[%dma_wait3A_116, %dma_wait3A_117] : memref<1600000x128xf32, #tpu.memory_space<hbm>> -> memref<500x16xf32, #tpu.memory_space<hbm>>
    %dma_wait3A_119 = arith.constant 0 : i32
    %dma_wait3A_120 = arith.constant 0 : i32
    %dma_wait3A_121 = tpu.memref_slice %arg7[%dma_wait3A_111, %dma_wait3A_119, %dma_wait3A_120] : memref<2x503x16xf32, #tpu.memory_space<vmem>> -> memref<1x500x16xf32, #tpu.memory_space<vmem>>
    %dma_wait3A_122 = tpu.memref_squeeze %dma_wait3A_121 : memref<1x500x16xf32, #tpu.memory_space<vmem>> -> memref<500x16xf32, #tpu.memory_space<vmem>>
    %dma_wait3A_123 = arith.constant 0 : i32
    %dma_wait3A_124 = arith.constant 0 : i32
    %dma_wait3A_125 = tpu.memref_slice %arg2[%dma_wait3A_123, %dma_wait3A_124] : memref<1600000x128xf32, #tpu.memory_space<hbm>> -> memref<500x16xf32, #tpu.memory_space<hbm>>
    tpu.wait_dma2 semaphore(%arg12 : memref<!tpu.dma_semaphore, #tpu.memory_space<semaphore_mem>>) src(%dma_wait3A_125 : memref<500x16xf32, #tpu.memory_space<hbm>>) dst(%dma_wait3A_122 : memref<500x16xf32, #tpu.memory_space<vmem>>)
    %run_scoped3A_126 = arith.constant 1 : i32
    %run_scoped3A_127 = arith.constant 1 : i32
    "tpu.region"() ({
      %run_scoped3A_139 = tpu.sem_alloc : memref<!tpu.dma_semaphore, #tpu.memory_space<semaphore_mem>>
      %dma_start3A_140 = arith.constant 0 : i32
      %dma_start3A_141 = arith.constant 0 : i32
      %dma_start3A_142 = tpu.memref_slice %arg7[%run_scoped3A_126, %dma_start3A_140, %dma_start3A_141] : memref<2x503x16xf32, #tpu.memory_space<vmem>> -> memref<1x128x16xf32, #tpu.memory_space<vmem>>
      %dma_start3A_143 = tpu.memref_squeeze %dma_start3A_142 : memref<1x128x16xf32, #tpu.memory_space<vmem>> -> memref<128x16xf32, #tpu.memory_space<vmem>>
      %dma_start3A_144 = arith.constant 0 : i32
      %dma_start3A_145 = tpu.memref_slice %arg6[%run_scoped3A_127, %dma_start3A_144] : memref<2x512xi32, #tpu.memory_space<vmem>> -> memref<1x128xi32, #tpu.memory_space<vmem>>
      %dma_start3A_146 = tpu.memref_squeeze %dma_start3A_145 : memref<1x128xi32, #tpu.memory_space<vmem>> -> memref<128xi32, #tpu.memory_space<vmem>>
      %dma_start3A_147 = arith.constant 0 : i32
      %dma_start3A_148 = arith.constant 0 : i32
      %dma_start3A_149 = tpu.memref_slice %arg8[%dma_start3A_147, %dma_start3A_148] : memref<100096x16xf32, #tpu.memory_space<vmem_shared>> -> memref<100096x16xf32, #tpu.memory_space<vmem_shared>>
      tpu.enqueue_indirect_dma source(%dma_start3A_143 : memref<128x16xf32, #tpu.memory_space<vmem>>) target(%dma_start3A_149 : memref<100096x16xf32, #tpu.memory_space<vmem_shared>>) offsets(%dma_start3A_146 : memref<128xi32, #tpu.memory_space<vmem>>) semaphore(%run_scoped3A_139 : memref<!tpu.dma_semaphore, #tpu.memory_space<semaphore_mem>>) {add = true}
      %dma_wait3A_150 = arith.constant 0 : i32
      %dma_wait3A_151 = arith.constant 0 : i32
      %dma_wait3A_152 = tpu.memref_slice %arg7[%run_scoped3A_126, %dma_wait3A_150, %dma_wait3A_151] : memref<2x503x16xf32, #tpu.memory_space<vmem>> -> memref<1x128x16xf32, #tpu.memory_space<vmem>>
      %dma_wait3A_153 = tpu.memref_squeeze %dma_wait3A_152 : memref<1x128x16xf32, #tpu.memory_space<vmem>> -> memref<128x16xf32, #tpu.memory_space<vmem>>
      %dma_wait3A_154 = arith.constant 0 : i32
      %dma_wait3A_155 = tpu.memref_slice %arg6[%run_scoped3A_127, %dma_wait3A_154] : memref<2x512xi32, #tpu.memory_space<vmem>> -> memref<1x128xi32, #tpu.memory_space<vmem>>
      %dma_wait3A_156 = tpu.memref_squeeze %dma_wait3A_155 : memref<1x128xi32, #tpu.memory_space<vmem>> -> memref<128xi32, #tpu.memory_space<vmem>>
      %dma_wait3A_157 = arith.constant 0 : i32
      %dma_wait3A_158 = arith.constant 0 : i32
      %dma_wait3A_159 = tpu.memref_slice %arg8[%dma_wait3A_157, %dma_wait3A_158] : memref<100096x16xf32, #tpu.memory_space<vmem_shared>> -> memref<100096x16xf32, #tpu.memory_space<vmem_shared>>
      tpu.wait_indirect_dma semaphore(%run_scoped3A_139 : memref<!tpu.dma_semaphore, #tpu.memory_space<semaphore_mem>>) src(%dma_wait3A_153 : memref<128x16xf32, #tpu.memory_space<vmem>>) dst(%dma_wait3A_159 : memref<100096x16xf32, #tpu.memory_space<vmem_shared>>)
      tpu.yield
    }) : () -> ()
    %run_scoped3A_128 = arith.constant 1 : i32
    %run_scoped3A_129 = arith.constant 1 : i32
    "tpu.region"() ({
      %run_scoped3A_139 = tpu.sem_alloc : memref<!tpu.dma_semaphore, #tpu.memory_space<semaphore_mem>>
      %dma_start3A_140 = arith.constant 125 : i32
      %dma_start3A_141 = arith.constant 0 : i32
      %dma_start3A_142 = tpu.memref_slice %arg7[%run_scoped3A_128, %dma_start3A_140, %dma_start3A_141] : memref<2x503x16xf32, #tpu.memory_space<vmem>> -> memref<1x128x16xf32, #tpu.memory_space<vmem>>
      %dma_start3A_143 = tpu.memref_squeeze %dma_start3A_142 : memref<1x128x16xf32, #tpu.memory_space<vmem>> -> memref<128x16xf32, #tpu.memory_space<vmem>>
      %dma_start3A_144 = arith.constant 128 : i32
      %dma_start3A_145 = tpu.memref_slice %arg6[%run_scoped3A_129, %dma_start3A_144] : memref<2x512xi32, #tpu.memory_space<vmem>> -> memref<1x128xi32, #tpu.memory_space<vmem>>
      %dma_start3A_146 = tpu.memref_squeeze %dma_start3A_145 : memref<1x128xi32, #tpu.memory_space<vmem>> -> memref<128xi32, #tpu.memory_space<vmem>>
      %dma_start3A_147 = arith.constant 0 : i32
      %dma_start3A_148 = arith.constant 0 : i32
      %dma_start3A_149 = tpu.memref_slice %arg8[%dma_start3A_147, %dma_start3A_148] : memref<100096x16xf32, #tpu.memory_space<vmem_shared>> -> memref<100096x16xf32, #tpu.memory_space<vmem_shared>>
      tpu.enqueue_indirect_dma source(%dma_start3A_143 : memref<128x16xf32, #tpu.memory_space<vmem>>) target(%dma_start3A_149 : memref<100096x16xf32, #tpu.memory_space<vmem_shared>>) offsets(%dma_start3A_146 : memref<128xi32, #tpu.memory_space<vmem>>) semaphore(%run_scoped3A_139 : memref<!tpu.dma_semaphore, #tpu.memory_space<semaphore_mem>>) {add = true}
      %dma_wait3A_150 = arith.constant 125 : i32
      %dma_wait3A_151 = arith.constant 0 : i32
      %dma_wait3A_152 = tpu.memref_slice %arg7[%run_scoped3A_128, %dma_wait3A_150, %dma_wait3A_151] : memref<2x503x16xf32, #tpu.memory_space<vmem>> -> memref<1x128x16xf32, #tpu.memory_space<vmem>>
      %dma_wait3A_153 = tpu.memref_squeeze %dma_wait3A_152 : memref<1x128x16xf32, #tpu.memory_space<vmem>> -> memref<128x16xf32, #tpu.memory_space<vmem>>
      %dma_wait3A_154 = arith.constant 128 : i32
      %dma_wait3A_155 = tpu.memref_slice %arg6[%run_scoped3A_129, %dma_wait3A_154] : memref<2x512xi32, #tpu.memory_space<vmem>> -> memref<1x128xi32, #tpu.memory_space<vmem>>
      %dma_wait3A_156 = tpu.memref_squeeze %dma_wait3A_155 : memref<1x128xi32, #tpu.memory_space<vmem>> -> memref<128xi32, #tpu.memory_space<vmem>>
      %dma_wait3A_157 = arith.constant 0 : i32
      %dma_wait3A_158 = arith.constant 0 : i32
      %dma_wait3A_159 = tpu.memref_slice %arg8[%dma_wait3A_157, %dma_wait3A_158] : memref<100096x16xf32, #tpu.memory_space<vmem_shared>> -> memref<100096x16xf32, #tpu.memory_space<vmem_shared>>
      tpu.wait_indirect_dma semaphore(%run_scoped3A_139 : memref<!tpu.dma_semaphore, #tpu.memory_space<semaphore_mem>>) src(%dma_wait3A_153 : memref<128x16xf32, #tpu.memory_space<vmem>>) dst(%dma_wait3A_159 : memref<100096x16xf32, #tpu.memory_space<vmem_shared>>)
      tpu.yield
    }) : () -> ()
    %run_scoped3A_130 = arith.constant 1 : i32
    %run_scoped3A_131 = arith.constant 1 : i32
    "tpu.region"() ({
      %run_scoped3A_139 = tpu.sem_alloc : memref<!tpu.dma_semaphore, #tpu.memory_space<semaphore_mem>>
      %dma_start3A_140 = arith.constant 250 : i32
      %dma_start3A_141 = arith.constant 0 : i32
      %dma_start3A_142 = tpu.memref_slice %arg7[%run_scoped3A_130, %dma_start3A_140, %dma_start3A_141] : memref<2x503x16xf32, #tpu.memory_space<vmem>> -> memref<1x128x16xf32, #tpu.memory_space<vmem>>
      %dma_start3A_143 = tpu.memref_squeeze %dma_start3A_142 : memref<1x128x16xf32, #tpu.memory_space<vmem>> -> memref<128x16xf32, #tpu.memory_space<vmem>>
      %dma_start3A_144 = arith.constant 256 : i32
      %dma_start3A_145 = tpu.memref_slice %arg6[%run_scoped3A_131, %dma_start3A_144] : memref<2x512xi32, #tpu.memory_space<vmem>> -> memref<1x128xi32, #tpu.memory_space<vmem>>
      %dma_start3A_146 = tpu.memref_squeeze %dma_start3A_145 : memref<1x128xi32, #tpu.memory_space<vmem>> -> memref<128xi32, #tpu.memory_space<vmem>>
      %dma_start3A_147 = arith.constant 0 : i32
      %dma_start3A_148 = arith.constant 0 : i32
      %dma_start3A_149 = tpu.memref_slice %arg8[%dma_start3A_147, %dma_start3A_148] : memref<100096x16xf32, #tpu.memory_space<vmem_shared>> -> memref<100096x16xf32, #tpu.memory_space<vmem_shared>>
      tpu.enqueue_indirect_dma source(%dma_start3A_143 : memref<128x16xf32, #tpu.memory_space<vmem>>) target(%dma_start3A_149 : memref<100096x16xf32, #tpu.memory_space<vmem_shared>>) offsets(%dma_start3A_146 : memref<128xi32, #tpu.memory_space<vmem>>) semaphore(%run_scoped3A_139 : memref<!tpu.dma_semaphore, #tpu.memory_space<semaphore_mem>>) {add = true}
      %dma_wait3A_150 = arith.constant 250 : i32
      %dma_wait3A_151 = arith.constant 0 : i32
      %dma_wait3A_152 = tpu.memref_slice %arg7[%run_scoped3A_130, %dma_wait3A_150, %dma_wait3A_151] : memref<2x503x16xf32, #tpu.memory_space<vmem>> -> memref<1x128x16xf32, #tpu.memory_space<vmem>>
      %dma_wait3A_153 = tpu.memref_squeeze %dma_wait3A_152 : memref<1x128x16xf32, #tpu.memory_space<vmem>> -> memref<128x16xf32, #tpu.memory_space<vmem>>
      %dma_wait3A_154 = arith.constant 256 : i32
      %dma_wait3A_155 = tpu.memref_slice %arg6[%run_scoped3A_131, %dma_wait3A_154] : memref<2x512xi32, #tpu.memory_space<vmem>> -> memref<1x128xi32, #tpu.memory_space<vmem>>
      %dma_wait3A_156 = tpu.memref_squeeze %dma_wait3A_155 : memref<1x128xi32, #tpu.memory_space<vmem>> -> memref<128xi32, #tpu.memory_space<vmem>>
      %dma_wait3A_157 = arith.constant 0 : i32
      %dma_wait3A_158 = arith.constant 0 : i32
      %dma_wait3A_159 = tpu.memref_slice %arg8[%dma_wait3A_157, %dma_wait3A_158] : memref<100096x16xf32, #tpu.memory_space<vmem_shared>> -> memref<100096x16xf32, #tpu.memory_space<vmem_shared>>
      tpu.wait_indirect_dma semaphore(%run_scoped3A_139 : memref<!tpu.dma_semaphore, #tpu.memory_space<semaphore_mem>>) src(%dma_wait3A_153 : memref<128x16xf32, #tpu.memory_space<vmem>>) dst(%dma_wait3A_159 : memref<100096x16xf32, #tpu.memory_space<vmem_shared>>)
      tpu.yield
    }) : () -> ()
    %run_scoped3A_132 = arith.constant 1 : i32
    %run_scoped3A_133 = arith.constant 1 : i32
    "tpu.region"() ({
      %run_scoped3A_139 = tpu.sem_alloc : memref<!tpu.dma_semaphore, #tpu.memory_space<semaphore_mem>>
      %dma_start3A_140 = arith.constant 375 : i32
      %dma_start3A_141 = arith.constant 0 : i32
      %dma_start3A_142 = tpu.memref_slice %arg7[%run_scoped3A_132, %dma_start3A_140, %dma_start3A_141] : memref<2x503x16xf32, #tpu.memory_space<vmem>> -> memref<1x128x16xf32, #tpu.memory_space<vmem>>
      %dma_start3A_143 = tpu.memref_squeeze %dma_start3A_142 : memref<1x128x16xf32, #tpu.memory_space<vmem>> -> memref<128x16xf32, #tpu.memory_space<vmem>>
      %dma_start3A_144 = arith.constant 384 : i32
      %dma_start3A_145 = tpu.memref_slice %arg6[%run_scoped3A_133, %dma_start3A_144] : memref<2x512xi32, #tpu.memory_space<vmem>> -> memref<1x128xi32, #tpu.memory_space<vmem>>
      %dma_start3A_146 = tpu.memref_squeeze %dma_start3A_145 : memref<1x128xi32, #tpu.memory_space<vmem>> -> memref<128xi32, #tpu.memory_space<vmem>>
      %dma_start3A_147 = arith.constant 0 : i32
      %dma_start3A_148 = arith.constant 0 : i32
      %dma_start3A_149 = tpu.memref_slice %arg8[%dma_start3A_147, %dma_start3A_148] : memref<100096x16xf32, #tpu.memory_space<vmem_shared>> -> memref<100096x16xf32, #tpu.memory_space<vmem_shared>>
      tpu.enqueue_indirect_dma source(%dma_start3A_143 : memref<128x16xf32, #tpu.memory_space<vmem>>) target(%dma_start3A_149 : memref<100096x16xf32, #tpu.memory_space<vmem_shared>>) offsets(%dma_start3A_146 : memref<128xi32, #tpu.memory_space<vmem>>) semaphore(%run_scoped3A_139 : memref<!tpu.dma_semaphore, #tpu.memory_space<semaphore_mem>>) {add = true}
      %dma_wait3A_150 = arith.constant 375 : i32
      %dma_wait3A_151 = arith.constant 0 : i32
      %dma_wait3A_152 = tpu.memref_slice %arg7[%run_scoped3A_132, %dma_wait3A_150, %dma_wait3A_151] : memref<2x503x16xf32, #tpu.memory_space<vmem>> -> memref<1x128x16xf32, #tpu.memory_space<vmem>>
      %dma_wait3A_153 = tpu.memref_squeeze %dma_wait3A_152 : memref<1x128x16xf32, #tpu.memory_space<vmem>> -> memref<128x16xf32, #tpu.memory_space<vmem>>
      %dma_wait3A_154 = arith.constant 384 : i32
      %dma_wait3A_155 = tpu.memref_slice %arg6[%run_scoped3A_133, %dma_wait3A_154] : memref<2x512xi32, #tpu.memory_space<vmem>> -> memref<1x128xi32, #tpu.memory_space<vmem>>
      %dma_wait3A_156 = tpu.memref_squeeze %dma_wait3A_155 : memref<1x128xi32, #tpu.memory_space<vmem>> -> memref<128xi32, #tpu.memory_space<vmem>>
      %dma_wait3A_157 = arith.constant 0 : i32
      %dma_wait3A_158 = arith.constant 0 : i32
      %dma_wait3A_159 = tpu.memref_slice %arg8[%dma_wait3A_157, %dma_wait3A_158] : memref<100096x16xf32, #tpu.memory_space<vmem_shared>> -> memref<100096x16xf32, #tpu.memory_space<vmem_shared>>
      tpu.wait_indirect_dma semaphore(%run_scoped3A_139 : memref<!tpu.dma_semaphore, #tpu.memory_space<semaphore_mem>>) src(%dma_wait3A_153 : memref<128x16xf32, #tpu.memory_space<vmem>>) dst(%dma_wait3A_159 : memref<100096x16xf32, #tpu.memory_space<vmem_shared>>)
      tpu.yield
    }) : () -> ()
    %barrier3A_134 = arith.constant 0 : index
    tpu.barrier barrier_id(%barrier3A_134)
    %mul3A_135 = arith.constant 6256 : i32
    %mul3A_136 = arith.muli %arg1, %mul3A_135 : i32
    %mul3A_137 = arith.constant 6256 : i32
    %mul3A_138 = arith.muli %arg1, %mul3A_137 : i32
    "tpu.region"() ({
      %run_scoped3A_139 = tpu.sem_alloc : memref<!tpu.dma_semaphore, #tpu.memory_space<semaphore_mem>>
      %dma_start3A_140 = arith.constant 0 : i32
      %dma_start3A_141 = tpu.memref_slice %arg5[%arg0, %mul3A_138, %dma_start3A_140] : memref<2x100096x128xf32, #tpu.memory_space<hbm>> -> memref<1x6256x16xf32, #tpu.memory_space<hbm>>
      %dma_start3A_142 = tpu.memref_squeeze %dma_start3A_141 : memref<1x6256x16xf32, #tpu.memory_space<hbm>> -> memref<6256x16xf32, #tpu.memory_space<hbm>>
      %dma_start3A_143 = arith.constant 0 : i32
      %dma_start3A_144 = tpu.memref_slice %arg8[%mul3A_136, %dma_start3A_143] : memref<100096x16xf32, #tpu.memory_space<vmem_shared>> -> memref<6256x16xf32, #tpu.memory_space<vmem_shared>>
      tpu.enqueue_dma source(%dma_start3A_144 : memref<6256x16xf32, #tpu.memory_space<vmem_shared>>) target(%dma_start3A_142 : memref<6256x16xf32, #tpu.memory_space<hbm>>) target_semaphore(%run_scoped3A_139 : memref<!tpu.dma_semaphore, #tpu.memory_space<semaphore_mem>>)
      %dma_wait3A_145 = arith.constant 0 : i32
      %dma_wait3A_146 = tpu.memref_slice %arg5[%arg0, %mul3A_138, %dma_wait3A_145] : memref<2x100096x128xf32, #tpu.memory_space<hbm>> -> memref<1x6256x16xf32, #tpu.memory_space<hbm>>
      %dma_wait3A_147 = tpu.memref_squeeze %dma_wait3A_146 : memref<1x6256x16xf32, #tpu.memory_space<hbm>> -> memref<6256x16xf32, #tpu.memory_space<hbm>>
      %dma_wait3A_148 = arith.constant 0 : i32
      %dma_wait3A_149 = tpu.memref_slice %arg8[%mul3A_136, %dma_wait3A_148] : memref<100096x16xf32, #tpu.memory_space<vmem_shared>> -> memref<6256x16xf32, #tpu.memory_space<vmem_shared>>
      tpu.wait_dma2 semaphore(%run_scoped3A_139 : memref<!tpu.dma_semaphore, #tpu.memory_space<semaphore_mem>>) src(%dma_wait3A_149 : memref<6256x16xf32, #tpu.memory_space<vmem_shared>>) dst(%dma_wait3A_147 : memref<6256x16xf32, #tpu.memory_space<hbm>>)
      tpu.yield
    }) : () -> ()
    return
  }
}

module attributes {stable_mosaic.version = 14 : i64} {
  func.func @_edge_body(%arg0: i32, %arg1: memref<8000x16xf32, #tpu.memory_space<vmem>>, %arg2: memref<16x128xf32, #tpu.memory_space<vmem>>, %arg3: memref<1x128xf32, #tpu.memory_space<vmem>>, %arg4: memref<128x64xf32, #tpu.memory_space<vmem>>, %arg5: memref<1x64xf32, #tpu.memory_space<vmem>>, %arg6: memref<64x32xf32, #tpu.memory_space<vmem>>, %arg7: memref<1x32xf32, #tpu.memory_space<vmem>>, %arg8: memref<32x16xf32, #tpu.memory_space<vmem>>, %arg9: memref<1x16xf32, #tpu.memory_space<vmem>>, %arg10: memref<16x16xf32, #tpu.memory_space<vmem>>, %arg11: memref<1x16xf32, #tpu.memory_space<vmem>>, %arg12: memref<8000x128xf32, #tpu.memory_space<vmem>>) attributes {dimension_semantics = [#tpu.dimension_semantics<arbitrary>], iteration_bounds = array<i64: 200>, scalar_prefetch = 0 : i64, scratch_operands = 0 : i64, tpu.core_type = #tpu.core_type<tc>, window_params = [{transform_indices = @transform_0, window_bounds = array<i64: 8000, 16>}, {pipeline_mode = #tpu.pipeline_mode<synchronous>, transform_indices = @transform_1, window_bounds = array<i64: 16, 128>}, {pipeline_mode = #tpu.pipeline_mode<synchronous>, transform_indices = @transform_2, window_bounds = array<i64: 1, 128>}, {pipeline_mode = #tpu.pipeline_mode<synchronous>, transform_indices = @transform_3, window_bounds = array<i64: 128, 64>}, {pipeline_mode = #tpu.pipeline_mode<synchronous>, transform_indices = @transform_4, window_bounds = array<i64: 1, 64>}, {pipeline_mode = #tpu.pipeline_mode<synchronous>, transform_indices = @transform_5, window_bounds = array<i64: 64, 32>}, {pipeline_mode = #tpu.pipeline_mode<synchronous>, transform_indices = @transform_6, window_bounds = array<i64: 1, 32>}, {pipeline_mode = #tpu.pipeline_mode<synchronous>, transform_indices = @transform_7, window_bounds = array<i64: 32, 16>}, {pipeline_mode = #tpu.pipeline_mode<synchronous>, transform_indices = @transform_8, window_bounds = array<i64: 1, 16>}, {pipeline_mode = #tpu.pipeline_mode<synchronous>, transform_indices = @transform_9, window_bounds = array<i64: 16, 16>}, {pipeline_mode = #tpu.pipeline_mode<synchronous>, transform_indices = @transform_10, window_bounds = array<i64: 1, 16>}, {transform_indices = @transform_11, window_bounds = array<i64: 8000, 128>}]} {
    %get3A = arith.constant 0 : index
    %get3A_0 = arith.constant 0 : index
    %get3A_1 = vector.load %arg1[%get3A, %get3A_0] : memref<8000x16xf32, #tpu.memory_space<vmem>>, vector<8000x16xf32>
    %get3A_2 = arith.constant 0 : index
    %get3A_3 = arith.constant 0 : index
    %get3A_4 = vector.load %arg2[%get3A_2, %get3A_3] : memref<16x128xf32, #tpu.memory_space<vmem>>, vector<16x128xf32>
    %dot_general3A = arith.constant dense<0.000000e+00> : vector<8000x128xf32>
    %dot_general3A_5 = tpu.matmul %get3A_1, %get3A_4, %dot_general3A {dimension_numbers = #tpu.dot_dimension_numbers<[1], [0], [0], [1], [0, 0, 1, 1], [], []>, transpose_lhs_hint = false} : vector<8000x16xf32>, vector<16x128xf32>, vector<8000x128xf32> -> vector<8000x128xf32>
    %get3A_6 = arith.constant 0 : index
    %get3A_7 = arith.constant 0 : index
    %get3A_8 = vector.load %arg3[%get3A_6, %get3A_7] : memref<1x128xf32, #tpu.memory_space<vmem>>, vector<1x128xf32>
    %add3A = vector.broadcast %get3A_8 : vector<1x128xf32> to vector<8000x128xf32>
    %add3A_9 = arith.addf %dot_general3A_5, %add3A : vector<8000x128xf32>
    %max3A = arith.constant 0.000000e+00 : f32
    %max3A_10 = vector.broadcast %max3A : f32 to vector<8000x128xf32>
    %max3A_11 = arith.maximumf %add3A_9, %max3A_10 : vector<8000x128xf32>
    %get3A_12 = arith.constant 0 : index
    %get3A_13 = arith.constant 0 : index
    %get3A_14 = vector.load %arg4[%get3A_12, %get3A_13] : memref<128x64xf32, #tpu.memory_space<vmem>>, vector<128x64xf32>
    %dot_general3A_15 = arith.constant dense<0.000000e+00> : vector<8000x64xf32>
    %dot_general3A_16 = tpu.matmul %max3A_11, %get3A_14, %dot_general3A_15 {dimension_numbers = #tpu.dot_dimension_numbers<[1], [0], [0], [1], [0, 0, 1, 1], [], []>, transpose_lhs_hint = false} : vector<8000x128xf32>, vector<128x64xf32>, vector<8000x64xf32> -> vector<8000x64xf32>
    %get3A_17 = arith.constant 0 : index
    %get3A_18 = arith.constant 0 : index
    %get3A_19 = vector.load %arg5[%get3A_17, %get3A_18] : memref<1x64xf32, #tpu.memory_space<vmem>>, vector<1x64xf32>
    %add3A_20 = vector.broadcast %get3A_19 : vector<1x64xf32> to vector<8000x64xf32>
    %add3A_21 = arith.addf %dot_general3A_16, %add3A_20 : vector<8000x64xf32>
    %max3A_22 = arith.constant 0.000000e+00 : f32
    %max3A_23 = vector.broadcast %max3A_22 : f32 to vector<8000x64xf32>
    %max3A_24 = arith.maximumf %add3A_21, %max3A_23 : vector<8000x64xf32>
    %get3A_25 = arith.constant 0 : index
    %get3A_26 = arith.constant 0 : index
    %get3A_27 = vector.load %arg6[%get3A_25, %get3A_26] : memref<64x32xf32, #tpu.memory_space<vmem>>, vector<64x32xf32>
    %dot_general3A_28 = arith.constant dense<0.000000e+00> : vector<8000x32xf32>
    %dot_general3A_29 = tpu.matmul %max3A_24, %get3A_27, %dot_general3A_28 {dimension_numbers = #tpu.dot_dimension_numbers<[1], [0], [0], [1], [0, 0, 1, 1], [], []>, transpose_lhs_hint = false} : vector<8000x64xf32>, vector<64x32xf32>, vector<8000x32xf32> -> vector<8000x32xf32>
    %get3A_30 = arith.constant 0 : index
    %get3A_31 = arith.constant 0 : index
    %get3A_32 = vector.load %arg7[%get3A_30, %get3A_31] : memref<1x32xf32, #tpu.memory_space<vmem>>, vector<1x32xf32>
    %add3A_33 = vector.broadcast %get3A_32 : vector<1x32xf32> to vector<8000x32xf32>
    %add3A_34 = arith.addf %dot_general3A_29, %add3A_33 : vector<8000x32xf32>
    %max3A_35 = arith.constant 0.000000e+00 : f32
    %max3A_36 = vector.broadcast %max3A_35 : f32 to vector<8000x32xf32>
    %max3A_37 = arith.maximumf %add3A_34, %max3A_36 : vector<8000x32xf32>
    %get3A_38 = arith.constant 0 : index
    %get3A_39 = arith.constant 0 : index
    %get3A_40 = vector.load %arg8[%get3A_38, %get3A_39] : memref<32x16xf32, #tpu.memory_space<vmem>>, vector<32x16xf32>
    %dot_general3A_41 = arith.constant dense<0.000000e+00> : vector<8000x16xf32>
    %dot_general3A_42 = tpu.matmul %max3A_37, %get3A_40, %dot_general3A_41 {dimension_numbers = #tpu.dot_dimension_numbers<[1], [0], [0], [1], [0, 0, 1, 1], [], []>, transpose_lhs_hint = false} : vector<8000x32xf32>, vector<32x16xf32>, vector<8000x16xf32> -> vector<8000x16xf32>
    %get3A_43 = arith.constant 0 : index
    %get3A_44 = arith.constant 0 : index
    %get3A_45 = vector.load %arg9[%get3A_43, %get3A_44] : memref<1x16xf32, #tpu.memory_space<vmem>>, vector<1x16xf32>
    %add3A_46 = vector.broadcast %get3A_45 : vector<1x16xf32> to vector<8000x16xf32>
    %add3A_47 = arith.addf %dot_general3A_42, %add3A_46 : vector<8000x16xf32>
    %max3A_48 = arith.constant 0.000000e+00 : f32
    %max3A_49 = vector.broadcast %max3A_48 : f32 to vector<8000x16xf32>
    %max3A_50 = arith.maximumf %add3A_47, %max3A_49 : vector<8000x16xf32>
    %get3A_51 = arith.constant 0 : index
    %get3A_52 = arith.constant 0 : index
    %get3A_53 = vector.load %arg10[%get3A_51, %get3A_52] : memref<16x16xf32, #tpu.memory_space<vmem>>, vector<16x16xf32>
    %dot_general3A_54 = arith.constant dense<0.000000e+00> : vector<8000x16xf32>
    %dot_general3A_55 = tpu.matmul %max3A_50, %get3A_53, %dot_general3A_54 {dimension_numbers = #tpu.dot_dimension_numbers<[1], [0], [0], [1], [0, 0, 1, 1], [], []>, transpose_lhs_hint = false} : vector<8000x16xf32>, vector<16x16xf32>, vector<8000x16xf32> -> vector<8000x16xf32>
    %get3A_56 = arith.constant 0 : index
    %get3A_57 = arith.constant 0 : index
    %get3A_58 = vector.load %arg11[%get3A_56, %get3A_57] : memref<1x16xf32, #tpu.memory_space<vmem>>, vector<1x16xf32>
    %add3A_59 = vector.broadcast %get3A_58 : vector<1x16xf32> to vector<8000x16xf32>
    %add3A_60 = arith.addf %dot_general3A_55, %add3A_59 : vector<8000x16xf32>
    %swap3A = arith.constant 0 : index
    %swap3A_61 = arith.constant 0 : index
    %swap3A_62 = vector.load %arg12[%swap3A, %swap3A_61] : memref<8000x128xf32, #tpu.memory_space<vmem>>, vector<8000x16xf32>
    tpu.vector_store %arg12[%swap3A, %swap3A_61], %add3A_60 {strides = array<i32>} : memref<8000x128xf32, #tpu.memory_space<vmem>>, vector<8000x16xf32>,
    return
  }
  func.func @transform_0(%arg0: i32) -> (i32, i32) {
    %add3A = arith.constant 0 : i32
    %add3A_0 = arith.addi %arg0, %add3A : i32
    %c0_i32 = arith.constant 0 : i32
    %c0_i32_1 = arith.constant 0 : i32
    return %add3A_0, %c0_i32 : i32, i32
  }
  func.func @transform_1(%arg0: i32) -> (i32, i32) {
    %c0_i32 = arith.constant 0 : i32
    %c0_i32_0 = arith.constant 0 : i32
    %c0_i32_1 = arith.constant 0 : i32
    return %c0_i32, %c0_i32_0 : i32, i32
  }
  func.func @transform_2(%arg0: i32) -> (i32, i32) {
    %c0_i32 = arith.constant 0 : i32
    %c0_i32_0 = arith.constant 0 : i32
    %c0_i32_1 = arith.constant 0 : i32
    return %c0_i32, %c0_i32_0 : i32, i32
  }
  func.func @transform_3(%arg0: i32) -> (i32, i32) {
    %c0_i32 = arith.constant 0 : i32
    %c0_i32_0 = arith.constant 0 : i32
    %c0_i32_1 = arith.constant 0 : i32
    return %c0_i32, %c0_i32_0 : i32, i32
  }
  func.func @transform_4(%arg0: i32) -> (i32, i32) {
    %c0_i32 = arith.constant 0 : i32
    %c0_i32_0 = arith.constant 0 : i32
    %c0_i32_1 = arith.constant 0 : i32
    return %c0_i32, %c0_i32_0 : i32, i32
  }
  func.func @transform_5(%arg0: i32) -> (i32, i32) {
    %c0_i32 = arith.constant 0 : i32
    %c0_i32_0 = arith.constant 0 : i32
    %c0_i32_1 = arith.constant 0 : i32
    return %c0_i32, %c0_i32_0 : i32, i32
  }
  func.func @transform_6(%arg0: i32) -> (i32, i32) {
    %c0_i32 = arith.constant 0 : i32
    %c0_i32_0 = arith.constant 0 : i32
    %c0_i32_1 = arith.constant 0 : i32
    return %c0_i32, %c0_i32_0 : i32, i32
  }
  func.func @transform_7(%arg0: i32) -> (i32, i32) {
    %c0_i32 = arith.constant 0 : i32
    %c0_i32_0 = arith.constant 0 : i32
    %c0_i32_1 = arith.constant 0 : i32
    return %c0_i32, %c0_i32_0 : i32, i32
  }
  func.func @transform_8(%arg0: i32) -> (i32, i32) {
    %c0_i32 = arith.constant 0 : i32
    %c0_i32_0 = arith.constant 0 : i32
    %c0_i32_1 = arith.constant 0 : i32
    return %c0_i32, %c0_i32_0 : i32, i32
  }
  func.func @transform_9(%arg0: i32) -> (i32, i32) {
    %c0_i32 = arith.constant 0 : i32
    %c0_i32_0 = arith.constant 0 : i32
    %c0_i32_1 = arith.constant 0 : i32
    return %c0_i32, %c0_i32_0 : i32, i32
  }
  func.func @transform_10(%arg0: i32) -> (i32, i32) {
    %c0_i32 = arith.constant 0 : i32
    %c0_i32_0 = arith.constant 0 : i32
    %c0_i32_1 = arith.constant 0 : i32
    return %c0_i32, %c0_i32_0 : i32, i32
  }
  func.func @transform_11(%arg0: i32) -> (i32, i32) {
    %c0_i32 = arith.constant 0 : i32
    %c0_i32_0 = arith.constant 0 : i32
    return %arg0, %c0_i32 : i32, i32
  }
}

module attributes {stable_mosaic.version = 14 : i64} {
  func.func @_edge_body(%arg0: i32, %arg1: memref<8000x16xf32, #tpu.memory_space<vmem>>, %arg2: memref<16x128xf32, #tpu.memory_space<vmem>>, %arg3: memref<1x128xf32, #tpu.memory_space<vmem>>, %arg4: memref<128x64xf32, #tpu.memory_space<vmem>>, %arg5: memref<1x64xf32, #tpu.memory_space<vmem>>, %arg6: memref<64x32xf32, #tpu.memory_space<vmem>>, %arg7: memref<1x32xf32, #tpu.memory_space<vmem>>, %arg8: memref<32x16xf32, #tpu.memory_space<vmem>>, %arg9: memref<1x16xf32, #tpu.memory_space<vmem>>, %arg10: memref<16x16xf32, #tpu.memory_space<vmem>>, %arg11: memref<1x16xf32, #tpu.memory_space<vmem>>, %arg12: memref<8000x128xf32, #tpu.memory_space<vmem>>) attributes {dimension_semantics = [#tpu.dimension_semantics<arbitrary>], iteration_bounds = array<i64: 200>, scalar_prefetch = 0 : i64, scratch_operands = 0 : i64, tpu.core_type = #tpu.core_type<tc>, window_params = [{transform_indices = @transform_0, window_bounds = array<i64: 8000, 16>}, {pipeline_mode = #tpu.pipeline_mode<synchronous>, transform_indices = @transform_1, window_bounds = array<i64: 16, 128>}, {pipeline_mode = #tpu.pipeline_mode<synchronous>, transform_indices = @transform_2, window_bounds = array<i64: 1, 128>}, {pipeline_mode = #tpu.pipeline_mode<synchronous>, transform_indices = @transform_3, window_bounds = array<i64: 128, 64>}, {pipeline_mode = #tpu.pipeline_mode<synchronous>, transform_indices = @transform_4, window_bounds = array<i64: 1, 64>}, {pipeline_mode = #tpu.pipeline_mode<synchronous>, transform_indices = @transform_5, window_bounds = array<i64: 64, 32>}, {pipeline_mode = #tpu.pipeline_mode<synchronous>, transform_indices = @transform_6, window_bounds = array<i64: 1, 32>}, {pipeline_mode = #tpu.pipeline_mode<synchronous>, transform_indices = @transform_7, window_bounds = array<i64: 32, 16>}, {pipeline_mode = #tpu.pipeline_mode<synchronous>, transform_indices = @transform_8, window_bounds = array<i64: 1, 16>}, {pipeline_mode = #tpu.pipeline_mode<synchronous>, transform_indices = @transform_9, window_bounds = array<i64: 16, 16>}, {pipeline_mode = #tpu.pipeline_mode<synchronous>, transform_indices = @transform_10, window_bounds = array<i64: 1, 16>}, {transform_indices = @transform_11, window_bounds = array<i64: 8000, 128>}]} {
    %get3A = arith.constant 0 : index
    %get3A_0 = arith.constant 0 : index
    %get3A_1 = vector.load %arg1[%get3A, %get3A_0] : memref<8000x16xf32, #tpu.memory_space<vmem>>, vector<8000x16xf32>
    %get3A_2 = arith.constant 0 : index
    %get3A_3 = arith.constant 0 : index
    %get3A_4 = vector.load %arg2[%get3A_2, %get3A_3] : memref<16x128xf32, #tpu.memory_space<vmem>>, vector<16x128xf32>
    %dot_general3A = arith.constant dense<0.000000e+00> : vector<8000x128xf32>
    %dot_general3A_5 = tpu.matmul %get3A_1, %get3A_4, %dot_general3A {dimension_numbers = #tpu.dot_dimension_numbers<[1], [0], [0], [1], [0, 0, 1, 1], [], []>, transpose_lhs_hint = false} : vector<8000x16xf32>, vector<16x128xf32>, vector<8000x128xf32> -> vector<8000x128xf32>
    %get3A_6 = arith.constant 0 : index
    %get3A_7 = arith.constant 0 : index
    %get3A_8 = vector.load %arg3[%get3A_6, %get3A_7] : memref<1x128xf32, #tpu.memory_space<vmem>>, vector<1x128xf32>
    %add3A = vector.broadcast %get3A_8 : vector<1x128xf32> to vector<8000x128xf32>
    %add3A_9 = arith.addf %dot_general3A_5, %add3A : vector<8000x128xf32>
    %max3A = arith.constant 0.000000e+00 : f32
    %max3A_10 = vector.broadcast %max3A : f32 to vector<8000x128xf32>
    %max3A_11 = arith.maximumf %add3A_9, %max3A_10 : vector<8000x128xf32>
    %get3A_12 = arith.constant 0 : index
    %get3A_13 = arith.constant 0 : index
    %get3A_14 = vector.load %arg4[%get3A_12, %get3A_13] : memref<128x64xf32, #tpu.memory_space<vmem>>, vector<128x64xf32>
    %dot_general3A_15 = arith.constant dense<0.000000e+00> : vector<8000x64xf32>
    %dot_general3A_16 = tpu.matmul %max3A_11, %get3A_14, %dot_general3A_15 {dimension_numbers = #tpu.dot_dimension_numbers<[1], [0], [0], [1], [0, 0, 1, 1], [], []>, transpose_lhs_hint = false} : vector<8000x128xf32>, vector<128x64xf32>, vector<8000x64xf32> -> vector<8000x64xf32>
    %get3A_17 = arith.constant 0 : index
    %get3A_18 = arith.constant 0 : index
    %get3A_19 = vector.load %arg5[%get3A_17, %get3A_18] : memref<1x64xf32, #tpu.memory_space<vmem>>, vector<1x64xf32>
    %add3A_20 = vector.broadcast %get3A_19 : vector<1x64xf32> to vector<8000x64xf32>
    %add3A_21 = arith.addf %dot_general3A_16, %add3A_20 : vector<8000x64xf32>
    %max3A_22 = arith.constant 0.000000e+00 : f32
    %max3A_23 = vector.broadcast %max3A_22 : f32 to vector<8000x64xf32>
    %max3A_24 = arith.maximumf %add3A_21, %max3A_23 : vector<8000x64xf32>
    %get3A_25 = arith.constant 0 : index
    %get3A_26 = arith.constant 0 : index
    %get3A_27 = vector.load %arg6[%get3A_25, %get3A_26] : memref<64x32xf32, #tpu.memory_space<vmem>>, vector<64x32xf32>
    %dot_general3A_28 = arith.constant dense<0.000000e+00> : vector<8000x32xf32>
    %dot_general3A_29 = tpu.matmul %max3A_24, %get3A_27, %dot_general3A_28 {dimension_numbers = #tpu.dot_dimension_numbers<[1], [0], [0], [1], [0, 0, 1, 1], [], []>, transpose_lhs_hint = false} : vector<8000x64xf32>, vector<64x32xf32>, vector<8000x32xf32> -> vector<8000x32xf32>
    %get3A_30 = arith.constant 0 : index
    %get3A_31 = arith.constant 0 : index
    %get3A_32 = vector.load %arg7[%get3A_30, %get3A_31] : memref<1x32xf32, #tpu.memory_space<vmem>>, vector<1x32xf32>
    %add3A_33 = vector.broadcast %get3A_32 : vector<1x32xf32> to vector<8000x32xf32>
    %add3A_34 = arith.addf %dot_general3A_29, %add3A_33 : vector<8000x32xf32>
    %max3A_35 = arith.constant 0.000000e+00 : f32
    %max3A_36 = vector.broadcast %max3A_35 : f32 to vector<8000x32xf32>
    %max3A_37 = arith.maximumf %add3A_34, %max3A_36 : vector<8000x32xf32>
    %get3A_38 = arith.constant 0 : index
    %get3A_39 = arith.constant 0 : index
    %get3A_40 = vector.load %arg8[%get3A_38, %get3A_39] : memref<32x16xf32, #tpu.memory_space<vmem>>, vector<32x16xf32>
    %dot_general3A_41 = arith.constant dense<0.000000e+00> : vector<8000x16xf32>
    %dot_general3A_42 = tpu.matmul %max3A_37, %get3A_40, %dot_general3A_41 {dimension_numbers = #tpu.dot_dimension_numbers<[1], [0], [0], [1], [0, 0, 1, 1], [], []>, transpose_lhs_hint = false} : vector<8000x32xf32>, vector<32x16xf32>, vector<8000x16xf32> -> vector<8000x16xf32>
    %get3A_43 = arith.constant 0 : index
    %get3A_44 = arith.constant 0 : index
    %get3A_45 = vector.load %arg9[%get3A_43, %get3A_44] : memref<1x16xf32, #tpu.memory_space<vmem>>, vector<1x16xf32>
    %add3A_46 = vector.broadcast %get3A_45 : vector<1x16xf32> to vector<8000x16xf32>
    %add3A_47 = arith.addf %dot_general3A_42, %add3A_46 : vector<8000x16xf32>
    %max3A_48 = arith.constant 0.000000e+00 : f32
    %max3A_49 = vector.broadcast %max3A_48 : f32 to vector<8000x16xf32>
    %max3A_50 = arith.maximumf %add3A_47, %max3A_49 : vector<8000x16xf32>
    %get3A_51 = arith.constant 0 : index
    %get3A_52 = arith.constant 0 : index
    %get3A_53 = vector.load %arg10[%get3A_51, %get3A_52] : memref<16x16xf32, #tpu.memory_space<vmem>>, vector<16x16xf32>
    %dot_general3A_54 = arith.constant dense<0.000000e+00> : vector<8000x16xf32>
    %dot_general3A_55 = tpu.matmul %max3A_50, %get3A_53, %dot_general3A_54 {dimension_numbers = #tpu.dot_dimension_numbers<[1], [0], [0], [1], [0, 0, 1, 1], [], []>, transpose_lhs_hint = false} : vector<8000x16xf32>, vector<16x16xf32>, vector<8000x16xf32> -> vector<8000x16xf32>
    %get3A_56 = arith.constant 0 : index
    %get3A_57 = arith.constant 0 : index
    %get3A_58 = vector.load %arg11[%get3A_56, %get3A_57] : memref<1x16xf32, #tpu.memory_space<vmem>>, vector<1x16xf32>
    %add3A_59 = vector.broadcast %get3A_58 : vector<1x16xf32> to vector<8000x16xf32>
    %add3A_60 = arith.addf %dot_general3A_55, %add3A_59 : vector<8000x16xf32>
    %swap3A = arith.constant 0 : index
    %swap3A_61 = arith.constant 0 : index
    %swap3A_62 = vector.load %arg12[%swap3A, %swap3A_61] : memref<8000x128xf32, #tpu.memory_space<vmem>>, vector<8000x16xf32>
    tpu.vector_store %arg12[%swap3A, %swap3A_61], %add3A_60 {strides = array<i32>} : memref<8000x128xf32, #tpu.memory_space<vmem>>, vector<8000x16xf32>,
    return
  }
  func.func @transform_0(%arg0: i32) -> (i32, i32) {
    %add3A = arith.constant 200 : i32
    %add3A_0 = arith.addi %arg0, %add3A : i32
    %c0_i32 = arith.constant 0 : i32
    %c0_i32_1 = arith.constant 0 : i32
    return %add3A_0, %c0_i32 : i32, i32
  }
  func.func @transform_1(%arg0: i32) -> (i32, i32) {
    %c0_i32 = arith.constant 0 : i32
    %c0_i32_0 = arith.constant 0 : i32
    %c0_i32_1 = arith.constant 0 : i32
    return %c0_i32, %c0_i32_0 : i32, i32
  }
  func.func @transform_2(%arg0: i32) -> (i32, i32) {
    %c0_i32 = arith.constant 0 : i32
    %c0_i32_0 = arith.constant 0 : i32
    %c0_i32_1 = arith.constant 0 : i32
    return %c0_i32, %c0_i32_0 : i32, i32
  }
  func.func @transform_3(%arg0: i32) -> (i32, i32) {
    %c0_i32 = arith.constant 0 : i32
    %c0_i32_0 = arith.constant 0 : i32
    %c0_i32_1 = arith.constant 0 : i32
    return %c0_i32, %c0_i32_0 : i32, i32
  }
  func.func @transform_4(%arg0: i32) -> (i32, i32) {
    %c0_i32 = arith.constant 0 : i32
    %c0_i32_0 = arith.constant 0 : i32
    %c0_i32_1 = arith.constant 0 : i32
    return %c0_i32, %c0_i32_0 : i32, i32
  }
  func.func @transform_5(%arg0: i32) -> (i32, i32) {
    %c0_i32 = arith.constant 0 : i32
    %c0_i32_0 = arith.constant 0 : i32
    %c0_i32_1 = arith.constant 0 : i32
    return %c0_i32, %c0_i32_0 : i32, i32
  }
  func.func @transform_6(%arg0: i32) -> (i32, i32) {
    %c0_i32 = arith.constant 0 : i32
    %c0_i32_0 = arith.constant 0 : i32
    %c0_i32_1 = arith.constant 0 : i32
    return %c0_i32, %c0_i32_0 : i32, i32
  }
  func.func @transform_7(%arg0: i32) -> (i32, i32) {
    %c0_i32 = arith.constant 0 : i32
    %c0_i32_0 = arith.constant 0 : i32
    %c0_i32_1 = arith.constant 0 : i32
    return %c0_i32, %c0_i32_0 : i32, i32
  }
  func.func @transform_8(%arg0: i32) -> (i32, i32) {
    %c0_i32 = arith.constant 0 : i32
    %c0_i32_0 = arith.constant 0 : i32
    %c0_i32_1 = arith.constant 0 : i32
    return %c0_i32, %c0_i32_0 : i32, i32
  }
  func.func @transform_9(%arg0: i32) -> (i32, i32) {
    %c0_i32 = arith.constant 0 : i32
    %c0_i32_0 = arith.constant 0 : i32
    %c0_i32_1 = arith.constant 0 : i32
    return %c0_i32, %c0_i32_0 : i32, i32
  }
  func.func @transform_10(%arg0: i32) -> (i32, i32) {
    %c0_i32 = arith.constant 0 : i32
    %c0_i32_0 = arith.constant 0 : i32
    %c0_i32_1 = arith.constant 0 : i32
    return %c0_i32, %c0_i32_0 : i32, i32
  }
  func.func @transform_11(%arg0: i32) -> (i32, i32) {
    %c0_i32 = arith.constant 0 : i32
    %c0_i32_0 = arith.constant 0 : i32
    return %arg0, %c0_i32 : i32, i32
  }
}

module attributes {stable_mosaic.version = 14 : i64} {
  func.func @body(%arg0: i32, %arg1: memref<2000x14xf32, #tpu.memory_space<vmem>>, %arg2: memref<2000x128xf32, #tpu.memory_space<vmem>>, %arg3: memref<2000x128xf32, #tpu.memory_space<vmem>>, %arg4: memref<2000x128xf32, #tpu.memory_space<vmem>>, %arg5: memref<2000x128xf32, #tpu.memory_space<vmem>>, %arg6: memref<14x128xf32, #tpu.memory_space<vmem>>, %arg7: memref<16x128xf32, #tpu.memory_space<vmem>>, %arg8: memref<1x128xf32, #tpu.memory_space<vmem>>, %arg9: memref<128x64xf32, #tpu.memory_space<vmem>>, %arg10: memref<1x64xf32, #tpu.memory_space<vmem>>, %arg11: memref<64x32xf32, #tpu.memory_space<vmem>>, %arg12: memref<1x32xf32, #tpu.memory_space<vmem>>, %arg13: memref<32x16xf32, #tpu.memory_space<vmem>>, %arg14: memref<1x16xf32, #tpu.memory_space<vmem>>, %arg15: memref<16x6xf32, #tpu.memory_space<vmem>>, %arg16: memref<1x6xf32, #tpu.memory_space<vmem>>, %arg17: memref<2000x6xf32, #tpu.memory_space<vmem>>) attributes {dimension_semantics = [#tpu.dimension_semantics<arbitrary>], iteration_bounds = array<i64: 50>, scalar_prefetch = 0 : i64, scratch_operands = 0 : i64, tpu.core_type = #tpu.core_type<tc>, window_params = [{transform_indices = @transform_0, window_bounds = array<i64: 2000, 14>}, {transform_indices = @transform_1, window_bounds = array<i64: 2000, 128>}, {transform_indices = @transform_2, window_bounds = array<i64: 2000, 128>}, {transform_indices = @transform_3, window_bounds = array<i64: 2000, 128>}, {transform_indices = @transform_4, window_bounds = array<i64: 2000, 128>}, {pipeline_mode = #tpu.pipeline_mode<synchronous>, transform_indices = @transform_5, window_bounds = array<i64: 14, 128>}, {pipeline_mode = #tpu.pipeline_mode<synchronous>, transform_indices = @transform_6, window_bounds = array<i64: 16, 128>}, {pipeline_mode = #tpu.pipeline_mode<synchronous>, transform_indices = @transform_7, window_bounds = array<i64: 1, 128>}, {pipeline_mode = #tpu.pipeline_mode<synchronous>, transform_indices = @transform_8, window_bounds = array<i64: 128, 64>}, {pipeline_mode = #tpu.pipeline_mode<synchronous>, transform_indices = @transform_9, window_bounds = array<i64: 1, 64>}, {pipeline_mode = #tpu.pipeline_mode<synchronous>, transform_indices = @transform_10, window_bounds = array<i64: 64, 32>}, {pipeline_mode = #tpu.pipeline_mode<synchronous>, transform_indices = @transform_11, window_bounds = array<i64: 1, 32>}, {pipeline_mode = #tpu.pipeline_mode<synchronous>, transform_indices = @transform_12, window_bounds = array<i64: 32, 16>}, {pipeline_mode = #tpu.pipeline_mode<synchronous>, transform_indices = @transform_13, window_bounds = array<i64: 1, 16>}, {pipeline_mode = #tpu.pipeline_mode<synchronous>, transform_indices = @transform_14, window_bounds = array<i64: 16, 6>}, {pipeline_mode = #tpu.pipeline_mode<synchronous>, transform_indices = @transform_15, window_bounds = array<i64: 1, 6>}, {transform_indices = @transform_16, window_bounds = array<i64: 2000, 6>}]} {
    %get3A = arith.constant 0 : index
    %get3A_0 = arith.constant 0 : index
    %get3A_1 = vector.load %arg2[%get3A, %get3A_0] : memref<2000x128xf32, #tpu.memory_space<vmem>>, vector<2000x16xf32>
    %get3A_2 = arith.constant 0 : index
    %get3A_3 = arith.constant 0 : index
    %get3A_4 = vector.load %arg3[%get3A_2, %get3A_3] : memref<2000x128xf32, #tpu.memory_space<vmem>>, vector<2000x16xf32>
    %add3A = arith.addf %get3A_1, %get3A_4 : vector<2000x16xf32>
    %get3A_5 = arith.constant 0 : index
    %get3A_6 = arith.constant 0 : index
    %get3A_7 = vector.load %arg4[%get3A_5, %get3A_6] : memref<2000x128xf32, #tpu.memory_space<vmem>>, vector<2000x16xf32>
    %add3A_8 = arith.addf %add3A, %get3A_7 : vector<2000x16xf32>
    %get3A_9 = arith.constant 0 : index
    %get3A_10 = arith.constant 0 : index
    %get3A_11 = vector.load %arg5[%get3A_9, %get3A_10] : memref<2000x128xf32, #tpu.memory_space<vmem>>, vector<2000x16xf32>
    %add3A_12 = arith.addf %add3A_8, %get3A_11 : vector<2000x16xf32>
    %get3A_13 = arith.constant 0 : index
    %get3A_14 = arith.constant 0 : index
    %get3A_15 = vector.load %arg1[%get3A_13, %get3A_14] : memref<2000x14xf32, #tpu.memory_space<vmem>>, vector<2000x14xf32>
    %get3A_16 = arith.constant 0 : index
    %get3A_17 = arith.constant 0 : index
    %get3A_18 = vector.load %arg6[%get3A_16, %get3A_17] : memref<14x128xf32, #tpu.memory_space<vmem>>, vector<14x128xf32>
    %dot_general3A = arith.constant dense<0.000000e+00> : vector<2000x128xf32>
    %dot_general3A_19 = tpu.matmul %get3A_15, %get3A_18, %dot_general3A {dimension_numbers = #tpu.dot_dimension_numbers<[1], [0], [0], [1], [0, 0, 1, 1], [], []>, transpose_lhs_hint = false} : vector<2000x14xf32>, vector<14x128xf32>, vector<2000x128xf32> -> vector<2000x128xf32>
    %get3A_20 = arith.constant 0 : index
    %get3A_21 = arith.constant 0 : index
    %get3A_22 = vector.load %arg7[%get3A_20, %get3A_21] : memref<16x128xf32, #tpu.memory_space<vmem>>, vector<16x128xf32>
    %dot_general3A_23 = arith.constant dense<0.000000e+00> : vector<2000x128xf32>
    %dot_general3A_24 = tpu.matmul %add3A_12, %get3A_22, %dot_general3A_23 {dimension_numbers = #tpu.dot_dimension_numbers<[1], [0], [0], [1], [0, 0, 1, 1], [], []>, transpose_lhs_hint = false} : vector<2000x16xf32>, vector<16x128xf32>, vector<2000x128xf32> -> vector<2000x128xf32>
    %add3A_25 = arith.addf %dot_general3A_19, %dot_general3A_24 : vector<2000x128xf32>
    %get3A_26 = arith.constant 0 : index
    %get3A_27 = arith.constant 0 : index
    %get3A_28 = vector.load %arg8[%get3A_26, %get3A_27] : memref<1x128xf32, #tpu.memory_space<vmem>>, vector<1x128xf32>
    %add3A_29 = vector.broadcast %get3A_28 : vector<1x128xf32> to vector<2000x128xf32>
    %add3A_30 = arith.addf %add3A_25, %add3A_29 : vector<2000x128xf32>
    %max3A = arith.constant 0.000000e+00 : f32
    %max3A_31 = vector.broadcast %max3A : f32 to vector<2000x128xf32>
    %max3A_32 = arith.maximumf %add3A_30, %max3A_31 : vector<2000x128xf32>
    %get3A_33 = arith.constant 0 : index
    %get3A_34 = arith.constant 0 : index
    %get3A_35 = vector.load %arg9[%get3A_33, %get3A_34] : memref<128x64xf32, #tpu.memory_space<vmem>>, vector<128x64xf32>
    %dot_general3A_36 = arith.constant dense<0.000000e+00> : vector<2000x64xf32>
    %dot_general3A_37 = tpu.matmul %max3A_32, %get3A_35, %dot_general3A_36 {dimension_numbers = #tpu.dot_dimension_numbers<[1], [0], [0], [1], [0, 0, 1, 1], [], []>, transpose_lhs_hint = false} : vector<2000x128xf32>, vector<128x64xf32>, vector<2000x64xf32> -> vector<2000x64xf32>
    %get3A_38 = arith.constant 0 : index
    %get3A_39 = arith.constant 0 : index
    %get3A_40 = vector.load %arg10[%get3A_38, %get3A_39] : memref<1x64xf32, #tpu.memory_space<vmem>>, vector<1x64xf32>
    %add3A_41 = vector.broadcast %get3A_40 : vector<1x64xf32> to vector<2000x64xf32>
    %add3A_42 = arith.addf %dot_general3A_37, %add3A_41 : vector<2000x64xf32>
    %max3A_43 = arith.constant 0.000000e+00 : f32
    %max3A_44 = vector.broadcast %max3A_43 : f32 to vector<2000x64xf32>
    %max3A_45 = arith.maximumf %add3A_42, %max3A_44 : vector<2000x64xf32>
    %get3A_46 = arith.constant 0 : index
    %get3A_47 = arith.constant 0 : index
    %get3A_48 = vector.load %arg11[%get3A_46, %get3A_47] : memref<64x32xf32, #tpu.memory_space<vmem>>, vector<64x32xf32>
    %dot_general3A_49 = arith.constant dense<0.000000e+00> : vector<2000x32xf32>
    %dot_general3A_50 = tpu.matmul %max3A_45, %get3A_48, %dot_general3A_49 {dimension_numbers = #tpu.dot_dimension_numbers<[1], [0], [0], [1], [0, 0, 1, 1], [], []>, transpose_lhs_hint = false} : vector<2000x64xf32>, vector<64x32xf32>, vector<2000x32xf32> -> vector<2000x32xf32>
    %get3A_51 = arith.constant 0 : index
    %get3A_52 = arith.constant 0 : index
    %get3A_53 = vector.load %arg12[%get3A_51, %get3A_52] : memref<1x32xf32, #tpu.memory_space<vmem>>, vector<1x32xf32>
    %add3A_54 = vector.broadcast %get3A_53 : vector<1x32xf32> to vector<2000x32xf32>
    %add3A_55 = arith.addf %dot_general3A_50, %add3A_54 : vector<2000x32xf32>
    %max3A_56 = arith.constant 0.000000e+00 : f32
    %max3A_57 = vector.broadcast %max3A_56 : f32 to vector<2000x32xf32>
    %max3A_58 = arith.maximumf %add3A_55, %max3A_57 : vector<2000x32xf32>
    %get3A_59 = arith.constant 0 : index
    %get3A_60 = arith.constant 0 : index
    %get3A_61 = vector.load %arg13[%get3A_59, %get3A_60] : memref<32x16xf32, #tpu.memory_space<vmem>>, vector<32x16xf32>
    %dot_general3A_62 = arith.constant dense<0.000000e+00> : vector<2000x16xf32>
    %dot_general3A_63 = tpu.matmul %max3A_58, %get3A_61, %dot_general3A_62 {dimension_numbers = #tpu.dot_dimension_numbers<[1], [0], [0], [1], [0, 0, 1, 1], [], []>, transpose_lhs_hint = false} : vector<2000x32xf32>, vector<32x16xf32>, vector<2000x16xf32> -> vector<2000x16xf32>
    %get3A_64 = arith.constant 0 : index
    %get3A_65 = arith.constant 0 : index
    %get3A_66 = vector.load %arg14[%get3A_64, %get3A_65] : memref<1x16xf32, #tpu.memory_space<vmem>>, vector<1x16xf32>
    %add3A_67 = vector.broadcast %get3A_66 : vector<1x16xf32> to vector<2000x16xf32>
    %add3A_68 = arith.addf %dot_general3A_63, %add3A_67 : vector<2000x16xf32>
    %max3A_69 = arith.constant 0.000000e+00 : f32
    %max3A_70 = vector.broadcast %max3A_69 : f32 to vector<2000x16xf32>
    %max3A_71 = arith.maximumf %add3A_68, %max3A_70 : vector<2000x16xf32>
    %get3A_72 = arith.constant 0 : index
    %get3A_73 = arith.constant 0 : index
    %get3A_74 = vector.load %arg15[%get3A_72, %get3A_73] : memref<16x6xf32, #tpu.memory_space<vmem>>, vector<16x6xf32>
    %dot_general3A_75 = arith.constant dense<0.000000e+00> : vector<2000x6xf32>
    %dot_general3A_76 = tpu.matmul %max3A_71, %get3A_74, %dot_general3A_75 {dimension_numbers = #tpu.dot_dimension_numbers<[1], [0], [0], [1], [0, 0, 1, 1], [], []>, transpose_lhs_hint = false} : vector<2000x16xf32>, vector<16x6xf32>, vector<2000x6xf32> -> vector<2000x6xf32>
    %get3A_77 = arith.constant 0 : index
    %get3A_78 = arith.constant 0 : index
    %get3A_79 = vector.load %arg16[%get3A_77, %get3A_78] : memref<1x6xf32, #tpu.memory_space<vmem>>, vector<1x6xf32>
    %add3A_80 = vector.broadcast %get3A_79 : vector<1x6xf32> to vector<2000x6xf32>
    %add3A_81 = arith.addf %dot_general3A_76, %add3A_80 : vector<2000x6xf32>
    %swap3A = arith.constant 0 : index
    %swap3A_82 = arith.constant 0 : index
    %swap3A_83 = vector.load %arg17[%swap3A, %swap3A_82] : memref<2000x6xf32, #tpu.memory_space<vmem>>, vector<2000x6xf32>
    tpu.vector_store %arg17[%swap3A, %swap3A_82], %add3A_81 {strides = array<i32>} : memref<2000x6xf32, #tpu.memory_space<vmem>>, vector<2000x6xf32>,
    return
  }
  func.func @transform_0(%arg0: i32) -> (i32, i32) {
    %c0_i32 = arith.constant 0 : i32
    %c0_i32_0 = arith.constant 0 : i32
    return %arg0, %c0_i32 : i32, i32
  }
  func.func @transform_1(%arg0: i32) -> (i32, i32) {
    %c0_i32 = arith.constant 0 : i32
    %c0_i32_0 = arith.constant 0 : i32
    return %arg0, %c0_i32 : i32, i32
  }
  func.func @transform_2(%arg0: i32) -> (i32, i32) {
    %c0_i32 = arith.constant 0 : i32
    %c0_i32_0 = arith.constant 0 : i32
    return %arg0, %c0_i32 : i32, i32
  }
  func.func @transform_3(%arg0: i32) -> (i32, i32) {
    %c0_i32 = arith.constant 0 : i32
    %c0_i32_0 = arith.constant 0 : i32
    return %arg0, %c0_i32 : i32, i32
  }
  func.func @transform_4(%arg0: i32) -> (i32, i32) {
    %c0_i32 = arith.constant 0 : i32
    %c0_i32_0 = arith.constant 0 : i32
    return %arg0, %c0_i32 : i32, i32
  }
  func.func @transform_5(%arg0: i32) -> (i32, i32) {
    %c0_i32 = arith.constant 0 : i32
    %c0_i32_0 = arith.constant 0 : i32
    %c0_i32_1 = arith.constant 0 : i32
    return %c0_i32, %c0_i32_0 : i32, i32
  }
  func.func @transform_6(%arg0: i32) -> (i32, i32) {
    %c0_i32 = arith.constant 0 : i32
    %c0_i32_0 = arith.constant 0 : i32
    %c0_i32_1 = arith.constant 0 : i32
    return %c0_i32, %c0_i32_0 : i32, i32
  }
  func.func @transform_7(%arg0: i32) -> (i32, i32) {
    %c0_i32 = arith.constant 0 : i32
    %c0_i32_0 = arith.constant 0 : i32
    %c0_i32_1 = arith.constant 0 : i32
    return %c0_i32, %c0_i32_0 : i32, i32
  }
  func.func @transform_8(%arg0: i32) -> (i32, i32) {
    %c0_i32 = arith.constant 0 : i32
    %c0_i32_0 = arith.constant 0 : i32
    %c0_i32_1 = arith.constant 0 : i32
    return %c0_i32, %c0_i32_0 : i32, i32
  }
  func.func @transform_9(%arg0: i32) -> (i32, i32) {
    %c0_i32 = arith.constant 0 : i32
    %c0_i32_0 = arith.constant 0 : i32
    %c0_i32_1 = arith.constant 0 : i32
    return %c0_i32, %c0_i32_0 : i32, i32
  }
  func.func @transform_10(%arg0: i32) -> (i32, i32) {
    %c0_i32 = arith.constant 0 : i32
    %c0_i32_0 = arith.constant 0 : i32
    %c0_i32_1 = arith.constant 0 : i32
    return %c0_i32, %c0_i32_0 : i32, i32
  }
  func.func @transform_11(%arg0: i32) -> (i32, i32) {
    %c0_i32 = arith.constant 0 : i32
    %c0_i32_0 = arith.constant 0 : i32
    %c0_i32_1 = arith.constant 0 : i32
    return %c0_i32, %c0_i32_0 : i32, i32
  }
  func.func @transform_12(%arg0: i32) -> (i32, i32) {
    %c0_i32 = arith.constant 0 : i32
    %c0_i32_0 = arith.constant 0 : i32
    %c0_i32_1 = arith.constant 0 : i32
    return %c0_i32, %c0_i32_0 : i32, i32
  }
  func.func @transform_13(%arg0: i32) -> (i32, i32) {
    %c0_i32 = arith.constant 0 : i32
    %c0_i32_0 = arith.constant 0 : i32
    %c0_i32_1 = arith.constant 0 : i32
    return %c0_i32, %c0_i32_0 : i32, i32
  }
  func.func @transform_14(%arg0: i32) -> (i32, i32) {
    %c0_i32 = arith.constant 0 : i32
    %c0_i32_0 = arith.constant 0 : i32
    %c0_i32_1 = arith.constant 0 : i32
    return %c0_i32, %c0_i32_0 : i32, i32
  }
  func.func @transform_15(%arg0: i32) -> (i32, i32) {
    %c0_i32 = arith.constant 0 : i32
    %c0_i32_0 = arith.constant 0 : i32
    %c0_i32_1 = arith.constant 0 : i32
    return %c0_i32, %c0_i32_0 : i32, i32
  }
  func.func @transform_16(%arg0: i32) -> (i32, i32) {
    %c0_i32 = arith.constant 0 : i32
    %c0_i32_0 = arith.constant 0 : i32
    return %arg0, %c0_i32 : i32, i32
  }
}

</mosaic_0001>

<sc_bundles>
// kernel: kernel.10.cloned.1.call-start
scs
__scs_entry_jumppad:
0x0: {  	(pc) =	sbr.rel $0x88, $3  }
0x1: {  	(tag) =	ssettag $0x0;
	lr =	simm.s32 $0x1  }
0x2: {  	[smem:$0x3F8A] =	sst lr;
	_ =	strace $0xD0000000  }
0x3: {  	_ = 	snop  }
0x4: {  	_ = 	snop  }
0x5: {  	_ = 	snop  }
0x6: {  	_ = 	snop  }
0x7: {  	_ = 	snop  }
__scs_overlays_trampoline_lowered:
0x8: {  	[smem:$0x3F99] =	sst s0  }
0x9: {  	[smem:$0x3F9A] =	sst s1  }
0xa: {  	[smem:$0x3F9B] =	sst s2  }
0xb: {  	[smem:$0x3F9C] =	sst s3  }
0xc: {  	[smem:$0x3F9D] =	sst s4  }
0xd: {  	[smem:$0x3F9E] =	sst s5  }
0xe: {  	[smem:$0x3F9F] =	sst s6  }
0xf: {  	[smem:$0x3FA0] =	sst s7  }
0x10: {  	[smem:$0x3FA1] =	sst s8  }
0x11: {  	[smem:$0x3FA2] =	sst s9;
	s0 =	simm.s32 @!p0 $0x0  }
0x12: {  	s1 =	sld [smem:$0x3F88];
	s0 =	simm.s32 @p0 $0x1  }
0x13: {  	[smem:$0x3FA3] =	sst s0;
	s0 =	simm.s32 @!p1 $0x0  }
0x14: {  	s2 =	sld [smem:$0x3F87];
	s0 =	simm.s32 @p1 $0x1  }
0x15: {  	[smem:$0x3FA4] =	sst s0;
	s0 =	simm.s32 @!p2 $0x0  }
0x16: {  	s3 =	sld [smem:$0x3FDB];
	s0 =	simm.s32 @p2 $0x1  }
0x17: {  	s4 =	simm.s32 $0x1BF5;
	[smem:$0x3FA6] =	sst s0  }
0x18: {  	s0 =	sld [smem:$0x3F89];
	_ =	swait.ge [sflag:s4], $0x0  }
0x19: {  	s7 =	sld [smem:$0x3F8A]  }
0x1a: {  	s8 =	sadd.s32 $0xFFFFE003, lr  }
0x1b: {  	s9 =	sadd.s32 $0xFFFFFEF7, lr;
	s5 =	simm.s32 $0xFFFFFFFF;
	p2 =	slt.u32 s8, $0xFFFFF086  }
0x1c: {  	p1 =	slt.u32 s9, $0xF7A;
	s5 =	simm.s32 @!p2 $0x0  }
0x1d: {  	s5 =	simm.s32 @p1 $0x1;
	p0 =	seq.s32 s7, s2  }
0x1e: {  	s7 =	smul.u32 @!p0 $0xF7A, s2;
	p2 =	seq.s32 @!p0 s5, $0x0  }
0x1f: {  	s9 =	smul.u32 $0xF7A, s1;
	s8 =	simm.s32 @!p0 $0x1BF5;
	p2 =	por !p2, p0  }
0x20: {  	[sflag:s8] =	ssyncset.s32 @!p0 $0xFFFFF086;
	s6 =	sadd.s32 @!p0 s3, s7;
	s7 =	simm.s32 @!p0 $0x108  }
0x21: {  	s3 =	sadd.s32 s3, s9;
	s6 =	sadd.s32 @!p0 $0x88, s6;
	s7 =	simm.s32 @p2 $0x1082  }
0x22: {  	[simem:s7], [sflag:s8] =	dma.local @!p0 [hbm:s6], $0xF7A  }
0x23: {  	s9 =	sor.u32 $0xD0000000, s2;
	s6 =	simm.s32 $0x108;
	_ =	swait.ge @!p0 [sflag:s8], $0x0  }
0x24: {  	s3 =	sadd.s32 $0x88, s3;
	s6 =	simm.s32 @!p1 $0x1082;
	[sflag:s4] =	ssyncset.s32 $0xFFFFF086  }
0x25: {  	[simem:s6], [sflag:s4] =	dma.local [hbm:s3], $0xF7A  }
0x26: {  	[smem:$0x3F8A] =	sst s1;
	(tag) =	ssettag s2;
	_ =	strace s9  }
0x27: {  	s1 =	sld [smem:$0x3F9A]  }
0x28: {  	s2 =	sld [smem:$0x3F9B]  }
0x29: {  	s4 =	sld [smem:$0x3F9D]  }
0x2a: {  	p0 =	seq.s32 s5, $0x0;
	s5 =	sld [smem:$0x3F9E]  }
0x2b: {  	s6 =	sld [smem:$0x3F9F]  }
0x2c: {  	s7 =	sld [smem:$0x3FA0]  }
0x2d: {  	s3 =	simm.s32 $0x108;
	s8 =	sld [smem:$0x3FA1]  }
0x2e: {  	s3 =	simm.s32 @!p0 $0x1082;
	s9 =	sld [smem:$0x3FA2]  }
0x2f: {  	lr =	sadd.s32 s0, s3;
	s0 =	sld [smem:$0x3F99]  }
0x30: {  	s3 =	sld [smem:$0x3F9C]  }
0x31: {  	[smem:$0x3FA5] =	sst s10  }
0x32: {  	s10 =	sld [smem:$0x3FA3];
	_ =	sdelay $0x3  }
0x33: {  	p0 =	seq.s32 s10, $0x1;
	s10 =	sld [smem:$0x3FA5];
	_ =	sdelay $0x3  }
0x34: {  	[smem:$0x3FA5] =	sst s10  }
0x35: {  	s10 =	sld [smem:$0x3FA4];
	_ =	sdelay $0x3  }
0x36: {  	p1 =	seq.s32 s10, $0x1;
	s10 =	sld [smem:$0x3FA5];
	_ =	sdelay $0x3  }
0x37: {  	[smem:$0x3FA5] =	sst s10  }
0x38: {  	s10 =	sld [smem:$0x3FA6]  }
0x39: {  	_ = 	snop;
	(pc) =	sbr.ind lr, $3  }
0x3a: {  	_ = 	snop  }
0x3b: {  	_ = 	snop  }
0x3c: {  	p2 =	seq.s32 s10, $0x1;
	s10 =	sld [smem:$0x3FA5]  }
0x3d: {  	_ =	shalt  }
0x3e: {  	_ =	shalt  }
0x3f: {  	_ =	shalt  }
0x40: {  	_ =	shalt  }
0x41: {  	_ =	shalt  }
0x42: {  	_ =	shalt  }
0x43: {  	_ =	shalt  }
0x44: {  	_ =	shalt  }
0x45: {  	_ =	shalt  }
0x46: {  	_ =	shalt  }
0x47: {  	_ =	shalt  }
0x48: {  	_ =	shalt  }
0x49: {  	_ =	shalt  }
0x4a: {  	_ =	shalt  }
0x4b: {  	_ =	shalt  }
0x4c: {  	_ =	shalt  }
0x4d: {  	_ =	shalt  }
0x4e: {  	_ =	shalt  }
0x4f: {  	_ =	shalt  }
0x50: {  	_ =	shalt  }
0x51: {  	_ =	shalt  }
0x52: {  	_ =	shalt  }
0x53: {  	_ =	shalt  }
0x54: {  	_ =	shalt  }
0x55: {  	_ =	shalt  }
0x56: {  	_ =	shalt  }
0x57: {  	_ =	shalt  }
0x58: {  	_ =	shalt  }
0x59: {  	_ =	shalt  }
0x5a: {  	_ =	shalt  }
0x5b: {  	_ =	shalt  }
0x5c: {  	_ =	shalt  }
0x5d: {  	_ =	shalt  }
0x5e: {  	_ =	shalt  }
0x5f: {  	_ =	shalt  }
0x60: {  	_ =	shalt  }
0x61: {  	_ =	shalt  }
0x62: {  	_ =	shalt  }
0x63: {  	_ =	shalt  }
0x64: {  	_ =	shalt  }
0x65: {  	_ =	shalt  }
0x66: {  	_ =	shalt  }
0x67: {  	_ =	shalt  }
0x68: {  	_ =	shalt  }
0x69: {  	_ =	shalt  }
0x6a: {  	_ =	shalt  }
0x6b: {  	_ =	shalt  }
0x6c: {  	_ =	shalt  }
0x6d: {  	_ =	shalt  }
0x6e: {  	_ =	shalt  }
0x6f: {  	_ =	shalt  }
0x70: {  	_ =	shalt  }
0x71: {  	_ =	shalt  }
0x72: {  	_ =	shalt  }
0x73: {  	_ =	shalt  }
0x74: {  	_ =	shalt  }
0x75: {  	_ =	shalt  }
0x76: {  	_ =	shalt  }
0x77: {  	_ =	shalt  }
0x78: {  	_ =	shalt  }
0x79: {  	_ =	shalt  }
0x7a: {  	_ =	shalt  }
0x7b: {  	_ =	shalt  }
0x7c: {  	_ =	shalt  }
0x7d: {  	_ =	shalt  }
0x7e: {  	_ =	shalt  }
0x7f: {  	_ =	shalt  }
0x80: {  	_ =	shalt  }
0x81: {  	_ =	shalt  }
0x82: {  	_ =	shalt  }
0x83: {  	_ =	shalt  }
0x84: {  	_ =	shalt  }
0x85: {  	_ =	shalt  }
0x86: {  	_ =	shalt  }
0x87: {  	_ =	shalt  }
.Lfunc_end0:
.L_simem_size_0:
called_computation.1_lowered:
.L_overlay_start_0:
0x88: {  	s2 =	sld [smem:$0x3FD9]  }
0x89: {  	s3 =	sld [smem:$0x3FFE];
	_ =	sdelay $0x1  }
0x8a: {  	s1 =	srdreg.scid  }
0x8b: {  	s0 =	sand.u32 $0x1, s1  }
0x8c: {  	s17 =	sshll.u32 s0, $0xA;
	s2 =	sadd.s32 s3, s2  }
0x8d: {  	s2 =	sadd.s32 s2, s17  }
0x8e: {  	[smem:$0x3FB1] =	sst s2  }
0x8f: {  	_ = 	snop  }
0x90: {  	s18 =	sld [smem:$0x3FD0];
	(tm) =	ssettm $0x1  }
0x91: {  	s19 =	sld [smem:$0x3FFB];
	_ =	sdelay $0x3  }
0x92: {  	_ =	strace s19  }
0x93: {  	s2 =	sld [smem:$0x3FFC];
	_ =	sdelay $0x3  }
0x94: {  	_ =	strace s2  }
0x95: {  	s2 =	sld [smem:$0x3FFD];
	_ =	sdelay $0x3  }
0x96: {  	_ =	strace s2  }
0x97: {  	_ =	strace $0x8FFFFFFF  }
0x98: {  	s20 =	sld [smem:$0x3FDB];
	_ =	sdelay $0x1  }
0x99: {  	s4 =	simm.s32 $_scs_section_size  }
0x9a: {  	s5 =	simm.s32 $_size__tile_overlayer_lowered;
	s6 =	simm.s32 $_tile_overlayer_lowered  }
0x9b: {  	s7 =	simm.s32 $0x1BFF;
	s21 =	sshll.u32 s6, $0x1;
	s4 =	sadd.s32 s4, s20  }
0x9c: {  	s22 =	simm.s32 $0x0;
	s5 =	sshll.u32 s5, $0x1;
	s6 =	sadd.s32 s21, s4  }
0x9d: {  	[timem:s22], [sflag:s7] =	dma.local [hbm:s6], s5  }
0x9e: {  	_ =	swait.ge [sflag:s7], s5  }
0x9f: {  	s5 =	ssub.s32 $0x0, s5;
	[sflag:s7] =	ssyncset.done $0x0  }
0xa0: {  	[sflag:s7] =	ssyncadd.s32 s5;
	_ =	sdelay $0x1  }
0xa1: {  	s23 =	simm.s32 $0x1B8B  }
0xa2: {  	_ =	swait.ge [sflag:s23], $0x1  }
0xa3: {  	[sflag:s23] =	ssyncset.done $0x0  }
0xa4: {  	[sflag:s23] =	ssyncadd.s32 $0xFFFFFFFF  }
0xa5: {  	s5 =	sld [smem:$0x0]  }
0xa6: {  	s6 =	sand.u32 $0xFFFFFFFE, s1  }
0xa7: {  	p0 =	sne.s32 s1, s6  }
0xa8: {  	s6 =	sshll.u32 @p0 s6, $0xE  }
0xa9: {  	s6 =	sadd.s32 @p0 $0x11B8D, s6;
	s7 =	sshll.u32 @p0 s5, $0x11  }
0xaa: {  	s6 =	sor.u32 @p0 s7, s6  }
0xab: {  	[sflag:s6] =	ssyncadd.remote.s32 @p0 $0x1;
	_ =	sdelay $0x1  }
0xac: {  	s6 =	simm.s32 @p0 $0x1B8D  }
0xad: {  	_ =	swait.eq @p0 [sflag:s6], $0x1  }
0xae: {  	[sflag:s6] =	ssyncadd.s32 @p0 $0xFFFFFFFF  }
0xaf: {  	s7 =	sshll.u32 @!p0 s1, $0xE  }
0xb0: {  	s7 =	sor.u32 @!p0 $0x4000, s7;
	s6 =	simm.s32 @!p0 $0x1B8D  }
0xb1: {  	s5 =	sshll.u32 @!p0 s5, $0x11;
	s7 =	sadd.s32 @!p0 $0x11B8D, s7;
	_ =	swait.eq @!p0 [sflag:s6], $0x1  }
0xb2: {  	s5 =	sor.u32 @!p0 s5, s7;
	[sflag:s6] =	ssyncadd.s32 @!p0 $0xFFFFFFFF  }
0xb3: {  	s25 =	simm.s32 $0x1B8E;
	s24 =	sld [smem:$0x3FFE];
	[sflag:s5] =	ssyncadd.remote.s32 @!p0 $0x1  }
0xb4: {  	s26 =	simm.s32 $execute0_lowered;
	[smem:$0x3FD2] =	sst s25  }
0xb5: {  	s6 =	sshll.u32 s26, $0x1;
	_ =	strace $0x80000049;
	[dreg:$0x1] =	wrdreg $0xFFFFFFFF  }
0xb6: {  	s28 =	simm.s32 $_size_execute0_lowered;
	s4 =	sadd.s32 s4, s6;
	[dreg:$0x0] =	wrdreg $0x0  }
0xb7: {  	s6 =	sshll.u32 s28, $0x1;
	[dreg:$0x2] =	wrdreg s4  }
0xb8: {  	[dreg:$0x3] =	wrdreg s6  }
0xb9: {  	[dreg:$0x4] =	wrdreg $0xC0  }
0xba: {  	_ =	task [dreg:s22], $0x5FFFF  }
0xbb: {  	[dreg:$0x1] =	wrdreg $0xFFFFFFFF  }
0xbc: {  	[dreg:$0x0] =	wrdreg $0x60  }
0xbd: {  	[dreg:$0x2] =	wrdreg s24  }
0xbe: {  	[dreg:$0x3] =	wrdreg s18  }
0xbf: {  	[dreg:$0x4] =	wrdreg $0x42E00  }
0xc0: {  	[dreg:$0x5] =	wrdreg $0xA  }
0xc1: {  	_ =	task.clear_ibuf [dreg:s22], $0x6FFFF;
	_ =	strace $0x90000049  }
0xc2: {  	s29 =	simm.s32 $0xA;
	_ =	strace $0x8000004B  }
0xc3: {  	_ =	swait.ge [sflag:s29], $0x1  }
0xc4: {  	[sflag:s29] =	ssyncadd.s32 $0xFFFFFFFF  }
0xc5: {  	_ =	strace $0x9000004B  }
0xc6: {  	_ =	sfence  }
0xc7: {  	s30 =	sld [smem:$0x0];
	_ =	sdelay $0x2  }
0xc8: {  	s31 =	sshll.u32 s1, $0xD;
	s1 =	sshrl.u32 s1, $0x2  }
0xc9: {  	s4 =	sand.u32 $0x4000, s31;
	s1 =	sadd.s32 s1, s30  }
0xca: {  	s0 =	sor.u32 s4, s0;
	s1 =	sshll.u32 s1, $0x11  }
0xcb: {  	s0 =	sor.u32 s1, s0  }
0xcc: {  	s0 =	sadd.s32 $0x8F2B, s0  }
0xcd: {  	[sflag:s0] =	ssyncadd.remote.s32 $0x1  }
0xce: {  	_ =	sfence.sel $0xFFFF  }
0xcf: {  	[dreg:$0x0] =	wrdreg $0xFFFFFFFF;
	(pc) =	sbr.abs _section_cstart, $3  }
0xd0: {  	[dreg:$0x1] =	wrdreg $0xFFFFFFFF  }
0xd1: {  	_ =	task.clear_ibuf [dreg:s22], $0x2FFFF;
	_ =	strace $0x9FFFFFFF  }
0xd2: {  	(tm) =	ssettm $0x7FFFFFFF  }
0xd3: {  	_ =	shalt  }
tec
execute0_lowered:
.L_overlay_start_1:
0x0: {  	(tag) =	ssettag $0x1  }
0x1: {  	s0 =	rddreg [dreg:$0x0]  }
0x2: {  	s2 =	rddreg [dreg:$0x2];
	s1 =	srdreg.scid;
	s4 =	simm.s32 $0x0  }
0x3: {  	s13 =	stileid.u32;
	s28 =	simm.s32 $0x3;
	s29 =	simm.s32 $0x4  }
0x4: {  	s30 =	simm.s32 $0x280;
	s31 =	simm.s32 $0x2B40;
	s5 =	smul.u32 $0xC3800, s13  }
0x5: {  	s1 =	sand.u32 $0x1, s1;
	s6 =	sadd.s32 $0x4CB5E00, s0;
	s9 =	smul.u32 $0x61C00, s13  }
0x6: {  	[smem:$0x7FF] =	sst s4;
	s7 =	sadd.s32 $0x30D9E00, s0;
	s20 =	smul.u32 $0x3200, s13  }
0x7: {  	s25 =	sshll.u32 s13, $0x1;
	s17 =	sshll.u32 s13, $0x6;
	s24 =	smul.u32 $0x186A00, s13  }
0x8: {  	s3 =	smul.u32 $0xC38000, s1;
	_ =	strace $0x8000004A;
	s8 =	ssub.s32 $0x2, s1  }
0x9: {  	s18 =	sor.u32 $0x1C05, s17;
	s22 =	smul.u32 $0x1900, s1;
	s17 =	simm.s32 $0x400  }
0xa: {  	s3 =	sadd.s32 s5, s3;
	s5 =	sor.u32 s1, s25;
	s1 =	smul.u32 $0xC3500, s1  }
0xb: {  	s10 =	sshrl.u32 s8, $0x1;
	s14 =	sshrl.u32 s9, $0x2;
	s11 =	smul.u32 $0xC800, s5  }
0xc: {  	s26 =	ssub.s32 s8, s10;
	s8 =	sadd.s32 s14, s2;
	s16 =	smul.u32 $0xC3500, s5  }
0xd: {  	s14 =	simm.s32 $0x5;
	s3 =	sshrl.u32 s3, $0x3;
	s12 =	smul.u32 $0x61A800, s5  }
0xe: {  	s0 =	sadd.s32 s3, s0;
	s3 =	smax.u32 s26, $0x1;
	s15 =	sshrl.u32 s11, $0x3  }
0xf: {  	s10 =	sadd.s32 s6, s16;
	s21 =	sshrl.u32 s12, $0x3;
	s0 =	sadd.s32 $0x5000, s0  }
0x10: {  	[dreg:$0xa] =	wrdreg s3;
	s16 =	simm.s32 $0x80;
	s3 =	simm.s32 $0x3310  }
0x11: {  	s9 =	sadd.s32 s7, s15;
	[dreg:$0x6] =	wrdreg s10;
	s23 =	sadd.s32 s6, s21  }
0x12: {  	s7 =	sadd.s32 s20, s7;
	[dreg:$0x9] =	wrdreg s0;
	s6 =	sadd.s32 s24, s6  }
0x13: {  	s15 =	simm.s32 $0x10;
	s20 =	simm.s32 $0x1;
	s21 =	simm.s32 $0x2  }
0x14: {  	s24 =	simm.s32 $0x13A0;
	s0 =	simm.s32 $0x300;
	s19 =	sadd.s32 $0x32000, s9  }
0x15: {  	s9 =	sadd.s32 $0x32040, s9;
	s25 =	sadd.s32 s22, s7;
	s26 =	sadd.s32 s1, s6  }
0x16: {  	s22 =	simm.s32 $0xBD0;
	s1 =	simm.s32 $0x380;
	[dreg:$0x5] =	wrdreg s19  }
0x17: {  	s6 =	simm.s32 $0x3AE0;
	s7 =	simm.s32 $0x0;
	[dreg:$0x7] =	wrdreg s9  }
0x18: {  	s9 =	sadd.s32 $0x1F40, s23;
	[dreg:$0x4] =	wrdreg s25;
	s10 =	sadd.s32 $0x5DC0, s26  }
0x19: {  	s19 =	simm.s32 $0x2370;
	s23 =	simm.s32 $0x100;
	s25 =	simm.s32 $0x180  }
0x1a: {  	s26 =	simm.s32 $0x1B70;
	[dreg:$0x8] =	wrdreg s9;
	s9 =	sshrl.u32 s8, $0x3  }
0x1b: {  	s8 =	smov.u32 s18;
	s18 =	simm.s32 $0x200;
	[dreg:$0xb] =	wrdreg s9  }
.LBB2_1:
0x1c: {  	s5 =	rddreg [dreg:$0x1]  }
0x1d: {  	[spmem:s9], [sflag:s8] =	dma.local [hbm:s5], $0x30E0  }
0x1e: {  	_ =	swait.ge [sflag:s14], $0x30E0  }
0x1f: {  	[sflag:s14] =	ssyncset.done $0x0  }
0x20: {  	[sflag:s14] =	ssyncadd.s32 $0xFFFFCF20  }
0x21: {  	[bflag:$0x0] =	sbarrier.arrive $0xFFFF  }
0x22: {  	s9 =	rddreg [dreg:$0x5]  }
0x23: {  	[tilespmem:s4], [sflag:$0x1] =	stream.linear.gather [hbm4b:s9+s4], $0x200, $0x38;
	[tilespmem:$0x1C9E0] =	vst v63  }
0x24: {  	s11 =	rddreg [dreg:$0x6]  }
0x25: {  	[tilespmem:s17], [sflag:$0x2] =	stream.strided.gather [hbm4b:s11+s15], $0x1F40, s16, s15, $0x38;
	[tilespmem:$0x1C9E0] =	vst v63  }
0x26: {  	s12 =	rddreg [dreg:$0x7]  }
0x27: {  	[tilespmem:s18], [sflag:$0x3] =	stream.linear.gather [hbm4b:s12+s4], $0x200, $0x38;
	[tilespmem:$0x1C9E0] =	vst v63  }
0x28: {  	s13 =	smov.u32 s8;
	s8 =	rddreg [dreg:$0x8]  }
0x29: {  	[tilespmem:s19], [sflag:$0x4] =	stream.strided.gather [hbm4b:s8+s15], $0x1F40, s16, s15, $0x38;
	[tilespmem:$0x1C9E0] =	vst v63  }
0x2a: {  	_ =	swait.ge [sflag:s20], $0x200  }
0x2b: {  	[sflag:s20] =	ssyncset.done $0x0  }
0x2c: {  	[sflag:s20] =	ssyncadd.s32 $0xFFFFFE00  }
0x2d: {  	_ =	swait.ge [sflag:s21], $0x1F40  }
0x2e: {  	[sflag:s21] =	ssyncset.done $0x0  }
0x2f: {  	[sflag:s21] =	ssyncadd.s32 $0xFFFFE0C0  }
0x30: {  	[spmem:s2] =	stream.indirect.scatter.add.f32 [tilespmem:s17], [sflag:$0x5], $0x10, s4, s16, $0xb8;
	[tilespmem:$0x1C9E0] =	vst v63  }
0x31: {  	_ =	swait.ge [sflag:s14], $0x800  }
0x32: {  	[sflag:s14] =	ssyncset.done $0x0  }
0x33: {  	[sflag:s14] =	ssyncadd.s32 $0xFFFFF800  }
0x34: {  	[spmem:s2] =	stream.indirect.scatter.add.f32 [tilespmem:s22], [sflag:$0x5], $0x10, s16, s16, $0xb8;
	[tilespmem:$0x1C9E0] =	vst v63  }
0x35: {  	_ =	swait.ge [sflag:s14], $0x800  }
0x36: {  	[sflag:s14] =	ssyncset.done $0x0  }
0x37: {  	[sflag:s14] =	ssyncadd.s32 $0xFFFFF800  }
0x38: {  	[spmem:s2] =	stream.indirect.scatter.add.f32 [tilespmem:s24], [sflag:$0x5], $0x10, s23, s16, $0xb8;
	[tilespmem:$0x1C9E0] =	vst v63  }
0x39: {  	_ =	swait.ge [sflag:s14], $0x800  }
0x3a: {  	[sflag:s14] =	ssyncset.done $0x0  }
0x3b: {  	[sflag:s14] =	ssyncadd.s32 $0xFFFFF800  }
0x3c: {  	[spmem:s2] =	stream.indirect.scatter.add.f32 [tilespmem:s26], [sflag:$0x5], $0x10, s25, s16, $0xb8;
	[tilespmem:$0x1C9E0] =	vst v63  }
0x3d: {  	_ =	swait.ge [sflag:s14], $0x800  }
0x3e: {  	s9 =	rddreg [dreg:$0x4]  }
0x3f: {  	[sflag:s14] =	ssyncset.done $0x0;
	s8 =	sadd.s32 $0x0, s9  }
0x40: {  	[sflag:s14] =	ssyncadd.s32 $0xFFFFF800;
	s11 =	sadd.s32 $0x32080, s8  }
0x41: {  	[tilespmem:s4], [sflag:$0x1] =	stream.linear.gather [hbm4b:s11+s4], $0x200, $0x38;
	[tilespmem:$0x1C9E0] =	vst v63  }
0x42: {  	s12 =	sadd.s32 $0xFFFFE0C0, s10  }
0x43: {  	[tilespmem:s17], [sflag:$0x2] =	stream.strided.gather [hbm4b:s12+s15], $0x1F40, s16, s15, $0x38;
	[tilespmem:$0x1C9E0] =	vst v63  }
0x44: {  	_ =	swait.ge [sflag:s28], $0x200  }
0x45: {  	[sflag:s28] =	ssyncset.done $0x0  }
0x46: {  	[sflag:s28] =	ssyncadd.s32 $0xFFFFFE00  }
0x47: {  	_ =	swait.ge [sflag:s29], $0x1F40  }
0x48: {  	[sflag:s29] =	ssyncset.done $0x0  }
0x49: {  	[sflag:s29] =	ssyncadd.s32 $0xFFFFE0C0  }
0x4a: {  	[spmem:s2] =	stream.indirect.scatter.add.f32 [tilespmem:s19], [sflag:$0x5], $0x10, s18, s16, $0xb8;
	[tilespmem:$0x1C9E0] =	vst v63  }
0x4b: {  	_ =	swait.ge [sflag:s14], $0x800  }
0x4c: {  	[sflag:s14] =	ssyncset.done $0x0  }
0x4d: {  	[sflag:s14] =	ssyncadd.s32 $0xFFFFF800  }
0x4e: {  	[spmem:s2] =	stream.indirect.scatter.add.f32 [tilespmem:s31], [sflag:$0x5], $0x10, s30, s16, $0xb8;
	[tilespmem:$0x1C9E0] =	vst v63  }
0x4f: {  	_ =	swait.ge [sflag:s14], $0x800  }
0x50: {  	[sflag:s14] =	ssyncset.done $0x0  }
0x51: {  	[sflag:s14] =	ssyncadd.s32 $0xFFFFF800  }
0x52: {  	[spmem:s2] =	stream.indirect.scatter.add.f32 [tilespmem:s3], [sflag:$0x5], $0x10, s0, s16, $0xb8;
	[tilespmem:$0x1C9E0] =	vst v63  }
0x53: {  	_ =	swait.ge [sflag:s14], $0x800  }
0x54: {  	[sflag:s14] =	ssyncset.done $0x0  }
0x55: {  	[sflag:s14] =	ssyncadd.s32 $0xFFFFF800  }
0x56: {  	[spmem:s2] =	stream.indirect.scatter.add.f32 [tilespmem:s6], [sflag:$0x5], $0x10, s1, s16, $0xb8;
	[tilespmem:$0x1C9E0] =	vst v63  }
0x57: {  	_ =	swait.ge [sflag:s14], $0x800  }
0x58: {  	[sflag:s14] =	ssyncset.done $0x0  }
0x59: {  	s8 =	sadd.s32 $0x320C0, s8;
	[sflag:s14] =	ssyncadd.s32 $0xFFFFF800  }
0x5a: {  	[tilespmem:s18], [sflag:$0x3] =	stream.linear.gather [hbm4b:s8+s4], $0x200, $0x38;
	[tilespmem:$0x1C9E0] =	vst v63  }
0x5b: {  	s9 =	sadd.s32 $0x3E80, s10;
	s12 =	smov.u32 s10;
	s8 =	simm.s32 $0x80  }
.LBB2_2:
0x5c: {  	[tilespmem:s19], [sflag:$0x4] =	stream.strided.gather [hbm4b:s12+s15], $0x1F40, s16, s15, $0x38;
	[tilespmem:$0x1C9E0] =	vst v63  }
0x5d: {  	_ =	swait.ge [sflag:s20], $0x200  }
0x5e: {  	[sflag:s20] =	ssyncset.done $0x0  }
0x5f: {  	[sflag:s20] =	ssyncadd.s32 $0xFFFFFE00  }
0x60: {  	_ =	swait.ge [sflag:s21], $0x1F40  }
0x61: {  	[sflag:s21] =	ssyncset.done $0x0  }
0x62: {  	[sflag:s21] =	ssyncadd.s32 $0xFFFFE0C0  }
0x63: {  	[spmem:s2] =	stream.indirect.scatter.add.f32 [tilespmem:s17], [sflag:$0x5], $0x10, s4, s16, $0xb8;
	[tilespmem:$0x1C9E0] =	vst v63  }
0x64: {  	_ =	swait.ge [sflag:s14], $0x800  }
0x65: {  	[sflag:s14] =	ssyncset.done $0x0  }
0x66: {  	[sflag:s14] =	ssyncadd.s32 $0xFFFFF800  }
0x67: {  	[spmem:s2] =	stream.indirect.scatter.add.f32 [tilespmem:s22], [sflag:$0x5], $0x10, s16, s16, $0xb8;
	[tilespmem:$0x1C9E0] =	vst v63  }
0x68: {  	_ =	swait.ge [sflag:s14], $0x800  }
0x69: {  	[sflag:s14] =	ssyncset.done $0x0  }
0x6a: {  	[sflag:s14] =	ssyncadd.s32 $0xFFFFF800  }
0x6b: {  	[spmem:s2] =	stream.indirect.scatter.add.f32 [tilespmem:s24], [sflag:$0x5], $0x10, s23, s16, $0xb8;
	[tilespmem:$0x1C9E0] =	vst v63  }
0x6c: {  	_ =	swait.ge [sflag:s14], $0x800  }
0x6d: {  	[sflag:s14] =	ssyncset.done $0x0  }
0x6e: {  	[sflag:s14] =	ssyncadd.s32 $0xFFFFF800  }
0x6f: {  	[spmem:s2] =	stream.indirect.scatter.add.f32 [tilespmem:s26], [sflag:$0x5], $0x10, s25, s16, $0xb8;
	[tilespmem:$0x1C9E0] =	vst v63  }
0x70: {  	_ =	swait.ge [sflag:s14], $0x800  }
0x71: {  	s11 =	smov.u32 s8;
	s5 =	rddreg [dreg:$0x4]  }
0x72: {  	[sflag:s14] =	ssyncset.done $0x0;
	s5 =	sadd.s32 s11, s5  }
0x73: {  	[sflag:s14] =	ssyncadd.s32 $0xFFFFF800;
	s11 =	sadd.s32 $0x32080, s5  }
0x74: {  	[tilespmem:s4], [sflag:$0x1] =	stream.linear.gather [hbm4b:s11+s4], $0x200, $0x38;
	[tilespmem:$0x1C9E0] =	vst v63  }
0x75: {  	s11 =	sadd.s32 $0xFFFFE0C0, s9  }
0x76: {  	[tilespmem:s17], [sflag:$0x2] =	stream.strided.gather [hbm4b:s11+s15], $0x1F40, s16, s15, $0x38;
	[tilespmem:$0x1C9E0] =	vst v63  }
0x77: {  	_ =	swait.ge [sflag:s28], $0x200  }
0x78: {  	[sflag:s28] =	ssyncset.done $0x0  }
0x79: {  	[sflag:s28] =	ssyncadd.s32 $0xFFFFFE00  }
0x7a: {  	_ =	swait.ge [sflag:s29], $0x1F40  }
0x7b: {  	[sflag:s29] =	ssyncset.done $0x0  }
0x7c: {  	[sflag:s29] =	ssyncadd.s32 $0xFFFFE0C0  }
0x7d: {  	[spmem:s2] =	stream.indirect.scatter.add.f32 [tilespmem:s19], [sflag:$0x5], $0x10, s18, s16, $0xb8;
	[tilespmem:$0x1C9E0] =	vst v63  }
0x7e: {  	_ =	swait.ge [sflag:s14], $0x800  }
0x7f: {  	[sflag:s14] =	ssyncset.done $0x0  }
0x80: {  	[sflag:s14] =	ssyncadd.s32 $0xFFFFF800  }
0x81: {  	[spmem:s2] =	stream.indirect.scatter.add.f32 [tilespmem:s31], [sflag:$0x5], $0x10, s30, s16, $0xb8;
	[tilespmem:$0x1C9E0] =	vst v63  }
0x82: {  	_ =	swait.ge [sflag:s14], $0x800  }
0x83: {  	[sflag:s14] =	ssyncset.done $0x0  }
0x84: {  	[sflag:s14] =	ssyncadd.s32 $0xFFFFF800  }
0x85: {  	[spmem:s2] =	stream.indirect.scatter.add.f32 [tilespmem:s3], [sflag:$0x5], $0x10, s0, s16, $0xb8;
	[tilespmem:$0x1C9E0] =	vst v63  }
0x86: {  	_ =	swait.ge [sflag:s14], $0x800  }
0x87: {  	[sflag:s14] =	ssyncset.done $0x0  }
0x88: {  	p0 =	sne.s32 s8, $0x1800;
	[sflag:s14] =	ssyncadd.s32 $0xFFFFF800  }
0x89: {  	[spmem:s2] =	stream.indirect.scatter.add.f32 [tilespmem:s6], [sflag:$0x5], $0x10, s1, s16, $0xb8;
	[tilespmem:$0x1C9E0] =	vst v63  }
.Ltmp0:
0x8a: {  	_ = 	snop;
	(pc) =	sbr.rel @p0 .LBB2_2-.Ltmp0, $4  }
0x8b: {  	_ =	swait.ge [sflag:s14], $0x800  }
0x8c: {  	s12 =	smov.u32 s9;
	s8 =	sadd.s32 $0x80, s8;
	[sflag:s14] =	ssyncset.done $0x0  }
0x8d: {  	s5 =	sadd.s32 $0x320C0, s5;
	s9 =	sadd.s32 $0x3E80, s9;
	[sflag:s14] =	ssyncadd.s32 $0xFFFFF800  }
0x8e: {  	[tilespmem:s18], [sflag:$0x3] =	stream.linear.gather [hbm4b:s5+s4], $0x200, $0x38;
	[tilespmem:$0x1C9E0] =	vst v63  }
0x8f: {  	[tilespmem:s19], [sflag:$0x4] =	stream.strided.gather [hbm4b:s12+s15], $0x1F40, s16, s15, $0x38;
	[tilespmem:$0x1C9E0] =	vst v63  }
0x90: {  	_ =	swait.ge [sflag:s20], $0x200  }
0x91: {  	[sflag:s20] =	ssyncset.done $0x0  }
0x92: {  	[sflag:s20] =	ssyncadd.s32 $0xFFFFFE00  }
0x93: {  	_ =	swait.ge [sflag:s21], $0x1F40  }
0x94: {  	[sflag:s21] =	ssyncset.done $0x0  }
0x95: {  	[sflag:s21] =	ssyncadd.s32 $0xFFFFE0C0  }
0x96: {  	[spmem:s2] =	stream.indirect.scatter.add.f32 [tilespmem:s17], [sflag:$0x5], $0x10, s4, s16, $0xb8;
	[tilespmem:$0x1C9E0] =	vst v63  }
0x97: {  	_ =	swait.ge [sflag:s14], $0x800  }
0x98: {  	[sflag:s14] =	ssyncset.done $0x0  }
0x99: {  	[sflag:s14] =	ssyncadd.s32 $0xFFFFF800  }
0x9a: {  	[spmem:s2] =	stream.indirect.scatter.add.f32 [tilespmem:s22], [sflag:$0x5], $0x10, s16, s16, $0xb8;
	[tilespmem:$0x1C9E0] =	vst v63  }
0x9b: {  	_ =	swait.ge [sflag:s14], $0x800  }
0x9c: {  	[sflag:s14] =	ssyncset.done $0x0  }
0x9d: {  	[sflag:s14] =	ssyncadd.s32 $0xFFFFF800  }
0x9e: {  	[spmem:s2] =	stream.indirect.scatter.add.f32 [tilespmem:s24], [sflag:$0x5], $0x10, s23, s16, $0xb8;
	[tilespmem:$0x1C9E0] =	vst v63  }
0x9f: {  	_ =	swait.ge [sflag:s14], $0x800  }
0xa0: {  	[sflag:s14] =	ssyncset.done $0x0  }
0xa1: {  	[sflag:s14] =	ssyncadd.s32 $0xFFFFF800  }
0xa2: {  	[spmem:s2] =	stream.indirect.scatter.add.f32 [tilespmem:s26], [sflag:$0x5], $0x10, s25, s16, $0xb8;
	[tilespmem:$0x1C9E0] =	vst v63  }
0xa3: {  	_ =	swait.ge [sflag:s14], $0x800  }
0xa4: {  	[sflag:s14] =	ssyncset.done $0x0  }
0xa5: {  	[sflag:s14] =	ssyncadd.s32 $0xFFFFF800  }
0xa6: {  	_ =	swait.ge [sflag:s28], $0x200  }
0xa7: {  	[sflag:s28] =	ssyncset.done $0x0  }
0xa8: {  	[sflag:s28] =	ssyncadd.s32 $0xFFFFFE00  }
0xa9: {  	_ =	swait.ge [sflag:s29], $0x1F40  }
0xaa: {  	[sflag:s29] =	ssyncset.done $0x0  }
0xab: {  	[sflag:s29] =	ssyncadd.s32 $0xFFFFE0C0  }
0xac: {  	[spmem:s2] =	stream.indirect.scatter.add.f32 [tilespmem:s19], [sflag:$0x5], $0x10, s18, s16, $0xb8;
	[tilespmem:$0x1C9E0] =	vst v63  }
0xad: {  	_ =	swait.ge [sflag:s14], $0x800  }
0xae: {  	[sflag:s14] =	ssyncset.done $0x0  }
0xaf: {  	[sflag:s14] =	ssyncadd.s32 $0xFFFFF800  }
0xb0: {  	[spmem:s2] =	stream.indirect.scatter.add.f32 [tilespmem:s31], [sflag:$0x5], $0x10, s30, s16, $0xb8;
	[tilespmem:$0x1C9E0] =	vst v63  }
0xb1: {  	_ =	swait.ge [sflag:s14], $0x800  }
0xb2: {  	[sflag:s14] =	ssyncset.done $0x0  }
0xb3: {  	[sflag:s14] =	ssyncadd.s32 $0xFFFFF800  }
0xb4: {  	[spmem:s2] =	stream.indirect.scatter.add.f32 [tilespmem:s3], [sflag:$0x5], $0x10, s0, s16, $0xb8;
	[tilespmem:$0x1C9E0] =	vst v63  }
0xb5: {  	_ =	swait.ge [sflag:s14], $0x800  }
0xb6: {  	[sflag:s14] =	ssyncset.done $0x0  }
0xb7: {  	[sflag:s14] =	ssyncadd.s32 $0xFFFFF800  }
0xb8: {  	[spmem:s2] =	stream.indirect.scatter.add.f32 [tilespmem:s6], [sflag:$0x5], $0x10, s1, s16, $0xb8;
	[tilespmem:$0x1C9E0] =	vst v63  }
0xb9: {  	_ =	swait.ge [sflag:s14], $0x800  }
0xba: {  	[sflag:s14] =	ssyncset.done $0x0  }
0xbb: {  	[sflag:s14] =	ssyncadd.s32 $0xFFFFF800  }
0xbc: {  	[bflag:$0x0] =	sbarrier.arrive $0xFFFF  }
0xbd: {  	s5 =	rddreg [dreg:$0x9]  }
0xbe: {  	s9 =	rddreg [dreg:$0xb]  }
0xbf: {  	[hbm:s5@s15], [sflag:s13] =	dma.strided [spmem:s9@s21], $0x30E0, s20, $0x2   }
0xc0: {  	_ =	swait.ge [sflag:s14], $0x30E0  }
0xc1: {  	s8 =	smov.u32 s13;
	s7 =	sadd.s32 $0x1, s7;
	s13 =	rddreg [dreg:$0xa]  }
0xc2: {  	p0 =	sne.s32 s7, s13  }
.Ltmp1:
0xc3: {  	_ = 	snop;
	(pc) =	sbr.rel @p0 .LBB2_1-.Ltmp1, $3  }
0xc4: {  	_ =	sdelay $0x1  }
0xc5: {  	[sflag:s14] =	ssyncset.done $0x0  }
0xc6: {  	[sflag:s14] =	ssyncadd.s32 $0xFFFFCF20  }
0xc7: {  	_ =	sfence.sel $0x180000  }
0xc8: {  	[bflag:$0x0] =	sbarrier.arrive $0xFFFF  }
0xc9: {  	_ =	strace $0x9000004A  }
0xca: {  	s0 =	stileid.u32;
	[bflag:$0x2] =	sbarrier.arrive $0xFFFF  }
0xcb: {  	p0 =	sne.s32 s0, $0x0;
	s0 =	rddreg [dreg:$0x3]  }
0xcc: {  	s0 =	sadd.s32 @!p0 $0x100000, s0  }
0xcd: {  	[sflag:s0] =	ssyncadd.tile.s32 @!p0 $0x1;
	_ =	shalt  }
.Lfunc_end2:
_tile_overlayer_lowered:
.L_overlay_start_2:
0xce: {  	(tag) =	ssettag $0x2  }
0xcf: {  	s0 =	rddreg [dreg:$0x0];
	s2 =	stileid.u32  }
0xd0: {  	s1 =	rddreg [dreg:$0x1];
	p0 =	sne.s32 s2, $0x0  }
0xd1: {  	s3 =	rddreg [dreg:$0x2];
	[bflag:$0x3] =	sbarrier.arrive $0xFFFF;
	s2 =	simm.s32 @!p0 $0x1C05  }
0xd2: {  	[timem:s3], [sflag:s2] =	dma.local @!p0 [hbm:s0], s1  }
0xd3: {  	s0 =	simm.s32 @!p0 $0x5  }
0xd4: {  	_ =	swait.ge @!p0 [sflag:s0], s1  }
0xd5: {  	s1 =	ssub.s32 @!p0 $0x0, s1;
	[sflag:s0] =	ssyncset.done @!p0 $0x0  }
0xd6: {  	[sflag:s0] =	ssyncadd.s32 @!p0 s1  }
0xd7: {  	[bflag:$0x3] =	sbarrier.arrive $0xFFFF  }
0xd8: {  	_ =	shalt  }

// kernel: kernel.7.cloned.1.call-start
scs
__scs_entry_jumppad:
0x0: {  	(pc) =	sbr.rel $0x88, $3  }
0x1: {  	(tag) =	ssettag $0x0;
	lr =	simm.s32 $0x1  }
0x2: {  	[smem:$0x3F8A] =	sst lr;
	_ =	strace $0xD0000000  }
0x3: {  	_ = 	snop  }
0x4: {  	_ = 	snop  }
0x5: {  	_ = 	snop  }
0x6: {  	_ = 	snop  }
0x7: {  	_ = 	snop  }
__scs_overlays_trampoline_lowered:
0x8: {  	[smem:$0x3F99] =	sst s0  }
0x9: {  	[smem:$0x3F9A] =	sst s1  }
0xa: {  	[smem:$0x3F9B] =	sst s2  }
0xb: {  	[smem:$0x3F9C] =	sst s3  }
0xc: {  	[smem:$0x3F9D] =	sst s4  }
0xd: {  	[smem:$0x3F9E] =	sst s5  }
0xe: {  	[smem:$0x3F9F] =	sst s6  }
0xf: {  	[smem:$0x3FA0] =	sst s7  }
0x10: {  	[smem:$0x3FA1] =	sst s8  }
0x11: {  	[smem:$0x3FA2] =	sst s9;
	s0 =	simm.s32 @!p0 $0x0  }
0x12: {  	s1 =	sld [smem:$0x3F88];
	s0 =	simm.s32 @p0 $0x1  }
0x13: {  	[smem:$0x3FA3] =	sst s0;
	s0 =	simm.s32 @!p1 $0x0  }
0x14: {  	s2 =	sld [smem:$0x3F87];
	s0 =	simm.s32 @p1 $0x1  }
0x15: {  	[smem:$0x3FA4] =	sst s0;
	s0 =	simm.s32 @!p2 $0x0  }
0x16: {  	s3 =	sld [smem:$0x3FDB];
	s0 =	simm.s32 @p2 $0x1  }
0x17: {  	s4 =	simm.s32 $0x1BF5;
	[smem:$0x3FA6] =	sst s0  }
0x18: {  	s0 =	sld [smem:$0x3F89];
	_ =	swait.ge [sflag:s4], $0x0  }
0x19: {  	s7 =	sld [smem:$0x3F8A]  }
0x1a: {  	s8 =	sadd.s32 $0xFFFFE003, lr  }
0x1b: {  	s9 =	sadd.s32 $0xFFFFFEF7, lr;
	s5 =	simm.s32 $0xFFFFFFFF;
	p2 =	slt.u32 s8, $0xFFFFF086  }
0x1c: {  	p1 =	slt.u32 s9, $0xF7A;
	s5 =	simm.s32 @!p2 $0x0  }
0x1d: {  	s5 =	simm.s32 @p1 $0x1;
	p0 =	seq.s32 s7, s2  }
0x1e: {  	s7 =	smul.u32 @!p0 $0xF7A, s2;
	p2 =	seq.s32 @!p0 s5, $0x0  }
0x1f: {  	s9 =	smul.u32 $0xF7A, s1;
	s8 =	simm.s32 @!p0 $0x1BF5;
	p2 =	por !p2, p0  }
0x20: {  	[sflag:s8] =	ssyncset.s32 @!p0 $0xFFFFF086;
	s6 =	sadd.s32 @!p0 s3, s7;
	s7 =	simm.s32 @!p0 $0x108  }
0x21: {  	s3 =	sadd.s32 s3, s9;
	s6 =	sadd.s32 @!p0 $0x88, s6;
	s7 =	simm.s32 @p2 $0x1082  }
0x22: {  	[simem:s7], [sflag:s8] =	dma.local @!p0 [hbm:s6], $0xF7A  }
0x23: {  	s9 =	sor.u32 $0xD0000000, s2;
	s6 =	simm.s32 $0x108;
	_ =	swait.ge @!p0 [sflag:s8], $0x0  }
0x24: {  	s3 =	sadd.s32 $0x88, s3;
	s6 =	simm.s32 @!p1 $0x1082;
	[sflag:s4] =	ssyncset.s32 $0xFFFFF086  }
0x25: {  	[simem:s6], [sflag:s4] =	dma.local [hbm:s3], $0xF7A  }
0x26: {  	[smem:$0x3F8A] =	sst s1;
	(tag) =	ssettag s2;
	_ =	strace s9  }
0x27: {  	s1 =	sld [smem:$0x3F9A]  }
0x28: {  	s2 =	sld [smem:$0x3F9B]  }
0x29: {  	s4 =	sld [smem:$0x3F9D]  }
0x2a: {  	p0 =	seq.s32 s5, $0x0;
	s5 =	sld [smem:$0x3F9E]  }
0x2b: {  	s6 =	sld [smem:$0x3F9F]  }
0x2c: {  	s7 =	sld [smem:$0x3FA0]  }
0x2d: {  	s3 =	simm.s32 $0x108;
	s8 =	sld [smem:$0x3FA1]  }
0x2e: {  	s3 =	simm.s32 @!p0 $0x1082;
	s9 =	sld [smem:$0x3FA2]  }
0x2f: {  	lr =	sadd.s32 s0, s3;
	s0 =	sld [smem:$0x3F99]  }
0x30: {  	s3 =	sld [smem:$0x3F9C]  }
0x31: {  	[smem:$0x3FA5] =	sst s10  }
0x32: {  	s10 =	sld [smem:$0x3FA3];
	_ =	sdelay $0x3  }
0x33: {  	p0 =	seq.s32 s10, $0x1;
	s10 =	sld [smem:$0x3FA5];
	_ =	sdelay $0x3  }
0x34: {  	[smem:$0x3FA5] =	sst s10  }
0x35: {  	s10 =	sld [smem:$0x3FA4];
	_ =	sdelay $0x3  }
0x36: {  	p1 =	seq.s32 s10, $0x1;
	s10 =	sld [smem:$0x3FA5];
	_ =	sdelay $0x3  }
0x37: {  	[smem:$0x3FA5] =	sst s10  }
0x38: {  	s10 =	sld [smem:$0x3FA6]  }
0x39: {  	_ = 	snop;
	(pc) =	sbr.ind lr, $3  }
0x3a: {  	_ = 	snop  }
0x3b: {  	_ = 	snop  }
0x3c: {  	p2 =	seq.s32 s10, $0x1;
	s10 =	sld [smem:$0x3FA5]  }
0x3d: {  	_ =	shalt  }
0x3e: {  	_ =	shalt  }
0x3f: {  	_ =	shalt  }
0x40: {  	_ =	shalt  }
0x41: {  	_ =	shalt  }
0x42: {  	_ =	shalt  }
0x43: {  	_ =	shalt  }
0x44: {  	_ =	shalt  }
0x45: {  	_ =	shalt  }
0x46: {  	_ =	shalt  }
0x47: {  	_ =	shalt  }
0x48: {  	_ =	shalt  }
0x49: {  	_ =	shalt  }
0x4a: {  	_ =	shalt  }
0x4b: {  	_ =	shalt  }
0x4c: {  	_ =	shalt  }
0x4d: {  	_ =	shalt  }
0x4e: {  	_ =	shalt  }
0x4f: {  	_ =	shalt  }
0x50: {  	_ =	shalt  }
0x51: {  	_ =	shalt  }
0x52: {  	_ =	shalt  }
0x53: {  	_ =	shalt  }
0x54: {  	_ =	shalt  }
0x55: {  	_ =	shalt  }
0x56: {  	_ =	shalt  }
0x57: {  	_ =	shalt  }
0x58: {  	_ =	shalt  }
0x59: {  	_ =	shalt  }
0x5a: {  	_ =	shalt  }
0x5b: {  	_ =	shalt  }
0x5c: {  	_ =	shalt  }
0x5d: {  	_ =	shalt  }
0x5e: {  	_ =	shalt  }
0x5f: {  	_ =	shalt  }
0x60: {  	_ =	shalt  }
0x61: {  	_ =	shalt  }
0x62: {  	_ =	shalt  }
0x63: {  	_ =	shalt  }
0x64: {  	_ =	shalt  }
0x65: {  	_ =	shalt  }
0x66: {  	_ =	shalt  }
0x67: {  	_ =	shalt  }
0x68: {  	_ =	shalt  }
0x69: {  	_ =	shalt  }
0x6a: {  	_ =	shalt  }
0x6b: {  	_ =	shalt  }
0x6c: {  	_ =	shalt  }
0x6d: {  	_ =	shalt  }
0x6e: {  	_ =	shalt  }
0x6f: {  	_ =	shalt  }
0x70: {  	_ =	shalt  }
0x71: {  	_ =	shalt  }
0x72: {  	_ =	shalt  }
0x73: {  	_ =	shalt  }
0x74: {  	_ =	shalt  }
0x75: {  	_ =	shalt  }
0x76: {  	_ =	shalt  }
0x77: {  	_ =	shalt  }
0x78: {  	_ =	shalt  }
0x79: {  	_ =	shalt  }
0x7a: {  	_ =	shalt  }
0x7b: {  	_ =	shalt  }
0x7c: {  	_ =	shalt  }
0x7d: {  	_ =	shalt  }
0x7e: {  	_ =	shalt  }
0x7f: {  	_ =	shalt  }
0x80: {  	_ =	shalt  }
0x81: {  	_ =	shalt  }
0x82: {  	_ =	shalt  }
0x83: {  	_ =	shalt  }
0x84: {  	_ =	shalt  }
0x85: {  	_ =	shalt  }
0x86: {  	_ =	shalt  }
0x87: {  	_ =	shalt  }
.Lfunc_end0:
.L_simem_size_0:
called_computation_lowered:
.L_overlay_start_0:
0x88: {  	s2 =	sld [smem:$0x3FD9]  }
0x89: {  	s3 =	sld [smem:$0x3FFE];
	_ =	sdelay $0x1  }
0x8a: {  	s1 =	srdreg.scid  }
0x8b: {  	s0 =	sand.u32 $0x1, s1  }
0x8c: {  	s17 =	sshll.u32 s0, $0xA;
	s2 =	sadd.s32 s3, s2  }
0x8d: {  	s2 =	sadd.s32 s2, s17  }
0x8e: {  	[smem:$0x3FB1] =	sst s2  }
0x8f: {  	_ = 	snop  }
0x90: {  	s2 =	sld [smem:$0x3FD0];
	(tm) =	ssettm $0x1  }
0x91: {  	s18 =	sld [smem:$0x3FFB];
	_ =	sdelay $0x3  }
0x92: {  	_ =	strace s18  }
0x93: {  	s3 =	sld [smem:$0x3FFC];
	_ =	sdelay $0x3  }
0x94: {  	_ =	strace s3  }
0x95: {  	s3 =	sld [smem:$0x3FFD];
	_ =	sdelay $0x3  }
0x96: {  	_ =	strace s3  }
0x97: {  	_ =	strace $0x8FFFFFFF  }
0x98: {  	s19 =	sld [smem:$0x3FDB];
	_ =	sdelay $0x1  }
0x99: {  	s4 =	simm.s32 $_scs_section_size  }
0x9a: {  	s5 =	simm.s32 $_size__tile_overlayer_lowered;
	s6 =	simm.s32 $_tile_overlayer_lowered  }
0x9b: {  	s22 =	simm.s32 $0x1BFF;
	s21 =	sshll.u32 s6, $0x1;
	s3 =	sadd.s32 s4, s19  }
0x9c: {  	s7 =	simm.s32 $0x0;
	s20 =	sshll.u32 s5, $0x1;
	s5 =	sadd.s32 s21, s3  }
0x9d: {  	[timem:s7], [sflag:s22] =	dma.local [hbm:s5], s20  }
0x9e: {  	_ =	swait.ge [sflag:s22], s20  }
0x9f: {  	s4 =	ssub.s32 $0x0, s20;
	[sflag:s22] =	ssyncset.done $0x0  }
0xa0: {  	[sflag:s22] =	ssyncadd.s32 s4;
	_ =	sdelay $0x1  }
0xa1: {  	s23 =	simm.s32 $0x1B8B  }
0xa2: {  	_ =	swait.ge [sflag:s23], $0x1  }
0xa3: {  	[sflag:s23] =	ssyncset.done $0x0  }
0xa4: {  	s25 =	simm.s32 $0x1B8E;
	s24 =	sld [smem:$0x3FFE];
	[sflag:s23] =	ssyncadd.s32 $0xFFFFFFFF  }
0xa5: {  	s26 =	simm.s32 $execute0_lowered;
	[smem:$0x3FD2] =	sst s25  }
0xa6: {  	s5 =	sshll.u32 s26, $0x1;
	_ =	strace $0x80000046;
	[dreg:$0x1] =	wrdreg $0xFFFFFFFF  }
0xa7: {  	s28 =	simm.s32 $_size_execute0_lowered;
	s3 =	sadd.s32 s3, s5;
	[dreg:$0x0] =	wrdreg $0x0  }
0xa8: {  	s5 =	sshll.u32 s28, $0x1;
	[dreg:$0x2] =	wrdreg s3  }
0xa9: {  	[dreg:$0x3] =	wrdreg s5  }
0xaa: {  	[dreg:$0x4] =	wrdreg $0xC0  }
0xab: {  	_ =	task [dreg:s7], $0x5FFFF  }
0xac: {  	[dreg:$0x1] =	wrdreg $0xFFFFFFFF  }
0xad: {  	[dreg:$0x0] =	wrdreg $0x60  }
0xae: {  	[dreg:$0x2] =	wrdreg s24  }
0xaf: {  	[dreg:$0x3] =	wrdreg s2  }
0xb0: {  	[dreg:$0x4] =	wrdreg $0x42E00  }
0xb1: {  	[dreg:$0x5] =	wrdreg $0x9  }
0xb2: {  	_ =	task.clear_ibuf [dreg:s7], $0x6FFFF;
	_ =	strace $0x90000046  }
0xb3: {  	s29 =	simm.s32 $0x9;
	_ =	strace $0x80000048  }
0xb4: {  	_ =	swait.ge [sflag:s29], $0x1  }
0xb5: {  	[sflag:s29] =	ssyncadd.s32 $0xFFFFFFFF  }
0xb6: {  	_ =	strace $0x90000048  }
0xb7: {  	_ =	sfence  }
0xb8: {  	s30 =	sld [smem:$0x0];
	_ =	sdelay $0x2  }
0xb9: {  	s31 =	sshll.u32 s1, $0xD;
	s1 =	sshrl.u32 s1, $0x2  }
0xba: {  	s3 =	sand.u32 $0x4000, s31;
	s1 =	sadd.s32 s1, s30  }
0xbb: {  	s0 =	sor.u32 s3, s0;
	s1 =	sshll.u32 s1, $0x11  }
0xbc: {  	s0 =	sor.u32 s1, s0  }
0xbd: {  	s0 =	sadd.s32 $0x8F2B, s0  }
0xbe: {  	[sflag:s0] =	ssyncadd.remote.s32 $0x1  }
0xbf: {  	_ =	sfence.sel $0xFFFF  }
0xc0: {  	[dreg:$0x0] =	wrdreg $0xFFFFFFFF;
	(pc) =	sbr.abs _section_cstart, $3  }
0xc1: {  	[dreg:$0x1] =	wrdreg $0xFFFFFFFF  }
0xc2: {  	_ =	task.clear_ibuf [dreg:s7], $0x2FFFF;
	_ =	strace $0x9FFFFFFF  }
0xc3: {  	(tm) =	ssettm $0x7FFFFFFF  }
tec
execute0_lowered:
.L_overlay_start_1:
0x0: {  	(tag) =	ssettag $0x1  }
0x1: {  	s0 =	rddreg [dreg:$0x0]  }
0x2: {  	s2 =	rddreg [dreg:$0x2];
	s13 =	stileid.u32  }
0x3: {  	s1 =	srdreg.scid;
	s4 =	simm.s32 $0x0;
	s5 =	smul.u32 $0xC3800, s13  }
0x4: {  	s15 =	simm.s32 $0x5;
	s28 =	simm.s32 $0x1B70;
	s10 =	smul.u32 $0x61C00, s13  }
0x5: {  	s29 =	simm.s32 $0x3;
	s30 =	simm.s32 $0x4;
	s12 =	smul.u32 $0x320, s13  }
0x6: {  	s31 =	simm.s32 $0x280;
	s1 =	sand.u32 $0x1, s1;
	s22 =	smul.u32 $0x186A00, s13  }
0x7: {  	[smem:$0x7FF] =	sst s4;
	s7 =	sadd.s32 $0x313DE00, s0;
	s3 =	smul.u32 $0xC38000, s1  }
0x8: {  	s6 =	sshll.u32 s13, $0x1;
	s8 =	sadd.s32 $0x30D9E00, s0;
	s20 =	smul.u32 $0x190, s1  }
0x9: {  	s6 =	sor.u32 s1, s6;
	s9 =	ssub.s32 $0x2, s1;
	s1 =	smul.u32 $0xC3500, s1  }
0xa: {  	s19 =	sshll.u32 s13, $0x6;
	_ =	strace $0x80000047;
	s16 =	smul.u32 $0x190, s6  }
0xb: {  	s14 =	sor.u32 $0x1C05, s19;
	s19 =	simm.s32 $0x200;
	s11 =	smul.u32 $0x1900, s6  }
0xc: {  	s17 =	sshrl.u32 s9, $0x1;
	s18 =	sshrl.u32 s10, $0x2;
	s6 =	smul.u32 $0xC3500, s6  }
0xd: {  	s24 =	sadd.s32 s22, s7;
	s22 =	simm.s32 $0x2;
	[dreg:$0x5] =	wrdreg s14  }
0xe: {  	s3 =	sadd.s32 s5, s3;
	s10 =	sadd.s32 s20, s12;
	s25 =	sadd.s32 s1, s24  }
0xf: {  	s20 =	simm.s32 $0x2370;
	s24 =	simm.s32 $0x100;
	s1 =	simm.s32 $0x3310  }
0x10: {  	s3 =	sshrl.u32 s3, $0x3;
	s5 =	sor.u32 $0x4, s16;
	s11 =	sadd.s32 s8, s11  }
0x11: {  	s6 =	sadd.s32 s7, s6;
	s23 =	sshll.u32 s10, $0x4;
	s16 =	simm.s32 $0x10  }
0x12: {  	s0 =	sadd.s32 s3, s0;
	s3 =	ssub.s32 s9, s17;
	[dreg:$0x6] =	wrdreg s11  }
0x13: {  	s9 =	sadd.s32 s18, s2;
	[dreg:$0x7] =	wrdreg s6;
	s21 =	smul.u32 $0x7D0, s5  }
0x14: {  	s5 =	sshll.u32 s5, $0x4;
	s11 =	sadd.s32 $0x5DC0, s25;
	s17 =	simm.s32 $0x80  }
0x15: {  	s18 =	simm.s32 $0x400;
	s25 =	simm.s32 $0x13A0;
	s5 =	sadd.s32 s8, s5  }
0x16: {  	s0 =	sadd.s32 $0x49A7E00, s0;
	s3 =	smax.u32 s3, $0x1;
	[dreg:$0x8] =	wrdreg s5  }
0x17: {  	s9 =	sshrl.u32 s9, $0x3;
	s6 =	sadd.s32 s7, s21;
	[dreg:$0xa] =	wrdreg s0  }
0x18: {  	s5 =	sadd.s32 s23, s8;
	[dreg:$0xb] =	wrdreg s3;
	s21 =	simm.s32 $0x1  }
0x19: {  	s23 =	simm.s32 $0xBD0;
	s0 =	simm.s32 $0x2B40;
	s3 =	simm.s32 $0x300  }
0x1a: {  	s7 =	simm.s32 $0x3AE0;
	s8 =	simm.s32 $0x0;
	[dreg:$0xc] =	wrdreg s9  }
0x1b: {  	[dreg:$0x9] =	wrdreg s6;
	s26 =	sadd.s32 $0xC0, s5;
	s13 =	sadd.s32 $0x80, s5  }
0x1c: {  	s6 =	simm.s32 $0x380;
	[dreg:$0x4] =	wrdreg s26;
	s26 =	simm.s32 $0x180  }
.LBB2_1:
0x1d: {  	s5 =	rddreg [dreg:$0x1]  }
0x1e: {  	[spmem:s9], [sflag:s14] =	dma.local [hbm:s5], $0x30E0  }
0x1f: {  	_ =	swait.ge [sflag:s15], $0x30E0  }
0x20: {  	[sflag:s15] =	ssyncset.done $0x0  }
0x21: {  	[sflag:s15] =	ssyncadd.s32 $0xFFFFCF20  }
0x22: {  	[bflag:$0x0] =	sbarrier.arrive $0xFFFF  }
0x23: {  	s10 =	rddreg [dreg:$0x6]  }
0x24: {  	[tilespmem:s4], [sflag:$0x1] =	stream.linear.gather [hbm4b:s10+s4], $0x200, $0x38;
	[tilespmem:$0x1C9E0] =	vst v63  }
0x25: {  	s12 =	rddreg [dreg:$0x7]  }
0x26: {  	[tilespmem:s18], [sflag:$0x2] =	stream.strided.gather [hbm4b:s12+s16], $0x1F40, s17, s16, $0x38;
	[tilespmem:$0x1C9E0] =	vst v63  }
0x27: {  	s14 =	rddreg [dreg:$0x8]  }
0x28: {  	[tilespmem:s19], [sflag:$0x3] =	stream.linear.gather [hbm4b:s14+s4], $0x200, $0x38;
	[tilespmem:$0x1C9E0] =	vst v63  }
0x29: {  	s9 =	rddreg [dreg:$0x9]  }
0x2a: {  	[tilespmem:s20], [sflag:$0x4] =	stream.strided.gather [hbm4b:s9+s16], $0x1F40, s17, s16, $0x38;
	[tilespmem:$0x1C9E0] =	vst v63  }
0x2b: {  	_ =	swait.ge [sflag:s21], $0x200  }
0x2c: {  	[sflag:s21] =	ssyncset.done $0x0  }
0x2d: {  	[sflag:s21] =	ssyncadd.s32 $0xFFFFFE00  }
0x2e: {  	_ =	swait.ge [sflag:s22], $0x1F40  }
0x2f: {  	[sflag:s22] =	ssyncset.done $0x0  }
0x30: {  	[sflag:s22] =	ssyncadd.s32 $0xFFFFE0C0  }
0x31: {  	[spmem:s2] =	stream.indirect.scatter.add.f32 [tilespmem:s18], [sflag:$0x5], $0x10, s4, s17, $0xb8;
	[tilespmem:$0x1C9E0] =	vst v63  }
0x32: {  	_ =	swait.ge [sflag:s15], $0x800  }
0x33: {  	[sflag:s15] =	ssyncset.done $0x0  }
0x34: {  	[sflag:s15] =	ssyncadd.s32 $0xFFFFF800  }
0x35: {  	[spmem:s2] =	stream.indirect.scatter.add.f32 [tilespmem:s23], [sflag:$0x5], $0x10, s17, s17, $0xb8;
	[tilespmem:$0x1C9E0] =	vst v63  }
0x36: {  	_ =	swait.ge [sflag:s15], $0x800  }
0x37: {  	[sflag:s15] =	ssyncset.done $0x0  }
0x38: {  	[sflag:s15] =	ssyncadd.s32 $0xFFFFF800  }
0x39: {  	[spmem:s2] =	stream.indirect.scatter.add.f32 [tilespmem:s25], [sflag:$0x5], $0x10, s24, s17, $0xb8;
	[tilespmem:$0x1C9E0] =	vst v63  }
0x3a: {  	_ =	swait.ge [sflag:s15], $0x800  }
0x3b: {  	[sflag:s15] =	ssyncset.done $0x0  }
0x3c: {  	[sflag:s15] =	ssyncadd.s32 $0xFFFFF800  }
0x3d: {  	[spmem:s2] =	stream.indirect.scatter.add.f32 [tilespmem:s28], [sflag:$0x5], $0x10, s26, s17, $0xb8;
	[tilespmem:$0x1C9E0] =	vst v63  }
0x3e: {  	_ =	swait.ge [sflag:s15], $0x800  }
0x3f: {  	[sflag:s15] =	ssyncset.done $0x0  }
0x40: {  	s10 =	sadd.s32 $0x0, s13;
	[sflag:s15] =	ssyncadd.s32 $0xFFFFF800  }
0x41: {  	[tilespmem:s4], [sflag:$0x1] =	stream.linear.gather [hbm4b:s10+s4], $0x200, $0x38;
	[tilespmem:$0x1C9E0] =	vst v63  }
0x42: {  	s12 =	sadd.s32 $0xFFFFE0C0, s11  }
0x43: {  	[tilespmem:s18], [sflag:$0x2] =	stream.strided.gather [hbm4b:s12+s16], $0x1F40, s17, s16, $0x38;
	[tilespmem:$0x1C9E0] =	vst v63  }
0x44: {  	_ =	swait.ge [sflag:s29], $0x200  }
0x45: {  	[sflag:s29] =	ssyncset.done $0x0  }
0x46: {  	[sflag:s29] =	ssyncadd.s32 $0xFFFFFE00  }
0x47: {  	_ =	swait.ge [sflag:s30], $0x1F40  }
0x48: {  	[sflag:s30] =	ssyncset.done $0x0  }
0x49: {  	[sflag:s30] =	ssyncadd.s32 $0xFFFFE0C0  }
0x4a: {  	[spmem:s2] =	stream.indirect.scatter.add.f32 [tilespmem:s20], [sflag:$0x5], $0x10, s19, s17, $0xb8;
	[tilespmem:$0x1C9E0] =	vst v63  }
0x4b: {  	_ =	swait.ge [sflag:s15], $0x800  }
0x4c: {  	[sflag:s15] =	ssyncset.done $0x0  }
0x4d: {  	[sflag:s15] =	ssyncadd.s32 $0xFFFFF800  }
0x4e: {  	[spmem:s2] =	stream.indirect.scatter.add.f32 [tilespmem:s0], [sflag:$0x5], $0x10, s31, s17, $0xb8;
	[tilespmem:$0x1C9E0] =	vst v63  }
0x4f: {  	_ =	swait.ge [sflag:s15], $0x800  }
0x50: {  	[sflag:s15] =	ssyncset.done $0x0  }
0x51: {  	[sflag:s15] =	ssyncadd.s32 $0xFFFFF800  }
0x52: {  	[spmem:s2] =	stream.indirect.scatter.add.f32 [tilespmem:s1], [sflag:$0x5], $0x10, s3, s17, $0xb8;
	[tilespmem:$0x1C9E0] =	vst v63  }
0x53: {  	_ =	swait.ge [sflag:s15], $0x800  }
0x54: {  	[sflag:s15] =	ssyncset.done $0x0  }
0x55: {  	[sflag:s15] =	ssyncadd.s32 $0xFFFFF800  }
0x56: {  	[spmem:s2] =	stream.indirect.scatter.add.f32 [tilespmem:s7], [sflag:$0x5], $0x10, s6, s17, $0xb8;
	[tilespmem:$0x1C9E0] =	vst v63  }
0x57: {  	s9 =	simm.s32 $0x80;
	_ =	swait.ge [sflag:s15], $0x800  }
0x58: {  	s10 =	sadd.s32 $0x3E80, s11;
	s14 =	rddreg [dreg:$0x4];
	[sflag:s15] =	ssyncset.done $0x0  }
0x59: {  	s12 =	smov.u32 s11;
	[sflag:s15] =	ssyncadd.s32 $0xFFFFF800;
	s5 =	sadd.s32 $0x0, s14  }
0x5a: {  	[tilespmem:s19], [sflag:$0x3] =	stream.linear.gather [hbm4b:s5+s4], $0x200, $0x38;
	[tilespmem:$0x1C9E0] =	vst v63  }
.LBB2_2:
0x5b: {  	[tilespmem:s20], [sflag:$0x4] =	stream.strided.gather [hbm4b:s12+s16], $0x1F40, s17, s16, $0x38;
	[tilespmem:$0x1C9E0] =	vst v63  }
0x5c: {  	_ =	swait.ge [sflag:s21], $0x200  }
0x5d: {  	[sflag:s21] =	ssyncset.done $0x0  }
0x5e: {  	[sflag:s21] =	ssyncadd.s32 $0xFFFFFE00  }
0x5f: {  	_ =	swait.ge [sflag:s22], $0x1F40  }
0x60: {  	[sflag:s22] =	ssyncset.done $0x0  }
0x61: {  	[sflag:s22] =	ssyncadd.s32 $0xFFFFE0C0  }
0x62: {  	[spmem:s2] =	stream.indirect.scatter.add.f32 [tilespmem:s18], [sflag:$0x5], $0x10, s4, s17, $0xb8;
	[tilespmem:$0x1C9E0] =	vst v63  }
0x63: {  	_ =	swait.ge [sflag:s15], $0x800  }
0x64: {  	[sflag:s15] =	ssyncset.done $0x0  }
0x65: {  	[sflag:s15] =	ssyncadd.s32 $0xFFFFF800  }
0x66: {  	[spmem:s2] =	stream.indirect.scatter.add.f32 [tilespmem:s23], [sflag:$0x5], $0x10, s17, s17, $0xb8;
	[tilespmem:$0x1C9E0] =	vst v63  }
0x67: {  	_ =	swait.ge [sflag:s15], $0x800  }
0x68: {  	[sflag:s15] =	ssyncset.done $0x0  }
0x69: {  	[sflag:s15] =	ssyncadd.s32 $0xFFFFF800  }
0x6a: {  	[spmem:s2] =	stream.indirect.scatter.add.f32 [tilespmem:s25], [sflag:$0x5], $0x10, s24, s17, $0xb8;
	[tilespmem:$0x1C9E0] =	vst v63  }
0x6b: {  	_ =	swait.ge [sflag:s15], $0x800  }
0x6c: {  	[sflag:s15] =	ssyncset.done $0x0  }
0x6d: {  	[sflag:s15] =	ssyncadd.s32 $0xFFFFF800  }
0x6e: {  	[spmem:s2] =	stream.indirect.scatter.add.f32 [tilespmem:s28], [sflag:$0x5], $0x10, s26, s17, $0xb8;
	[tilespmem:$0x1C9E0] =	vst v63  }
0x6f: {  	_ =	swait.ge [sflag:s15], $0x800  }
0x70: {  	s5 =	smov.u32 s9;
	[sflag:s15] =	ssyncset.done $0x0  }
0x71: {  	s14 =	sadd.s32 s5, s13;
	[sflag:s15] =	ssyncadd.s32 $0xFFFFF800  }
0x72: {  	[tilespmem:s4], [sflag:$0x1] =	stream.linear.gather [hbm4b:s14+s4], $0x200, $0x38;
	[tilespmem:$0x1C9E0] =	vst v63  }
0x73: {  	s14 =	sadd.s32 $0xFFFFE0C0, s10  }
0x74: {  	[tilespmem:s18], [sflag:$0x2] =	stream.strided.gather [hbm4b:s14+s16], $0x1F40, s17, s16, $0x38;
	[tilespmem:$0x1C9E0] =	vst v63  }
0x75: {  	_ =	swait.ge [sflag:s29], $0x200  }
0x76: {  	[sflag:s29] =	ssyncset.done $0x0  }
0x77: {  	[sflag:s29] =	ssyncadd.s32 $0xFFFFFE00  }
0x78: {  	_ =	swait.ge [sflag:s30], $0x1F40  }
0x79: {  	[sflag:s30] =	ssyncset.done $0x0  }
0x7a: {  	[sflag:s30] =	ssyncadd.s32 $0xFFFFE0C0  }
0x7b: {  	[spmem:s2] =	stream.indirect.scatter.add.f32 [tilespmem:s20], [sflag:$0x5], $0x10, s19, s17, $0xb8;
	[tilespmem:$0x1C9E0] =	vst v63  }
0x7c: {  	_ =	swait.ge [sflag:s15], $0x800  }
0x7d: {  	[sflag:s15] =	ssyncset.done $0x0  }
0x7e: {  	[sflag:s15] =	ssyncadd.s32 $0xFFFFF800  }
0x7f: {  	[spmem:s2] =	stream.indirect.scatter.add.f32 [tilespmem:s0], [sflag:$0x5], $0x10, s31, s17, $0xb8;
	[tilespmem:$0x1C9E0] =	vst v63  }
0x80: {  	_ =	swait.ge [sflag:s15], $0x800  }
0x81: {  	[sflag:s15] =	ssyncset.done $0x0  }
0x82: {  	[sflag:s15] =	ssyncadd.s32 $0xFFFFF800  }
0x83: {  	[spmem:s2] =	stream.indirect.scatter.add.f32 [tilespmem:s1], [sflag:$0x5], $0x10, s3, s17, $0xb8;
	[tilespmem:$0x1C9E0] =	vst v63  }
0x84: {  	_ =	swait.ge [sflag:s15], $0x800  }
0x85: {  	[sflag:s15] =	ssyncset.done $0x0  }
0x86: {  	p0 =	sne.s32 s9, $0x1800;
	[sflag:s15] =	ssyncadd.s32 $0xFFFFF800  }
0x87: {  	[spmem:s2] =	stream.indirect.scatter.add.f32 [tilespmem:s7], [sflag:$0x5], $0x10, s6, s17, $0xb8;
	[tilespmem:$0x1C9E0] =	vst v63  }
.Ltmp0:
0x88: {  	_ = 	snop;
	(pc) =	sbr.rel @p0 .LBB2_2-.Ltmp0, $4  }
0x89: {  	s12 =	smov.u32 s10;
	_ =	swait.ge [sflag:s15], $0x800  }
0x8a: {  	s9 =	sadd.s32 $0x80, s9;
	s14 =	rddreg [dreg:$0x4];
	[sflag:s15] =	ssyncset.done $0x0  }
0x8b: {  	s10 =	sadd.s32 $0x3E80, s10;
	[sflag:s15] =	ssyncadd.s32 $0xFFFFF800;
	s5 =	sadd.s32 s5, s14  }
0x8c: {  	[tilespmem:s19], [sflag:$0x3] =	stream.linear.gather [hbm4b:s5+s4], $0x200, $0x38;
	[tilespmem:$0x1C9E0] =	vst v63  }
0x8d: {  	[tilespmem:s20], [sflag:$0x4] =	stream.strided.gather [hbm4b:s12+s16], $0x1F40, s17, s16, $0x38;
	[tilespmem:$0x1C9E0] =	vst v63  }
0x8e: {  	_ =	swait.ge [sflag:s21], $0x200  }
0x8f: {  	[sflag:s21] =	ssyncset.done $0x0  }
0x90: {  	[sflag:s21] =	ssyncadd.s32 $0xFFFFFE00  }
0x91: {  	_ =	swait.ge [sflag:s22], $0x1F40  }
0x92: {  	[sflag:s22] =	ssyncset.done $0x0  }
0x93: {  	[sflag:s22] =	ssyncadd.s32 $0xFFFFE0C0  }
0x94: {  	[spmem:s2] =	stream.indirect.scatter.add.f32 [tilespmem:s18], [sflag:$0x5], $0x10, s4, s17, $0xb8;
	[tilespmem:$0x1C9E0] =	vst v63  }
0x95: {  	_ =	swait.ge [sflag:s15], $0x800  }
0x96: {  	[sflag:s15] =	ssyncset.done $0x0  }
0x97: {  	[sflag:s15] =	ssyncadd.s32 $0xFFFFF800  }
0x98: {  	[spmem:s2] =	stream.indirect.scatter.add.f32 [tilespmem:s23], [sflag:$0x5], $0x10, s17, s17, $0xb8;
	[tilespmem:$0x1C9E0] =	vst v63  }
0x99: {  	_ =	swait.ge [sflag:s15], $0x800  }
0x9a: {  	[sflag:s15] =	ssyncset.done $0x0  }
0x9b: {  	[sflag:s15] =	ssyncadd.s32 $0xFFFFF800  }
0x9c: {  	[spmem:s2] =	stream.indirect.scatter.add.f32 [tilespmem:s25], [sflag:$0x5], $0x10, s24, s17, $0xb8;
	[tilespmem:$0x1C9E0] =	vst v63  }
0x9d: {  	_ =	swait.ge [sflag:s15], $0x800  }
0x9e: {  	[sflag:s15] =	ssyncset.done $0x0  }
0x9f: {  	[sflag:s15] =	ssyncadd.s32 $0xFFFFF800  }
0xa0: {  	[spmem:s2] =	stream.indirect.scatter.add.f32 [tilespmem:s28], [sflag:$0x5], $0x10, s26, s17, $0xb8;
	[tilespmem:$0x1C9E0] =	vst v63  }
0xa1: {  	_ =	swait.ge [sflag:s15], $0x800  }
0xa2: {  	[sflag:s15] =	ssyncset.done $0x0  }
0xa3: {  	[sflag:s15] =	ssyncadd.s32 $0xFFFFF800  }
0xa4: {  	_ =	swait.ge [sflag:s29], $0x200  }
0xa5: {  	[sflag:s29] =	ssyncset.done $0x0  }
0xa6: {  	[sflag:s29] =	ssyncadd.s32 $0xFFFFFE00  }
0xa7: {  	_ =	swait.ge [sflag:s30], $0x1F40  }
0xa8: {  	[sflag:s30] =	ssyncset.done $0x0  }
0xa9: {  	[sflag:s30] =	ssyncadd.s32 $0xFFFFE0C0  }
0xaa: {  	[spmem:s2] =	stream.indirect.scatter.add.f32 [tilespmem:s20], [sflag:$0x5], $0x10, s19, s17, $0xb8;
	[tilespmem:$0x1C9E0] =	vst v63  }
0xab: {  	_ =	swait.ge [sflag:s15], $0x800  }
0xac: {  	[sflag:s15] =	ssyncset.done $0x0  }
0xad: {  	[sflag:s15] =	ssyncadd.s32 $0xFFFFF800  }
0xae: {  	[spmem:s2] =	stream.indirect.scatter.add.f32 [tilespmem:s0], [sflag:$0x5], $0x10, s31, s17, $0xb8;
	[tilespmem:$0x1C9E0] =	vst v63  }
0xaf: {  	_ =	swait.ge [sflag:s15], $0x800  }
0xb0: {  	[sflag:s15] =	ssyncset.done $0x0  }
0xb1: {  	[sflag:s15] =	ssyncadd.s32 $0xFFFFF800  }
0xb2: {  	[spmem:s2] =	stream.indirect.scatter.add.f32 [tilespmem:s1], [sflag:$0x5], $0x10, s3, s17, $0xb8;
	[tilespmem:$0x1C9E0] =	vst v63  }
0xb3: {  	_ =	swait.ge [sflag:s15], $0x800  }
0xb4: {  	[sflag:s15] =	ssyncset.done $0x0  }
0xb5: {  	[sflag:s15] =	ssyncadd.s32 $0xFFFFF800  }
0xb6: {  	[spmem:s2] =	stream.indirect.scatter.add.f32 [tilespmem:s7], [sflag:$0x5], $0x10, s6, s17, $0xb8;
	[tilespmem:$0x1C9E0] =	vst v63  }
0xb7: {  	_ =	swait.ge [sflag:s15], $0x800  }
0xb8: {  	[sflag:s15] =	ssyncset.done $0x0  }
0xb9: {  	[sflag:s15] =	ssyncadd.s32 $0xFFFFF800  }
0xba: {  	[bflag:$0x0] =	sbarrier.arrive $0xFFFF  }
0xbb: {  	s14 =	rddreg [dreg:$0x5]  }
0xbc: {  	s5 =	rddreg [dreg:$0xa]  }
0xbd: {  	s9 =	rddreg [dreg:$0xc]  }
0xbe: {  	[hbm:s5@s16], [sflag:s14] =	dma.strided [spmem:s9@s22], $0x30E0, s21, $0x2   }
0xbf: {  	_ =	swait.ge [sflag:s15], $0x30E0  }
0xc0: {  	s8 =	sadd.s32 $0x1, s8;
	s12 =	rddreg [dreg:$0xb]  }
0xc1: {  	p0 =	sne.s32 s8, s12  }
.Ltmp1:
0xc2: {  	_ = 	snop;
	(pc) =	sbr.rel @p0 .LBB2_1-.Ltmp1, $3  }
0xc3: {  	_ =	sdelay $0x1  }
0xc4: {  	[sflag:s15] =	ssyncset.done $0x0  }
0xc5: {  	[sflag:s15] =	ssyncadd.s32 $0xFFFFCF20  }
0xc6: {  	_ =	sfence.sel $0x180000  }
0xc7: {  	[bflag:$0x0] =	sbarrier.arrive $0xFFFF  }
0xc8: {  	_ =	strace $0x90000047  }
0xc9: {  	s0 =	stileid.u32;
	[bflag:$0x2] =	sbarrier.arrive $0xFFFF  }
0xca: {  	p0 =	sne.s32 s0, $0x0;
	s0 =	rddreg [dreg:$0x3]  }
0xcb: {  	s0 =	sadd.s32 @!p0 $0x100000, s0  }
0xcc: {  	[sflag:s0] =	ssyncadd.tile.s32 @!p0 $0x1;
	_ =	shalt  }
.Lfunc_end2:
_tile_overlayer_lowered:
.L_overlay_start_2:
0xcd: {  	(tag) =	ssettag $0x2  }
0xce: {  	s0 =	rddreg [dreg:$0x0];
	s2 =	stileid.u32  }
0xcf: {  	s1 =	rddreg [dreg:$0x1];
	p0 =	sne.s32 s2, $0x0  }
0xd0: {  	s3 =	rddreg [dreg:$0x2];
	[bflag:$0x3] =	sbarrier.arrive $0xFFFF;
	s2 =	simm.s32 @!p0 $0x1C05  }
0xd1: {  	[timem:s3], [sflag:s2] =	dma.local @!p0 [hbm:s0], s1  }
0xd2: {  	s0 =	simm.s32 @!p0 $0x5  }
0xd3: {  	_ =	swait.ge @!p0 [sflag:s0], s1  }
0xd4: {  	s1 =	ssub.s32 @!p0 $0x0, s1;
	[sflag:s0] =	ssyncset.done @!p0 $0x0  }
0xd5: {  	[sflag:s0] =	ssyncadd.s32 @!p0 s1  }
0xd6: {  	[bflag:$0x3] =	sbarrier.arrive $0xFFFF  }
0xd7: {  	_ =	shalt  }

</sc_bundles>
